<compile_context>
chip_gen: v7x
topology: tpu7x:2x2x1
jax: 0.10.2.dev20260603
libtpu: 0.0.44.dev20260713+nightly
codegen_flags: <defaults>
</compile_context>

<pallas_src>
import functools

import jax
import jax.numpy as jnp
from jax import lax
from jax.experimental import pallas as pl
from jax.experimental.pallas import tpu as pltpu
from jax.experimental.pallas import tpu_sc as plsc

_LATENT_DIM = 256
_CODE_SIZE = 1024
_BETA = 0.25

_TM = 3072
_K = 3

_NC = 2
_NS = 16
_NL = 16
_NW = _NC * _NS
_CHUNK = 96


_H = 12


def _tc_body(x_ref, cb_ref, idx_ref, loss_ref, cn_ref, *, n_total):
    i = pl.program_id(0)
    cb = cb_ref[...]
    iota_f = lax.broadcasted_iota(jnp.int32, (1, _CODE_SIZE), 1).astype(
        jnp.float32)
    hm = _TM // _H
    part = jnp.zeros((), jnp.float32)
    for h in range(_H):
        x = x_ref[pl.ds(h * hm, hm), :]
        scores = lax.dot_general(
            x, cb, (((1,), (1,)), ((), ())),
            preferred_element_type=jnp.float32,
            precision=lax.Precision.DEFAULT,
        )
        minval = jnp.min(scores, axis=1, keepdims=True)
        idxf = jnp.min(jnp.where(scores == minval, iota_f,
                                 float(_CODE_SIZE)), axis=1)
        idx_ref[pl.ds(h * hm, hm)] = idxf.astype(jnp.int32)
        part = part + (jnp.sum(x * x) - 2.0 * jnp.sum(minval))

    @pl.when(i == 0)
    def _cn():
        cn_ref[...] = lax.dot_general(
            jnp.ones((1, cb.shape[1]), jnp.float32), cb * cb,
            (((1,), (1,)), ((), ())),
            preferred_element_type=jnp.float32,
        )

    @pl.when(i == 0)
    def _init():
        loss_ref[...] = jnp.zeros_like(loss_ref)

    loss_ref[...] += part.reshape(1, 1)

    @pl.when(i == pl.num_programs(0) - 1)
    def _finish():
        loss_ref[...] = loss_ref[...] * ((1.0 + _BETA) / n_total)


def _sc_gather_body(cb_hbm, idx_hbm, cn_hbm, q_hbm, cnp_hbm,
                    idx_v, rows_v, cn_v, acc_v, sem, sem2, *, chunk_base):
    wid = lax.axis_index("s") * _NC + lax.axis_index("c")
    b_per_w = idx_v.shape[0]
    pltpu.sync_copy(idx_hbm.at[pl.ds(wid * b_per_w, b_per_w)], idx_v)
    base = chunk_base + wid * b_per_w
    acc = jnp.zeros((_NL,), jnp.float32)
    for j in range(b_per_w // _CHUNK):
        idx_c = idx_v.at[pl.ds(j * _CHUNK, _CHUNK)]
        row_dma = pltpu.async_copy(cb_hbm.at[idx_c], rows_v, sem)
        cn_dma = pltpu.async_copy(cn_hbm.at[idx_c], cn_v, sem2)
        row_dma.wait()
        cn_dma.wait()
        pltpu.sync_copy(rows_v, q_hbm.at[pl.ds(base + j * _CHUNK, _CHUNK)])
        for k in range(_CHUNK // _NL):
            acc = acc + cn_v[pl.ds(k * _NL, _NL)]
    acc_v[...] = acc
    pltpu.sync_copy(acc_v, cnp_hbm.at[wid])


def kernel(x, codebook):
    b, t, d = x.shape
    m = b * t
    xf = x.reshape(m, d)
    mc = m // _K
    steps = mc // _TM
    b_per_w = mc // _NW

    q_ref = jax.empty_ref(jax.ShapeDtypeStruct((m, d), jnp.float32))
    mesh = plsc.VectorSubcoreMesh(core_axis_name="c", subcore_axis_name="s")

    idx_parts, loss_parts, cnp_parts = [], [], []
    cn_flat = None
    for c in range(_K):
        x_map = functools.partial(lambda i, c: (c * steps + i, 0), c=c)
        idx_c, loss_c, cn_c = pl.pallas_call(
            functools.partial(_tc_body, n_total=float(m * d)),
            grid=(steps,),
            in_specs=[
                pl.BlockSpec((_TM, d), x_map),
                pl.BlockSpec((_CODE_SIZE, d), lambda i: (0, 0)),
            ],
            out_specs=[
                pl.BlockSpec((_TM,), lambda i: (i,)),
                pl.BlockSpec((1, 1), lambda i: (0, 0)),
                pl.BlockSpec((1, _CODE_SIZE), lambda i: (0, 0)),
            ],
            out_shape=[
                jax.ShapeDtypeStruct((mc,), jnp.int32),
                jax.ShapeDtypeStruct((1, 1), jnp.float32),
                jax.ShapeDtypeStruct((1, _CODE_SIZE), jnp.float32),
            ],
        )(xf, codebook)
        if cn_flat is None:
            cn_flat = cn_c.reshape(_CODE_SIZE)
        sc_gather = functools.partial(
            pl.kernel,
            out_type=jax.ShapeDtypeStruct((_NW, _NL), jnp.float32),
            mesh=mesh,
            scratch_types=[
                pltpu.VMEM((b_per_w,), jnp.int32),
                pltpu.VMEM((_CHUNK, d), jnp.float32),
                pltpu.VMEM((_CHUNK,), jnp.float32),
                pltpu.VMEM((_NL,), jnp.float32),
                pltpu.SemaphoreType.DMA,
                pltpu.SemaphoreType.DMA,
            ],
        )(functools.partial(_sc_gather_body, chunk_base=c * mc))
        cnp_c = sc_gather(codebook, idx_c, cn_flat, q_ref)
        idx_parts.append(idx_c)
        loss_parts.append(loss_c.reshape(()))
        cnp_parts.append(cnp_c)

    q = jax.freeze(q_ref)
    idx = jnp.concatenate(idx_parts)
    loss = (sum(loss_parts)
            + ((1.0 + _BETA) / float(m * d)) * sum(jnp.sum(p) for p in cnp_parts))
    return (q.reshape(b, t, d), loss, idx.reshape(b, t))

# --- scband reference (transcript-rebuilt; emitter-appended) ---
"""Pipeline reference for scband-codebook-68951404970007 (READ-ONLY COPY).

The authoritative reference and input builder live on the scoring server;
editing this copy changes nothing except your own understanding.
"""

import jax, jax.numpy as jnp
import numpy as np

LATENT_DIM = 256
CODE_SIZE = 1024
BETA = 0.25

def setup_inputs(seed: int = 0) -> dict:
    key = jax.random.key(seed)
    k1, k2 = jax.random.split(key)
    x = jax.random.normal(k1, (32, 576, LATENT_DIM), dtype=jnp.float32)
    # haiku VarianceScaling(distribution='uniform'): scale=1.0, mode='fan_in'.
    # For 2D shape (code_size, latent_dim), haiku fan_in = shape[0] = code_size.
    limit = float(np.sqrt(3.0 / CODE_SIZE))
    codebook = jax.random.uniform(k2, (CODE_SIZE, LATENT_DIM), dtype=jnp.float32, minval=-limit, maxval=limit)
    return {"x": x, "codebook": codebook}

def reference(x, codebook):
    dists = jnp.matmul(x, codebook.T)
    idx = jnp.argmin(dists, axis=-1)
    quantize = codebook[idx]
    quantize = x + jax.lax.stop_gradient(quantize - x)
    enc_loss = jnp.mean((jax.lax.stop_gradient(quantize) - x) ** 2)
    com_loss = jnp.mean((quantize - jax.lax.stop_gradient(x)) ** 2)
    loss = enc_loss + BETA * com_loss
    return (quantize, loss, idx)

if __name__ == "__main__":
    import jax
    _d = setup_inputs()
    print(jax.jit(kernel)(*tuple(_d.values())))

</pallas_src>

<mosaic_0001>
#map = affine_map<(d0, d1) -> (0, 0)>
#map1 = affine_map<(d0, d1) -> (0)>
module attributes {stable_mosaic.version = 14 : i64} {
  func.func @new_body(%arg0: i32, %arg1: i32, %arg2: memref<1024x256xf32, #tpu.memory_space<hbm>>, %arg3: memref<6144xi32, #tpu.memory_space<hbm>>, %arg4: memref<1024xf32, #tpu.memory_space<hbm>>, %arg5: memref<18432x256xf32, #tpu.memory_space<hbm>>, %arg6: memref<32x16xf32, #tpu.memory_space<hbm>>, %arg7: memref<18432x256xf32, #tpu.memory_space<hbm>>, %arg8: memref<192xi32, #tpu.memory_space<vmem>>, %arg9: memref<96x256xf32, #tpu.memory_space<vmem>>, %arg10: memref<96xf32, #tpu.memory_space<vmem>>, %arg11: memref<16xf32, #tpu.memory_space<vmem>>, %arg12: memref<!tpu.dma_semaphore, #tpu.memory_space<semaphore_mem>>, %arg13: memref<!tpu.dma_semaphore, #tpu.memory_space<semaphore_mem>>) attributes {dimension_semantics = [#tpu.dimension_semantics<core_parallel>, #tpu.dimension_semantics<subcore_parallel>], iteration_bounds = array<i64: 2, 16>, scalar_prefetch = 0 : i64, scratch_operands = 6 : i64, tpu.core_type = #tpu.core_type<sc_vector_subcore>, window_params = [{transform_indices = #map}, {transform_indices = #map1}, {transform_indices = #map1}, {transform_indices = #map}, {transform_indices = #map}, {transform_indices = #map}]} {
    %mul3A = arith.constant 2 : i32
    %mul3A_0 = arith.muli %arg1, %mul3A : i32
    %add3A = arith.addi %mul3A_0, %arg0 : i32
    %mul3A_1 = arith.constant 192 : i32
    %mul3A_2 = arith.muli %add3A, %mul3A_1 : i32
    "tpu.region"() ({
      %run_scoped3A = tpu.sem_alloc : memref<!tpu.dma_semaphore, #tpu.memory_space<semaphore_mem>>
      %dma_start3A_96 = tpu.memref_slice %arg3[%mul3A_2] : memref<6144xi32, #tpu.memory_space<hbm>> -> memref<192xi32, #tpu.memory_space<hbm>>
      %dma_start3A_97 = tpu.memref_slice %arg3[%mul3A_2] : memref<6144xi32, #tpu.memory_space<hbm>> -> memref<192xi32, #tpu.memory_space<hbm>>
      tpu.enqueue_dma source(%dma_start3A_97 : memref<192xi32, #tpu.memory_space<hbm>>) target(%arg8 : memref<192xi32, #tpu.memory_space<vmem>>) target_semaphore(%run_scoped3A : memref<!tpu.dma_semaphore, #tpu.memory_space<semaphore_mem>>)
      %dma_wait3A_98 = tpu.memref_slice %arg3[%mul3A_2] : memref<6144xi32, #tpu.memory_space<hbm>> -> memref<192xi32, #tpu.memory_space<hbm>>
      %dma_wait3A_99 = tpu.memref_slice %arg3[%mul3A_2] : memref<6144xi32, #tpu.memory_space<hbm>> -> memref<192xi32, #tpu.memory_space<hbm>>
      tpu.wait_dma2 semaphore(%run_scoped3A : memref<!tpu.dma_semaphore, #tpu.memory_space<semaphore_mem>>) src(%dma_wait3A_99 : memref<192xi32, #tpu.memory_space<hbm>>) dst(%arg8 : memref<192xi32, #tpu.memory_space<vmem>>)
      tpu.yield
    }) : () -> ()
    %mul3A_3 = arith.constant 192 : i32
    %mul3A_4 = arith.muli %add3A, %mul3A_3 : i32
    %add3A_5 = arith.constant 12288 : i32
    %add3A_6 = arith.addi %add3A_5, %mul3A_4 : i32
    %broadcast_in_dim3A = arith.constant 0.000000e+00 : f32
    %broadcast_in_dim3A_7 = vector.broadcast %broadcast_in_dim3A : f32 to vector<16xf32>
    %dma_start3A = arith.constant 0 : i32
    %dma_start3A_8 = tpu.memref_slice %arg8[%dma_start3A] : memref<192xi32, #tpu.memory_space<vmem>> -> memref<96xi32, #tpu.memory_space<vmem>>
    %dma_start3A_9 = arith.constant 0 : i32
    %dma_start3A_10 = arith.constant 0 : i32
    %dma_start3A_11 = tpu.memref_slice %arg2[%dma_start3A_9, %dma_start3A_10] : memref<1024x256xf32, #tpu.memory_space<hbm>> -> memref<1024x256xf32, #tpu.memory_space<hbm>>
    tpu.enqueue_indirect_dma source(%dma_start3A_11 : memref<1024x256xf32, #tpu.memory_space<hbm>>) target(%arg9 : memref<96x256xf32, #tpu.memory_space<vmem>>) offsets(%dma_start3A_8 : memref<96xi32, #tpu.memory_space<vmem>>) semaphore(%arg12 : memref<!tpu.dma_semaphore, #tpu.memory_space<semaphore_mem>>)
    %dma_start3A_12 = arith.constant 0 : i32
    %dma_start3A_13 = tpu.memref_slice %arg8[%dma_start3A_12] : memref<192xi32, #tpu.memory_space<vmem>> -> memref<96xi32, #tpu.memory_space<vmem>>
    %dma_start3A_14 = arith.constant 0 : i32
    %dma_start3A_15 = tpu.memref_slice %arg4[%dma_start3A_14] : memref<1024xf32, #tpu.memory_space<hbm>> -> memref<1024xf32, #tpu.memory_space<hbm>>
    tpu.enqueue_indirect_dma source(%dma_start3A_15 : memref<1024xf32, #tpu.memory_space<hbm>>) target(%arg10 : memref<96xf32, #tpu.memory_space<vmem>>) offsets(%dma_start3A_13 : memref<96xi32, #tpu.memory_space<vmem>>) semaphore(%arg13 : memref<!tpu.dma_semaphore, #tpu.memory_space<semaphore_mem>>)
    %dma_wait3A = arith.constant 0 : i32
    %dma_wait3A_16 = tpu.memref_slice %arg8[%dma_wait3A] : memref<192xi32, #tpu.memory_space<vmem>> -> memref<96xi32, #tpu.memory_space<vmem>>
    %dma_wait3A_17 = arith.constant 0 : i32
    %dma_wait3A_18 = arith.constant 0 : i32
    %dma_wait3A_19 = tpu.memref_slice %arg2[%dma_wait3A_17, %dma_wait3A_18] : memref<1024x256xf32, #tpu.memory_space<hbm>> -> memref<1024x256xf32, #tpu.memory_space<hbm>>
    tpu.wait_indirect_dma semaphore(%arg12 : memref<!tpu.dma_semaphore, #tpu.memory_space<semaphore_mem>>) src(%dma_wait3A_19 : memref<1024x256xf32, #tpu.memory_space<hbm>>) dst(%arg9 : memref<96x256xf32, #tpu.memory_space<vmem>>)
    %dma_wait3A_20 = arith.constant 0 : i32
    %dma_wait3A_21 = tpu.memref_slice %arg8[%dma_wait3A_20] : memref<192xi32, #tpu.memory_space<vmem>> -> memref<96xi32, #tpu.memory_space<vmem>>
    %dma_wait3A_22 = arith.constant 0 : i32
    %dma_wait3A_23 = tpu.memref_slice %arg4[%dma_wait3A_22] : memref<1024xf32, #tpu.memory_space<hbm>> -> memref<1024xf32, #tpu.memory_space<hbm>>
    tpu.wait_indirect_dma semaphore(%arg13 : memref<!tpu.dma_semaphore, #tpu.memory_space<semaphore_mem>>) src(%dma_wait3A_23 : memref<1024xf32, #tpu.memory_space<hbm>>) dst(%arg10 : memref<96xf32, #tpu.memory_space<vmem>>)
    %add3A_24 = arith.constant 0 : i32
    %add3A_25 = arith.addi %add3A_6, %add3A_24 : i32
    "tpu.region"() ({
      %run_scoped3A = tpu.sem_alloc : memref<!tpu.dma_semaphore, #tpu.memory_space<semaphore_mem>>
      %dma_start3A_96 = arith.constant 0 : i32
      %dma_start3A_97 = tpu.memref_slice %arg5[%add3A_25, %dma_start3A_96] : memref<18432x256xf32, #tpu.memory_space<hbm>> -> memref<96x256xf32, #tpu.memory_space<hbm>>
      %dma_start3A_98 = arith.constant 0 : i32
      %dma_start3A_99 = tpu.memref_slice %arg5[%add3A_25, %dma_start3A_98] : memref<18432x256xf32, #tpu.memory_space<hbm>> -> memref<96x256xf32, #tpu.memory_space<hbm>>
      tpu.enqueue_dma source(%arg9 : memref<96x256xf32, #tpu.memory_space<vmem>>) target(%dma_start3A_99 : memref<96x256xf32, #tpu.memory_space<hbm>>) target_semaphore(%run_scoped3A : memref<!tpu.dma_semaphore, #tpu.memory_space<semaphore_mem>>)
      %dma_wait3A_100 = arith.constant 0 : i32
      %dma_wait3A_101 = tpu.memref_slice %arg5[%add3A_25, %dma_wait3A_100] : memref<18432x256xf32, #tpu.memory_space<hbm>> -> memref<96x256xf32, #tpu.memory_space<hbm>>
      %dma_wait3A_102 = arith.constant 0 : i32
      %dma_wait3A_103 = tpu.memref_slice %arg5[%add3A_25, %dma_wait3A_102] : memref<18432x256xf32, #tpu.memory_space<hbm>> -> memref<96x256xf32, #tpu.memory_space<hbm>>
      tpu.wait_dma2 semaphore(%run_scoped3A : memref<!tpu.dma_semaphore, #tpu.memory_space<semaphore_mem>>) src(%arg9 : memref<96x256xf32, #tpu.memory_space<vmem>>) dst(%dma_wait3A_103 : memref<96x256xf32, #tpu.memory_space<hbm>>)
      tpu.yield
    }) : () -> ()
    %get3A = arith.constant 0 : index
    %get3A_26 = tpu.vector_load %arg10[%get3A] {strides = array<i32>} : memref<96xf32, #tpu.memory_space<vmem>>, vector<16xf32>,
    %get3A_27 = vector.shape_cast %get3A_26 : vector<16xf32> to vector<16xf32>
    %add3A_28 = arith.addf %broadcast_in_dim3A_7, %get3A_27 : vector<16xf32>
    %get3A_29 = arith.constant 16 : index
    %get3A_30 = tpu.vector_load %arg10[%get3A_29] {strides = array<i32>} : memref<96xf32, #tpu.memory_space<vmem>>, vector<16xf32>,
    %get3A_31 = vector.shape_cast %get3A_30 : vector<16xf32> to vector<16xf32>
    %add3A_32 = arith.addf %add3A_28, %get3A_31 : vector<16xf32>
    %get3A_33 = arith.constant 32 : index
    %get3A_34 = tpu.vector_load %arg10[%get3A_33] {strides = array<i32>} : memref<96xf32, #tpu.memory_space<vmem>>, vector<16xf32>,
    %get3A_35 = vector.shape_cast %get3A_34 : vector<16xf32> to vector<16xf32>
    %add3A_36 = arith.addf %add3A_32, %get3A_35 : vector<16xf32>
    %get3A_37 = arith.constant 48 : index
    %get3A_38 = tpu.vector_load %arg10[%get3A_37] {strides = array<i32>} : memref<96xf32, #tpu.memory_space<vmem>>, vector<16xf32>,
    %get3A_39 = vector.shape_cast %get3A_38 : vector<16xf32> to vector<16xf32>
    %add3A_40 = arith.addf %add3A_36, %get3A_39 : vector<16xf32>
    %get3A_41 = arith.constant 64 : index
    %get3A_42 = tpu.vector_load %arg10[%get3A_41] {strides = array<i32>} : memref<96xf32, #tpu.memory_space<vmem>>, vector<16xf32>,
    %get3A_43 = vector.shape_cast %get3A_42 : vector<16xf32> to vector<16xf32>
    %add3A_44 = arith.addf %add3A_40, %get3A_43 : vector<16xf32>
    %get3A_45 = arith.constant 80 : index
    %get3A_46 = tpu.vector_load %arg10[%get3A_45] {strides = array<i32>} : memref<96xf32, #tpu.memory_space<vmem>>, vector<16xf32>,
    %get3A_47 = vector.shape_cast %get3A_46 : vector<16xf32> to vector<16xf32>
    %add3A_48 = arith.addf %add3A_44, %get3A_47 : vector<16xf32>
    %dma_start3A_49 = arith.constant 96 : i32
    %dma_start3A_50 = tpu.memref_slice %arg8[%dma_start3A_49] : memref<192xi32, #tpu.memory_space<vmem>> -> memref<96xi32, #tpu.memory_space<vmem>>
    %dma_start3A_51 = arith.constant 0 : i32
    %dma_start3A_52 = arith.constant 0 : i32
    %dma_start3A_53 = tpu.memref_slice %arg2[%dma_start3A_51, %dma_start3A_52] : memref<1024x256xf32, #tpu.memory_space<hbm>> -> memref<1024x256xf32, #tpu.memory_space<hbm>>
    tpu.enqueue_indirect_dma source(%dma_start3A_53 : memref<1024x256xf32, #tpu.memory_space<hbm>>) target(%arg9 : memref<96x256xf32, #tpu.memory_space<vmem>>) offsets(%dma_start3A_50 : memref<96xi32, #tpu.memory_space<vmem>>) semaphore(%arg12 : memref<!tpu.dma_semaphore, #tpu.memory_space<semaphore_mem>>)
    %dma_start3A_54 = arith.constant 96 : i32
    %dma_start3A_55 = tpu.memref_slice %arg8[%dma_start3A_54] : memref<192xi32, #tpu.memory_space<vmem>> -> memref<96xi32, #tpu.memory_space<vmem>>
    %dma_start3A_56 = arith.constant 0 : i32
    %dma_start3A_57 = tpu.memref_slice %arg4[%dma_start3A_56] : memref<1024xf32, #tpu.memory_space<hbm>> -> memref<1024xf32, #tpu.memory_space<hbm>>
    tpu.enqueue_indirect_dma source(%dma_start3A_57 : memref<1024xf32, #tpu.memory_space<hbm>>) target(%arg10 : memref<96xf32, #tpu.memory_space<vmem>>) offsets(%dma_start3A_55 : memref<96xi32, #tpu.memory_space<vmem>>) semaphore(%arg13 : memref<!tpu.dma_semaphore, #tpu.memory_space<semaphore_mem>>)
    %dma_wait3A_58 = arith.constant 96 : i32
    %dma_wait3A_59 = tpu.memref_slice %arg8[%dma_wait3A_58] : memref<192xi32, #tpu.memory_space<vmem>> -> memref<96xi32, #tpu.memory_space<vmem>>
    %dma_wait3A_60 = arith.constant 0 : i32
    %dma_wait3A_61 = arith.constant 0 : i32
    %dma_wait3A_62 = tpu.memref_slice %arg2[%dma_wait3A_60, %dma_wait3A_61] : memref<1024x256xf32, #tpu.memory_space<hbm>> -> memref<1024x256xf32, #tpu.memory_space<hbm>>
    tpu.wait_indirect_dma semaphore(%arg12 : memref<!tpu.dma_semaphore, #tpu.memory_space<semaphore_mem>>) src(%dma_wait3A_62 : memref<1024x256xf32, #tpu.memory_space<hbm>>) dst(%arg9 : memref<96x256xf32, #tpu.memory_space<vmem>>)
    %dma_wait3A_63 = arith.constant 96 : i32
    %dma_wait3A_64 = tpu.memref_slice %arg8[%dma_wait3A_63] : memref<192xi32, #tpu.memory_space<vmem>> -> memref<96xi32, #tpu.memory_space<vmem>>
    %dma_wait3A_65 = arith.constant 0 : i32
    %dma_wait3A_66 = tpu.memref_slice %arg4[%dma_wait3A_65] : memref<1024xf32, #tpu.memory_space<hbm>> -> memref<1024xf32, #tpu.memory_space<hbm>>
    tpu.wait_indirect_dma semaphore(%arg13 : memref<!tpu.dma_semaphore, #tpu.memory_space<semaphore_mem>>) src(%dma_wait3A_66 : memref<1024xf32, #tpu.memory_space<hbm>>) dst(%arg10 : memref<96xf32, #tpu.memory_space<vmem>>)
    %add3A_67 = arith.constant 96 : i32
    %add3A_68 = arith.addi %add3A_6, %add3A_67 : i32
    "tpu.region"() ({
      %run_scoped3A = tpu.sem_alloc : memref<!tpu.dma_semaphore, #tpu.memory_space<semaphore_mem>>
      %dma_start3A_96 = arith.constant 0 : i32
      %dma_start3A_97 = tpu.memref_slice %arg5[%add3A_68, %dma_start3A_96] : memref<18432x256xf32, #tpu.memory_space<hbm>> -> memref<96x256xf32, #tpu.memory_space<hbm>>
      %dma_start3A_98 = arith.constant 0 : i32
      %dma_start3A_99 = tpu.memref_slice %arg5[%add3A_68, %dma_start3A_98] : memref<18432x256xf32, #tpu.memory_space<hbm>> -> memref<96x256xf32, #tpu.memory_space<hbm>>
      tpu.enqueue_dma source(%arg9 : memref<96x256xf32, #tpu.memory_space<vmem>>) target(%dma_start3A_99 : memref<96x256xf32, #tpu.memory_space<hbm>>) target_semaphore(%run_scoped3A : memref<!tpu.dma_semaphore, #tpu.memory_space<semaphore_mem>>)
      %dma_wait3A_100 = arith.constant 0 : i32
      %dma_wait3A_101 = tpu.memref_slice %arg5[%add3A_68, %dma_wait3A_100] : memref<18432x256xf32, #tpu.memory_space<hbm>> -> memref<96x256xf32, #tpu.memory_space<hbm>>
      %dma_wait3A_102 = arith.constant 0 : i32
      %dma_wait3A_103 = tpu.memref_slice %arg5[%add3A_68, %dma_wait3A_102] : memref<18432x256xf32, #tpu.memory_space<hbm>> -> memref<96x256xf32, #tpu.memory_space<hbm>>
      tpu.wait_dma2 semaphore(%run_scoped3A : memref<!tpu.dma_semaphore, #tpu.memory_space<semaphore_mem>>) src(%arg9 : memref<96x256xf32, #tpu.memory_space<vmem>>) dst(%dma_wait3A_103 : memref<96x256xf32, #tpu.memory_space<hbm>>)
      tpu.yield
    }) : () -> ()
    %get3A_69 = arith.constant 0 : index
    %get3A_70 = tpu.vector_load %arg10[%get3A_69] {strides = array<i32>} : memref<96xf32, #tpu.memory_space<vmem>>, vector<16xf32>,
    %get3A_71 = vector.shape_cast %get3A_70 : vector<16xf32> to vector<16xf32>
    %add3A_72 = arith.addf %add3A_48, %get3A_71 : vector<16xf32>
    %get3A_73 = arith.constant 16 : index
    %get3A_74 = tpu.vector_load %arg10[%get3A_73] {strides = array<i32>} : memref<96xf32, #tpu.memory_space<vmem>>, vector<16xf32>,
    %get3A_75 = vector.shape_cast %get3A_74 : vector<16xf32> to vector<16xf32>
    %add3A_76 = arith.addf %add3A_72, %get3A_75 : vector<16xf32>
    %get3A_77 = arith.constant 32 : index
    %get3A_78 = tpu.vector_load %arg10[%get3A_77] {strides = array<i32>} : memref<96xf32, #tpu.memory_space<vmem>>, vector<16xf32>,
    %get3A_79 = vector.shape_cast %get3A_78 : vector<16xf32> to vector<16xf32>
    %add3A_80 = arith.addf %add3A_76, %get3A_79 : vector<16xf32>
    %get3A_81 = arith.constant 48 : index
    %get3A_82 = tpu.vector_load %arg10[%get3A_81] {strides = array<i32>} : memref<96xf32, #tpu.memory_space<vmem>>, vector<16xf32>,
    %get3A_83 = vector.shape_cast %get3A_82 : vector<16xf32> to vector<16xf32>
    %add3A_84 = arith.addf %add3A_80, %get3A_83 : vector<16xf32>
    %get3A_85 = arith.constant 64 : index
    %get3A_86 = tpu.vector_load %arg10[%get3A_85] {strides = array<i32>} : memref<96xf32, #tpu.memory_space<vmem>>, vector<16xf32>,
    %get3A_87 = vector.shape_cast %get3A_86 : vector<16xf32> to vector<16xf32>
    %add3A_88 = arith.addf %add3A_84, %get3A_87 : vector<16xf32>
    %get3A_89 = arith.constant 80 : index
    %get3A_90 = tpu.vector_load %arg10[%get3A_89] {strides = array<i32>} : memref<96xf32, #tpu.memory_space<vmem>>, vector<16xf32>,
    %get3A_91 = vector.shape_cast %get3A_90 : vector<16xf32> to vector<16xf32>
    %add3A_92 = arith.addf %add3A_88, %get3A_91 : vector<16xf32>
    %swap3A = arith.constant 0 : index
    %swap3A_93 = tpu.vector_load %arg11[%swap3A] {strides = array<i32>} : memref<16xf32, #tpu.memory_space<vmem>>, vector<16xf32>,
    %swap3A_94 = vector.shape_cast %swap3A_93 : vector<16xf32> to vector<16xf32>
    %swap3A_95 = vector.shape_cast %add3A_92 : vector<16xf32> to vector<16xf32>
    tpu.vector_store %arg11[%swap3A], %swap3A_95 {strides = array<i32>} : memref<16xf32, #tpu.memory_space<vmem>>, vector<16xf32>,
    "tpu.region"() ({
      %run_scoped3A = tpu.sem_alloc : memref<!tpu.dma_semaphore, #tpu.memory_space<semaphore_mem>>
      %dma_start3A_96 = arith.constant 0 : i32
      %dma_start3A_97 = tpu.memref_slice %arg6[%add3A, %dma_start3A_96] : memref<32x16xf32, #tpu.memory_space<hbm>> -> memref<1x16xf32, #tpu.memory_space<hbm>>
      %dma_start3A_98 = tpu.memref_squeeze %dma_start3A_97 : memref<1x16xf32, #tpu.memory_space<hbm>> -> memref<16xf32, #tpu.memory_space<hbm>>
      %dma_start3A_99 = arith.constant 0 : i32
      %dma_start3A_100 = tpu.memref_slice %arg6[%add3A, %dma_start3A_99] : memref<32x16xf32, #tpu.memory_space<hbm>> -> memref<1x16xf32, #tpu.memory_space<hbm>>
      %dma_start3A_101 = tpu.memref_squeeze %dma_start3A_100 : memref<1x16xf32, #tpu.memory_space<hbm>> -> memref<16xf32, #tpu.memory_space<hbm>>
      tpu.enqueue_dma source(%arg11 : memref<16xf32, #tpu.memory_space<vmem>>) target(%dma_start3A_101 : memref<16xf32, #tpu.memory_space<hbm>>) target_semaphore(%run_scoped3A : memref<!tpu.dma_semaphore, #tpu.memory_space<semaphore_mem>>)
      %dma_wait3A_102 = arith.constant 0 : i32
      %dma_wait3A_103 = tpu.memref_slice %arg6[%add3A, %dma_wait3A_102] : memref<32x16xf32, #tpu.memory_space<hbm>> -> memref<1x16xf32, #tpu.memory_space<hbm>>
      %dma_wait3A_104 = tpu.memref_squeeze %dma_wait3A_103 : memref<1x16xf32, #tpu.memory_space<hbm>> -> memref<16xf32, #tpu.memory_space<hbm>>
      %dma_wait3A_105 = arith.constant 0 : i32
      %dma_wait3A_106 = tpu.memref_slice %arg6[%add3A, %dma_wait3A_105] : memref<32x16xf32, #tpu.memory_space<hbm>> -> memref<1x16xf32, #tpu.memory_space<hbm>>
      %dma_wait3A_107 = tpu.memref_squeeze %dma_wait3A_106 : memref<1x16xf32, #tpu.memory_space<hbm>> -> memref<16xf32, #tpu.memory_space<hbm>>
      tpu.wait_dma2 semaphore(%run_scoped3A : memref<!tpu.dma_semaphore, #tpu.memory_space<semaphore_mem>>) src(%arg11 : memref<16xf32, #tpu.memory_space<vmem>>) dst(%dma_wait3A_107 : memref<16xf32, #tpu.memory_space<hbm>>)
      tpu.yield
    }) : () -> ()
    return
  }
}

#map = affine_map<(d0, d1) -> (0, 0)>
#map1 = affine_map<(d0, d1) -> (0)>
module attributes {stable_mosaic.version = 14 : i64} {
  func.func @new_body(%arg0: i32, %arg1: i32, %arg2: memref<1024x256xf32, #tpu.memory_space<hbm>>, %arg3: memref<6144xi32, #tpu.memory_space<hbm>>, %arg4: memref<1024xf32, #tpu.memory_space<hbm>>, %arg5: memref<18432x256xf32, #tpu.memory_space<hbm>>, %arg6: memref<32x16xf32, #tpu.memory_space<hbm>>, %arg7: memref<18432x256xf32, #tpu.memory_space<hbm>>, %arg8: memref<192xi32, #tpu.memory_space<vmem>>, %arg9: memref<96x256xf32, #tpu.memory_space<vmem>>, %arg10: memref<96xf32, #tpu.memory_space<vmem>>, %arg11: memref<16xf32, #tpu.memory_space<vmem>>, %arg12: memref<!tpu.dma_semaphore, #tpu.memory_space<semaphore_mem>>, %arg13: memref<!tpu.dma_semaphore, #tpu.memory_space<semaphore_mem>>) attributes {dimension_semantics = [#tpu.dimension_semantics<core_parallel>, #tpu.dimension_semantics<subcore_parallel>], iteration_bounds = array<i64: 2, 16>, scalar_prefetch = 0 : i64, scratch_operands = 6 : i64, tpu.core_type = #tpu.core_type<sc_vector_subcore>, window_params = [{transform_indices = #map}, {transform_indices = #map1}, {transform_indices = #map1}, {transform_indices = #map}, {transform_indices = #map}, {transform_indices = #map}]} {
    %mul3A = arith.constant 2 : i32
    %mul3A_0 = arith.muli %arg1, %mul3A : i32
    %add3A = arith.addi %mul3A_0, %arg0 : i32
    %mul3A_1 = arith.constant 192 : i32
    %mul3A_2 = arith.muli %add3A, %mul3A_1 : i32
    "tpu.region"() ({
      %run_scoped3A = tpu.sem_alloc : memref<!tpu.dma_semaphore, #tpu.memory_space<semaphore_mem>>
      %dma_start3A_96 = tpu.memref_slice %arg3[%mul3A_2] : memref<6144xi32, #tpu.memory_space<hbm>> -> memref<192xi32, #tpu.memory_space<hbm>>
      %dma_start3A_97 = tpu.memref_slice %arg3[%mul3A_2] : memref<6144xi32, #tpu.memory_space<hbm>> -> memref<192xi32, #tpu.memory_space<hbm>>
      tpu.enqueue_dma source(%dma_start3A_97 : memref<192xi32, #tpu.memory_space<hbm>>) target(%arg8 : memref<192xi32, #tpu.memory_space<vmem>>) target_semaphore(%run_scoped3A : memref<!tpu.dma_semaphore, #tpu.memory_space<semaphore_mem>>)
      %dma_wait3A_98 = tpu.memref_slice %arg3[%mul3A_2] : memref<6144xi32, #tpu.memory_space<hbm>> -> memref<192xi32, #tpu.memory_space<hbm>>
      %dma_wait3A_99 = tpu.memref_slice %arg3[%mul3A_2] : memref<6144xi32, #tpu.memory_space<hbm>> -> memref<192xi32, #tpu.memory_space<hbm>>
      tpu.wait_dma2 semaphore(%run_scoped3A : memref<!tpu.dma_semaphore, #tpu.memory_space<semaphore_mem>>) src(%dma_wait3A_99 : memref<192xi32, #tpu.memory_space<hbm>>) dst(%arg8 : memref<192xi32, #tpu.memory_space<vmem>>)
      tpu.yield
    }) : () -> ()
    %mul3A_3 = arith.constant 192 : i32
    %mul3A_4 = arith.muli %add3A, %mul3A_3 : i32
    %add3A_5 = arith.constant 0 : i32
    %add3A_6 = arith.addi %add3A_5, %mul3A_4 : i32
    %broadcast_in_dim3A = arith.constant 0.000000e+00 : f32
    %broadcast_in_dim3A_7 = vector.broadcast %broadcast_in_dim3A : f32 to vector<16xf32>
    %dma_start3A = arith.constant 0 : i32
    %dma_start3A_8 = tpu.memref_slice %arg8[%dma_start3A] : memref<192xi32, #tpu.memory_space<vmem>> -> memref<96xi32, #tpu.memory_space<vmem>>
    %dma_start3A_9 = arith.constant 0 : i32
    %dma_start3A_10 = arith.constant 0 : i32
    %dma_start3A_11 = tpu.memref_slice %arg2[%dma_start3A_9, %dma_start3A_10] : memref<1024x256xf32, #tpu.memory_space<hbm>> -> memref<1024x256xf32, #tpu.memory_space<hbm>>
    tpu.enqueue_indirect_dma source(%dma_start3A_11 : memref<1024x256xf32, #tpu.memory_space<hbm>>) target(%arg9 : memref<96x256xf32, #tpu.memory_space<vmem>>) offsets(%dma_start3A_8 : memref<96xi32, #tpu.memory_space<vmem>>) semaphore(%arg12 : memref<!tpu.dma_semaphore, #tpu.memory_space<semaphore_mem>>)
    %dma_start3A_12 = arith.constant 0 : i32
    %dma_start3A_13 = tpu.memref_slice %arg8[%dma_start3A_12] : memref<192xi32, #tpu.memory_space<vmem>> -> memref<96xi32, #tpu.memory_space<vmem>>
    %dma_start3A_14 = arith.constant 0 : i32
    %dma_start3A_15 = tpu.memref_slice %arg4[%dma_start3A_14] : memref<1024xf32, #tpu.memory_space<hbm>> -> memref<1024xf32, #tpu.memory_space<hbm>>
    tpu.enqueue_indirect_dma source(%dma_start3A_15 : memref<1024xf32, #tpu.memory_space<hbm>>) target(%arg10 : memref<96xf32, #tpu.memory_space<vmem>>) offsets(%dma_start3A_13 : memref<96xi32, #tpu.memory_space<vmem>>) semaphore(%arg13 : memref<!tpu.dma_semaphore, #tpu.memory_space<semaphore_mem>>)
    %dma_wait3A = arith.constant 0 : i32
    %dma_wait3A_16 = tpu.memref_slice %arg8[%dma_wait3A] : memref<192xi32, #tpu.memory_space<vmem>> -> memref<96xi32, #tpu.memory_space<vmem>>
    %dma_wait3A_17 = arith.constant 0 : i32
    %dma_wait3A_18 = arith.constant 0 : i32
    %dma_wait3A_19 = tpu.memref_slice %arg2[%dma_wait3A_17, %dma_wait3A_18] : memref<1024x256xf32, #tpu.memory_space<hbm>> -> memref<1024x256xf32, #tpu.memory_space<hbm>>
    tpu.wait_indirect_dma semaphore(%arg12 : memref<!tpu.dma_semaphore, #tpu.memory_space<semaphore_mem>>) src(%dma_wait3A_19 : memref<1024x256xf32, #tpu.memory_space<hbm>>) dst(%arg9 : memref<96x256xf32, #tpu.memory_space<vmem>>)
    %dma_wait3A_20 = arith.constant 0 : i32
    %dma_wait3A_21 = tpu.memref_slice %arg8[%dma_wait3A_20] : memref<192xi32, #tpu.memory_space<vmem>> -> memref<96xi32, #tpu.memory_space<vmem>>
    %dma_wait3A_22 = arith.constant 0 : i32
    %dma_wait3A_23 = tpu.memref_slice %arg4[%dma_wait3A_22] : memref<1024xf32, #tpu.memory_space<hbm>> -> memref<1024xf32, #tpu.memory_space<hbm>>
    tpu.wait_indirect_dma semaphore(%arg13 : memref<!tpu.dma_semaphore, #tpu.memory_space<semaphore_mem>>) src(%dma_wait3A_23 : memref<1024xf32, #tpu.memory_space<hbm>>) dst(%arg10 : memref<96xf32, #tpu.memory_space<vmem>>)
    %add3A_24 = arith.constant 0 : i32
    %add3A_25 = arith.addi %add3A_6, %add3A_24 : i32
    "tpu.region"() ({
      %run_scoped3A = tpu.sem_alloc : memref<!tpu.dma_semaphore, #tpu.memory_space<semaphore_mem>>
      %dma_start3A_96 = arith.constant 0 : i32
      %dma_start3A_97 = tpu.memref_slice %arg5[%add3A_25, %dma_start3A_96] : memref<18432x256xf32, #tpu.memory_space<hbm>> -> memref<96x256xf32, #tpu.memory_space<hbm>>
      %dma_start3A_98 = arith.constant 0 : i32
      %dma_start3A_99 = tpu.memref_slice %arg5[%add3A_25, %dma_start3A_98] : memref<18432x256xf32, #tpu.memory_space<hbm>> -> memref<96x256xf32, #tpu.memory_space<hbm>>
      tpu.enqueue_dma source(%arg9 : memref<96x256xf32, #tpu.memory_space<vmem>>) target(%dma_start3A_99 : memref<96x256xf32, #tpu.memory_space<hbm>>) target_semaphore(%run_scoped3A : memref<!tpu.dma_semaphore, #tpu.memory_space<semaphore_mem>>)
      %dma_wait3A_100 = arith.constant 0 : i32
      %dma_wait3A_101 = tpu.memref_slice %arg5[%add3A_25, %dma_wait3A_100] : memref<18432x256xf32, #tpu.memory_space<hbm>> -> memref<96x256xf32, #tpu.memory_space<hbm>>
      %dma_wait3A_102 = arith.constant 0 : i32
      %dma_wait3A_103 = tpu.memref_slice %arg5[%add3A_25, %dma_wait3A_102] : memref<18432x256xf32, #tpu.memory_space<hbm>> -> memref<96x256xf32, #tpu.memory_space<hbm>>
      tpu.wait_dma2 semaphore(%run_scoped3A : memref<!tpu.dma_semaphore, #tpu.memory_space<semaphore_mem>>) src(%arg9 : memref<96x256xf32, #tpu.memory_space<vmem>>) dst(%dma_wait3A_103 : memref<96x256xf32, #tpu.memory_space<hbm>>)
      tpu.yield
    }) : () -> ()
    %get3A = arith.constant 0 : index
    %get3A_26 = tpu.vector_load %arg10[%get3A] {strides = array<i32>} : memref<96xf32, #tpu.memory_space<vmem>>, vector<16xf32>,
    %get3A_27 = vector.shape_cast %get3A_26 : vector<16xf32> to vector<16xf32>
    %add3A_28 = arith.addf %broadcast_in_dim3A_7, %get3A_27 : vector<16xf32>
    %get3A_29 = arith.constant 16 : index
    %get3A_30 = tpu.vector_load %arg10[%get3A_29] {strides = array<i32>} : memref<96xf32, #tpu.memory_space<vmem>>, vector<16xf32>,
    %get3A_31 = vector.shape_cast %get3A_30 : vector<16xf32> to vector<16xf32>
    %add3A_32 = arith.addf %add3A_28, %get3A_31 : vector<16xf32>
    %get3A_33 = arith.constant 32 : index
    %get3A_34 = tpu.vector_load %arg10[%get3A_33] {strides = array<i32>} : memref<96xf32, #tpu.memory_space<vmem>>, vector<16xf32>,
    %get3A_35 = vector.shape_cast %get3A_34 : vector<16xf32> to vector<16xf32>
    %add3A_36 = arith.addf %add3A_32, %get3A_35 : vector<16xf32>
    %get3A_37 = arith.constant 48 : index
    %get3A_38 = tpu.vector_load %arg10[%get3A_37] {strides = array<i32>} : memref<96xf32, #tpu.memory_space<vmem>>, vector<16xf32>,
    %get3A_39 = vector.shape_cast %get3A_38 : vector<16xf32> to vector<16xf32>
    %add3A_40 = arith.addf %add3A_36, %get3A_39 : vector<16xf32>
    %get3A_41 = arith.constant 64 : index
    %get3A_42 = tpu.vector_load %arg10[%get3A_41] {strides = array<i32>} : memref<96xf32, #tpu.memory_space<vmem>>, vector<16xf32>,
    %get3A_43 = vector.shape_cast %get3A_42 : vector<16xf32> to vector<16xf32>
    %add3A_44 = arith.addf %add3A_40, %get3A_43 : vector<16xf32>
    %get3A_45 = arith.constant 80 : index
    %get3A_46 = tpu.vector_load %arg10[%get3A_45] {strides = array<i32>} : memref<96xf32, #tpu.memory_space<vmem>>, vector<16xf32>,
    %get3A_47 = vector.shape_cast %get3A_46 : vector<16xf32> to vector<16xf32>
    %add3A_48 = arith.addf %add3A_44, %get3A_47 : vector<16xf32>
    %dma_start3A_49 = arith.constant 96 : i32
    %dma_start3A_50 = tpu.memref_slice %arg8[%dma_start3A_49] : memref<192xi32, #tpu.memory_space<vmem>> -> memref<96xi32, #tpu.memory_space<vmem>>
    %dma_start3A_51 = arith.constant 0 : i32
    %dma_start3A_52 = arith.constant 0 : i32
    %dma_start3A_53 = tpu.memref_slice %arg2[%dma_start3A_51, %dma_start3A_52] : memref<1024x256xf32, #tpu.memory_space<hbm>> -> memref<1024x256xf32, #tpu.memory_space<hbm>>
    tpu.enqueue_indirect_dma source(%dma_start3A_53 : memref<1024x256xf32, #tpu.memory_space<hbm>>) target(%arg9 : memref<96x256xf32, #tpu.memory_space<vmem>>) offsets(%dma_start3A_50 : memref<96xi32, #tpu.memory_space<vmem>>) semaphore(%arg12 : memref<!tpu.dma_semaphore, #tpu.memory_space<semaphore_mem>>)
    %dma_start3A_54 = arith.constant 96 : i32
    %dma_start3A_55 = tpu.memref_slice %arg8[%dma_start3A_54] : memref<192xi32, #tpu.memory_space<vmem>> -> memref<96xi32, #tpu.memory_space<vmem>>
    %dma_start3A_56 = arith.constant 0 : i32
    %dma_start3A_57 = tpu.memref_slice %arg4[%dma_start3A_56] : memref<1024xf32, #tpu.memory_space<hbm>> -> memref<1024xf32, #tpu.memory_space<hbm>>
    tpu.enqueue_indirect_dma source(%dma_start3A_57 : memref<1024xf32, #tpu.memory_space<hbm>>) target(%arg10 : memref<96xf32, #tpu.memory_space<vmem>>) offsets(%dma_start3A_55 : memref<96xi32, #tpu.memory_space<vmem>>) semaphore(%arg13 : memref<!tpu.dma_semaphore, #tpu.memory_space<semaphore_mem>>)
    %dma_wait3A_58 = arith.constant 96 : i32
    %dma_wait3A_59 = tpu.memref_slice %arg8[%dma_wait3A_58] : memref<192xi32, #tpu.memory_space<vmem>> -> memref<96xi32, #tpu.memory_space<vmem>>
    %dma_wait3A_60 = arith.constant 0 : i32
    %dma_wait3A_61 = arith.constant 0 : i32
    %dma_wait3A_62 = tpu.memref_slice %arg2[%dma_wait3A_60, %dma_wait3A_61] : memref<1024x256xf32, #tpu.memory_space<hbm>> -> memref<1024x256xf32, #tpu.memory_space<hbm>>
    tpu.wait_indirect_dma semaphore(%arg12 : memref<!tpu.dma_semaphore, #tpu.memory_space<semaphore_mem>>) src(%dma_wait3A_62 : memref<1024x256xf32, #tpu.memory_space<hbm>>) dst(%arg9 : memref<96x256xf32, #tpu.memory_space<vmem>>)
    %dma_wait3A_63 = arith.constant 96 : i32
    %dma_wait3A_64 = tpu.memref_slice %arg8[%dma_wait3A_63] : memref<192xi32, #tpu.memory_space<vmem>> -> memref<96xi32, #tpu.memory_space<vmem>>
    %dma_wait3A_65 = arith.constant 0 : i32
    %dma_wait3A_66 = tpu.memref_slice %arg4[%dma_wait3A_65] : memref<1024xf32, #tpu.memory_space<hbm>> -> memref<1024xf32, #tpu.memory_space<hbm>>
    tpu.wait_indirect_dma semaphore(%arg13 : memref<!tpu.dma_semaphore, #tpu.memory_space<semaphore_mem>>) src(%dma_wait3A_66 : memref<1024xf32, #tpu.memory_space<hbm>>) dst(%arg10 : memref<96xf32, #tpu.memory_space<vmem>>)
    %add3A_67 = arith.constant 96 : i32
    %add3A_68 = arith.addi %add3A_6, %add3A_67 : i32
    "tpu.region"() ({
      %run_scoped3A = tpu.sem_alloc : memref<!tpu.dma_semaphore, #tpu.memory_space<semaphore_mem>>
      %dma_start3A_96 = arith.constant 0 : i32
      %dma_start3A_97 = tpu.memref_slice %arg5[%add3A_68, %dma_start3A_96] : memref<18432x256xf32, #tpu.memory_space<hbm>> -> memref<96x256xf32, #tpu.memory_space<hbm>>
      %dma_start3A_98 = arith.constant 0 : i32
      %dma_start3A_99 = tpu.memref_slice %arg5[%add3A_68, %dma_start3A_98] : memref<18432x256xf32, #tpu.memory_space<hbm>> -> memref<96x256xf32, #tpu.memory_space<hbm>>
      tpu.enqueue_dma source(%arg9 : memref<96x256xf32, #tpu.memory_space<vmem>>) target(%dma_start3A_99 : memref<96x256xf32, #tpu.memory_space<hbm>>) target_semaphore(%run_scoped3A : memref<!tpu.dma_semaphore, #tpu.memory_space<semaphore_mem>>)
      %dma_wait3A_100 = arith.constant 0 : i32
      %dma_wait3A_101 = tpu.memref_slice %arg5[%add3A_68, %dma_wait3A_100] : memref<18432x256xf32, #tpu.memory_space<hbm>> -> memref<96x256xf32, #tpu.memory_space<hbm>>
      %dma_wait3A_102 = arith.constant 0 : i32
      %dma_wait3A_103 = tpu.memref_slice %arg5[%add3A_68, %dma_wait3A_102] : memref<18432x256xf32, #tpu.memory_space<hbm>> -> memref<96x256xf32, #tpu.memory_space<hbm>>
      tpu.wait_dma2 semaphore(%run_scoped3A : memref<!tpu.dma_semaphore, #tpu.memory_space<semaphore_mem>>) src(%arg9 : memref<96x256xf32, #tpu.memory_space<vmem>>) dst(%dma_wait3A_103 : memref<96x256xf32, #tpu.memory_space<hbm>>)
      tpu.yield
    }) : () -> ()
    %get3A_69 = arith.constant 0 : index
    %get3A_70 = tpu.vector_load %arg10[%get3A_69] {strides = array<i32>} : memref<96xf32, #tpu.memory_space<vmem>>, vector<16xf32>,
    %get3A_71 = vector.shape_cast %get3A_70 : vector<16xf32> to vector<16xf32>
    %add3A_72 = arith.addf %add3A_48, %get3A_71 : vector<16xf32>
    %get3A_73 = arith.constant 16 : index
    %get3A_74 = tpu.vector_load %arg10[%get3A_73] {strides = array<i32>} : memref<96xf32, #tpu.memory_space<vmem>>, vector<16xf32>,
    %get3A_75 = vector.shape_cast %get3A_74 : vector<16xf32> to vector<16xf32>
    %add3A_76 = arith.addf %add3A_72, %get3A_75 : vector<16xf32>
    %get3A_77 = arith.constant 32 : index
    %get3A_78 = tpu.vector_load %arg10[%get3A_77] {strides = array<i32>} : memref<96xf32, #tpu.memory_space<vmem>>, vector<16xf32>,
    %get3A_79 = vector.shape_cast %get3A_78 : vector<16xf32> to vector<16xf32>
    %add3A_80 = arith.addf %add3A_76, %get3A_79 : vector<16xf32>
    %get3A_81 = arith.constant 48 : index
    %get3A_82 = tpu.vector_load %arg10[%get3A_81] {strides = array<i32>} : memref<96xf32, #tpu.memory_space<vmem>>, vector<16xf32>,
    %get3A_83 = vector.shape_cast %get3A_82 : vector<16xf32> to vector<16xf32>
    %add3A_84 = arith.addf %add3A_80, %get3A_83 : vector<16xf32>
    %get3A_85 = arith.constant 64 : index
    %get3A_86 = tpu.vector_load %arg10[%get3A_85] {strides = array<i32>} : memref<96xf32, #tpu.memory_space<vmem>>, vector<16xf32>,
    %get3A_87 = vector.shape_cast %get3A_86 : vector<16xf32> to vector<16xf32>
    %add3A_88 = arith.addf %add3A_84, %get3A_87 : vector<16xf32>
    %get3A_89 = arith.constant 80 : index
    %get3A_90 = tpu.vector_load %arg10[%get3A_89] {strides = array<i32>} : memref<96xf32, #tpu.memory_space<vmem>>, vector<16xf32>,
    %get3A_91 = vector.shape_cast %get3A_90 : vector<16xf32> to vector<16xf32>
    %add3A_92 = arith.addf %add3A_88, %get3A_91 : vector<16xf32>
    %swap3A = arith.constant 0 : index
    %swap3A_93 = tpu.vector_load %arg11[%swap3A] {strides = array<i32>} : memref<16xf32, #tpu.memory_space<vmem>>, vector<16xf32>,
    %swap3A_94 = vector.shape_cast %swap3A_93 : vector<16xf32> to vector<16xf32>
    %swap3A_95 = vector.shape_cast %add3A_92 : vector<16xf32> to vector<16xf32>
    tpu.vector_store %arg11[%swap3A], %swap3A_95 {strides = array<i32>} : memref<16xf32, #tpu.memory_space<vmem>>, vector<16xf32>,
    "tpu.region"() ({
      %run_scoped3A = tpu.sem_alloc : memref<!tpu.dma_semaphore, #tpu.memory_space<semaphore_mem>>
      %dma_start3A_96 = arith.constant 0 : i32
      %dma_start3A_97 = tpu.memref_slice %arg6[%add3A, %dma_start3A_96] : memref<32x16xf32, #tpu.memory_space<hbm>> -> memref<1x16xf32, #tpu.memory_space<hbm>>
      %dma_start3A_98 = tpu.memref_squeeze %dma_start3A_97 : memref<1x16xf32, #tpu.memory_space<hbm>> -> memref<16xf32, #tpu.memory_space<hbm>>
      %dma_start3A_99 = arith.constant 0 : i32
      %dma_start3A_100 = tpu.memref_slice %arg6[%add3A, %dma_start3A_99] : memref<32x16xf32, #tpu.memory_space<hbm>> -> memref<1x16xf32, #tpu.memory_space<hbm>>
      %dma_start3A_101 = tpu.memref_squeeze %dma_start3A_100 : memref<1x16xf32, #tpu.memory_space<hbm>> -> memref<16xf32, #tpu.memory_space<hbm>>
      tpu.enqueue_dma source(%arg11 : memref<16xf32, #tpu.memory_space<vmem>>) target(%dma_start3A_101 : memref<16xf32, #tpu.memory_space<hbm>>) target_semaphore(%run_scoped3A : memref<!tpu.dma_semaphore, #tpu.memory_space<semaphore_mem>>)
      %dma_wait3A_102 = arith.constant 0 : i32
      %dma_wait3A_103 = tpu.memref_slice %arg6[%add3A, %dma_wait3A_102] : memref<32x16xf32, #tpu.memory_space<hbm>> -> memref<1x16xf32, #tpu.memory_space<hbm>>
      %dma_wait3A_104 = tpu.memref_squeeze %dma_wait3A_103 : memref<1x16xf32, #tpu.memory_space<hbm>> -> memref<16xf32, #tpu.memory_space<hbm>>
      %dma_wait3A_105 = arith.constant 0 : i32
      %dma_wait3A_106 = tpu.memref_slice %arg6[%add3A, %dma_wait3A_105] : memref<32x16xf32, #tpu.memory_space<hbm>> -> memref<1x16xf32, #tpu.memory_space<hbm>>
      %dma_wait3A_107 = tpu.memref_squeeze %dma_wait3A_106 : memref<1x16xf32, #tpu.memory_space<hbm>> -> memref<16xf32, #tpu.memory_space<hbm>>
      tpu.wait_dma2 semaphore(%run_scoped3A : memref<!tpu.dma_semaphore, #tpu.memory_space<semaphore_mem>>) src(%arg11 : memref<16xf32, #tpu.memory_space<vmem>>) dst(%dma_wait3A_107 : memref<16xf32, #tpu.memory_space<hbm>>)
      tpu.yield
    }) : () -> ()
    return
  }
}

#map = affine_map<(d0, d1) -> (0, 0)>
#map1 = affine_map<(d0, d1) -> (0)>
module attributes {stable_mosaic.version = 14 : i64} {
  func.func @new_body(%arg0: i32, %arg1: i32, %arg2: memref<1024x256xf32, #tpu.memory_space<hbm>>, %arg3: memref<6144xi32, #tpu.memory_space<hbm>>, %arg4: memref<1024xf32, #tpu.memory_space<hbm>>, %arg5: memref<18432x256xf32, #tpu.memory_space<hbm>>, %arg6: memref<32x16xf32, #tpu.memory_space<hbm>>, %arg7: memref<18432x256xf32, #tpu.memory_space<hbm>>, %arg8: memref<192xi32, #tpu.memory_space<vmem>>, %arg9: memref<96x256xf32, #tpu.memory_space<vmem>>, %arg10: memref<96xf32, #tpu.memory_space<vmem>>, %arg11: memref<16xf32, #tpu.memory_space<vmem>>, %arg12: memref<!tpu.dma_semaphore, #tpu.memory_space<semaphore_mem>>, %arg13: memref<!tpu.dma_semaphore, #tpu.memory_space<semaphore_mem>>) attributes {dimension_semantics = [#tpu.dimension_semantics<core_parallel>, #tpu.dimension_semantics<subcore_parallel>], iteration_bounds = array<i64: 2, 16>, scalar_prefetch = 0 : i64, scratch_operands = 6 : i64, tpu.core_type = #tpu.core_type<sc_vector_subcore>, window_params = [{transform_indices = #map}, {transform_indices = #map1}, {transform_indices = #map1}, {transform_indices = #map}, {transform_indices = #map}, {transform_indices = #map}]} {
    %mul3A = arith.constant 2 : i32
    %mul3A_0 = arith.muli %arg1, %mul3A : i32
    %add3A = arith.addi %mul3A_0, %arg0 : i32
    %mul3A_1 = arith.constant 192 : i32
    %mul3A_2 = arith.muli %add3A, %mul3A_1 : i32
    "tpu.region"() ({
      %run_scoped3A = tpu.sem_alloc : memref<!tpu.dma_semaphore, #tpu.memory_space<semaphore_mem>>
      %dma_start3A_96 = tpu.memref_slice %arg3[%mul3A_2] : memref<6144xi32, #tpu.memory_space<hbm>> -> memref<192xi32, #tpu.memory_space<hbm>>
      %dma_start3A_97 = tpu.memref_slice %arg3[%mul3A_2] : memref<6144xi32, #tpu.memory_space<hbm>> -> memref<192xi32, #tpu.memory_space<hbm>>
      tpu.enqueue_dma source(%dma_start3A_97 : memref<192xi32, #tpu.memory_space<hbm>>) target(%arg8 : memref<192xi32, #tpu.memory_space<vmem>>) target_semaphore(%run_scoped3A : memref<!tpu.dma_semaphore, #tpu.memory_space<semaphore_mem>>)
      %dma_wait3A_98 = tpu.memref_slice %arg3[%mul3A_2] : memref<6144xi32, #tpu.memory_space<hbm>> -> memref<192xi32, #tpu.memory_space<hbm>>
      %dma_wait3A_99 = tpu.memref_slice %arg3[%mul3A_2] : memref<6144xi32, #tpu.memory_space<hbm>> -> memref<192xi32, #tpu.memory_space<hbm>>
      tpu.wait_dma2 semaphore(%run_scoped3A : memref<!tpu.dma_semaphore, #tpu.memory_space<semaphore_mem>>) src(%dma_wait3A_99 : memref<192xi32, #tpu.memory_space<hbm>>) dst(%arg8 : memref<192xi32, #tpu.memory_space<vmem>>)
      tpu.yield
    }) : () -> ()
    %mul3A_3 = arith.constant 192 : i32
    %mul3A_4 = arith.muli %add3A, %mul3A_3 : i32
    %add3A_5 = arith.constant 6144 : i32
    %add3A_6 = arith.addi %add3A_5, %mul3A_4 : i32
    %broadcast_in_dim3A = arith.constant 0.000000e+00 : f32
    %broadcast_in_dim3A_7 = vector.broadcast %broadcast_in_dim3A : f32 to vector<16xf32>
    %dma_start3A = arith.constant 0 : i32
    %dma_start3A_8 = tpu.memref_slice %arg8[%dma_start3A] : memref<192xi32, #tpu.memory_space<vmem>> -> memref<96xi32, #tpu.memory_space<vmem>>
    %dma_start3A_9 = arith.constant 0 : i32
    %dma_start3A_10 = arith.constant 0 : i32
    %dma_start3A_11 = tpu.memref_slice %arg2[%dma_start3A_9, %dma_start3A_10] : memref<1024x256xf32, #tpu.memory_space<hbm>> -> memref<1024x256xf32, #tpu.memory_space<hbm>>
    tpu.enqueue_indirect_dma source(%dma_start3A_11 : memref<1024x256xf32, #tpu.memory_space<hbm>>) target(%arg9 : memref<96x256xf32, #tpu.memory_space<vmem>>) offsets(%dma_start3A_8 : memref<96xi32, #tpu.memory_space<vmem>>) semaphore(%arg12 : memref<!tpu.dma_semaphore, #tpu.memory_space<semaphore_mem>>)
    %dma_start3A_12 = arith.constant 0 : i32
    %dma_start3A_13 = tpu.memref_slice %arg8[%dma_start3A_12] : memref<192xi32, #tpu.memory_space<vmem>> -> memref<96xi32, #tpu.memory_space<vmem>>
    %dma_start3A_14 = arith.constant 0 : i32
    %dma_start3A_15 = tpu.memref_slice %arg4[%dma_start3A_14] : memref<1024xf32, #tpu.memory_space<hbm>> -> memref<1024xf32, #tpu.memory_space<hbm>>
    tpu.enqueue_indirect_dma source(%dma_start3A_15 : memref<1024xf32, #tpu.memory_space<hbm>>) target(%arg10 : memref<96xf32, #tpu.memory_space<vmem>>) offsets(%dma_start3A_13 : memref<96xi32, #tpu.memory_space<vmem>>) semaphore(%arg13 : memref<!tpu.dma_semaphore, #tpu.memory_space<semaphore_mem>>)
    %dma_wait3A = arith.constant 0 : i32
    %dma_wait3A_16 = tpu.memref_slice %arg8[%dma_wait3A] : memref<192xi32, #tpu.memory_space<vmem>> -> memref<96xi32, #tpu.memory_space<vmem>>
    %dma_wait3A_17 = arith.constant 0 : i32
    %dma_wait3A_18 = arith.constant 0 : i32
    %dma_wait3A_19 = tpu.memref_slice %arg2[%dma_wait3A_17, %dma_wait3A_18] : memref<1024x256xf32, #tpu.memory_space<hbm>> -> memref<1024x256xf32, #tpu.memory_space<hbm>>
    tpu.wait_indirect_dma semaphore(%arg12 : memref<!tpu.dma_semaphore, #tpu.memory_space<semaphore_mem>>) src(%dma_wait3A_19 : memref<1024x256xf32, #tpu.memory_space<hbm>>) dst(%arg9 : memref<96x256xf32, #tpu.memory_space<vmem>>)
    %dma_wait3A_20 = arith.constant 0 : i32
    %dma_wait3A_21 = tpu.memref_slice %arg8[%dma_wait3A_20] : memref<192xi32, #tpu.memory_space<vmem>> -> memref<96xi32, #tpu.memory_space<vmem>>
    %dma_wait3A_22 = arith.constant 0 : i32
    %dma_wait3A_23 = tpu.memref_slice %arg4[%dma_wait3A_22] : memref<1024xf32, #tpu.memory_space<hbm>> -> memref<1024xf32, #tpu.memory_space<hbm>>
    tpu.wait_indirect_dma semaphore(%arg13 : memref<!tpu.dma_semaphore, #tpu.memory_space<semaphore_mem>>) src(%dma_wait3A_23 : memref<1024xf32, #tpu.memory_space<hbm>>) dst(%arg10 : memref<96xf32, #tpu.memory_space<vmem>>)
    %add3A_24 = arith.constant 0 : i32
    %add3A_25 = arith.addi %add3A_6, %add3A_24 : i32
    "tpu.region"() ({
      %run_scoped3A = tpu.sem_alloc : memref<!tpu.dma_semaphore, #tpu.memory_space<semaphore_mem>>
      %dma_start3A_96 = arith.constant 0 : i32
      %dma_start3A_97 = tpu.memref_slice %arg5[%add3A_25, %dma_start3A_96] : memref<18432x256xf32, #tpu.memory_space<hbm>> -> memref<96x256xf32, #tpu.memory_space<hbm>>
      %dma_start3A_98 = arith.constant 0 : i32
      %dma_start3A_99 = tpu.memref_slice %arg5[%add3A_25, %dma_start3A_98] : memref<18432x256xf32, #tpu.memory_space<hbm>> -> memref<96x256xf32, #tpu.memory_space<hbm>>
      tpu.enqueue_dma source(%arg9 : memref<96x256xf32, #tpu.memory_space<vmem>>) target(%dma_start3A_99 : memref<96x256xf32, #tpu.memory_space<hbm>>) target_semaphore(%run_scoped3A : memref<!tpu.dma_semaphore, #tpu.memory_space<semaphore_mem>>)
      %dma_wait3A_100 = arith.constant 0 : i32
      %dma_wait3A_101 = tpu.memref_slice %arg5[%add3A_25, %dma_wait3A_100] : memref<18432x256xf32, #tpu.memory_space<hbm>> -> memref<96x256xf32, #tpu.memory_space<hbm>>
      %dma_wait3A_102 = arith.constant 0 : i32
      %dma_wait3A_103 = tpu.memref_slice %arg5[%add3A_25, %dma_wait3A_102] : memref<18432x256xf32, #tpu.memory_space<hbm>> -> memref<96x256xf32, #tpu.memory_space<hbm>>
      tpu.wait_dma2 semaphore(%run_scoped3A : memref<!tpu.dma_semaphore, #tpu.memory_space<semaphore_mem>>) src(%arg9 : memref<96x256xf32, #tpu.memory_space<vmem>>) dst(%dma_wait3A_103 : memref<96x256xf32, #tpu.memory_space<hbm>>)
      tpu.yield
    }) : () -> ()
    %get3A = arith.constant 0 : index
    %get3A_26 = tpu.vector_load %arg10[%get3A] {strides = array<i32>} : memref<96xf32, #tpu.memory_space<vmem>>, vector<16xf32>,
    %get3A_27 = vector.shape_cast %get3A_26 : vector<16xf32> to vector<16xf32>
    %add3A_28 = arith.addf %broadcast_in_dim3A_7, %get3A_27 : vector<16xf32>
    %get3A_29 = arith.constant 16 : index
    %get3A_30 = tpu.vector_load %arg10[%get3A_29] {strides = array<i32>} : memref<96xf32, #tpu.memory_space<vmem>>, vector<16xf32>,
    %get3A_31 = vector.shape_cast %get3A_30 : vector<16xf32> to vector<16xf32>
    %add3A_32 = arith.addf %add3A_28, %get3A_31 : vector<16xf32>
    %get3A_33 = arith.constant 32 : index
    %get3A_34 = tpu.vector_load %arg10[%get3A_33] {strides = array<i32>} : memref<96xf32, #tpu.memory_space<vmem>>, vector<16xf32>,
    %get3A_35 = vector.shape_cast %get3A_34 : vector<16xf32> to vector<16xf32>
    %add3A_36 = arith.addf %add3A_32, %get3A_35 : vector<16xf32>
    %get3A_37 = arith.constant 48 : index
    %get3A_38 = tpu.vector_load %arg10[%get3A_37] {strides = array<i32>} : memref<96xf32, #tpu.memory_space<vmem>>, vector<16xf32>,
    %get3A_39 = vector.shape_cast %get3A_38 : vector<16xf32> to vector<16xf32>
    %add3A_40 = arith.addf %add3A_36, %get3A_39 : vector<16xf32>
    %get3A_41 = arith.constant 64 : index
    %get3A_42 = tpu.vector_load %arg10[%get3A_41] {strides = array<i32>} : memref<96xf32, #tpu.memory_space<vmem>>, vector<16xf32>,
    %get3A_43 = vector.shape_cast %get3A_42 : vector<16xf32> to vector<16xf32>
    %add3A_44 = arith.addf %add3A_40, %get3A_43 : vector<16xf32>
    %get3A_45 = arith.constant 80 : index
    %get3A_46 = tpu.vector_load %arg10[%get3A_45] {strides = array<i32>} : memref<96xf32, #tpu.memory_space<vmem>>, vector<16xf32>,
    %get3A_47 = vector.shape_cast %get3A_46 : vector<16xf32> to vector<16xf32>
    %add3A_48 = arith.addf %add3A_44, %get3A_47 : vector<16xf32>
    %dma_start3A_49 = arith.constant 96 : i32
    %dma_start3A_50 = tpu.memref_slice %arg8[%dma_start3A_49] : memref<192xi32, #tpu.memory_space<vmem>> -> memref<96xi32, #tpu.memory_space<vmem>>
    %dma_start3A_51 = arith.constant 0 : i32
    %dma_start3A_52 = arith.constant 0 : i32
    %dma_start3A_53 = tpu.memref_slice %arg2[%dma_start3A_51, %dma_start3A_52] : memref<1024x256xf32, #tpu.memory_space<hbm>> -> memref<1024x256xf32, #tpu.memory_space<hbm>>
    tpu.enqueue_indirect_dma source(%dma_start3A_53 : memref<1024x256xf32, #tpu.memory_space<hbm>>) target(%arg9 : memref<96x256xf32, #tpu.memory_space<vmem>>) offsets(%dma_start3A_50 : memref<96xi32, #tpu.memory_space<vmem>>) semaphore(%arg12 : memref<!tpu.dma_semaphore, #tpu.memory_space<semaphore_mem>>)
    %dma_start3A_54 = arith.constant 96 : i32
    %dma_start3A_55 = tpu.memref_slice %arg8[%dma_start3A_54] : memref<192xi32, #tpu.memory_space<vmem>> -> memref<96xi32, #tpu.memory_space<vmem>>
    %dma_start3A_56 = arith.constant 0 : i32
    %dma_start3A_57 = tpu.memref_slice %arg4[%dma_start3A_56] : memref<1024xf32, #tpu.memory_space<hbm>> -> memref<1024xf32, #tpu.memory_space<hbm>>
    tpu.enqueue_indirect_dma source(%dma_start3A_57 : memref<1024xf32, #tpu.memory_space<hbm>>) target(%arg10 : memref<96xf32, #tpu.memory_space<vmem>>) offsets(%dma_start3A_55 : memref<96xi32, #tpu.memory_space<vmem>>) semaphore(%arg13 : memref<!tpu.dma_semaphore, #tpu.memory_space<semaphore_mem>>)
    %dma_wait3A_58 = arith.constant 96 : i32
    %dma_wait3A_59 = tpu.memref_slice %arg8[%dma_wait3A_58] : memref<192xi32, #tpu.memory_space<vmem>> -> memref<96xi32, #tpu.memory_space<vmem>>
    %dma_wait3A_60 = arith.constant 0 : i32
    %dma_wait3A_61 = arith.constant 0 : i32
    %dma_wait3A_62 = tpu.memref_slice %arg2[%dma_wait3A_60, %dma_wait3A_61] : memref<1024x256xf32, #tpu.memory_space<hbm>> -> memref<1024x256xf32, #tpu.memory_space<hbm>>
    tpu.wait_indirect_dma semaphore(%arg12 : memref<!tpu.dma_semaphore, #tpu.memory_space<semaphore_mem>>) src(%dma_wait3A_62 : memref<1024x256xf32, #tpu.memory_space<hbm>>) dst(%arg9 : memref<96x256xf32, #tpu.memory_space<vmem>>)
    %dma_wait3A_63 = arith.constant 96 : i32
    %dma_wait3A_64 = tpu.memref_slice %arg8[%dma_wait3A_63] : memref<192xi32, #tpu.memory_space<vmem>> -> memref<96xi32, #tpu.memory_space<vmem>>
    %dma_wait3A_65 = arith.constant 0 : i32
    %dma_wait3A_66 = tpu.memref_slice %arg4[%dma_wait3A_65] : memref<1024xf32, #tpu.memory_space<hbm>> -> memref<1024xf32, #tpu.memory_space<hbm>>
    tpu.wait_indirect_dma semaphore(%arg13 : memref<!tpu.dma_semaphore, #tpu.memory_space<semaphore_mem>>) src(%dma_wait3A_66 : memref<1024xf32, #tpu.memory_space<hbm>>) dst(%arg10 : memref<96xf32, #tpu.memory_space<vmem>>)
    %add3A_67 = arith.constant 96 : i32
    %add3A_68 = arith.addi %add3A_6, %add3A_67 : i32
    "tpu.region"() ({
      %run_scoped3A = tpu.sem_alloc : memref<!tpu.dma_semaphore, #tpu.memory_space<semaphore_mem>>
      %dma_start3A_96 = arith.constant 0 : i32
      %dma_start3A_97 = tpu.memref_slice %arg5[%add3A_68, %dma_start3A_96] : memref<18432x256xf32, #tpu.memory_space<hbm>> -> memref<96x256xf32, #tpu.memory_space<hbm>>
      %dma_start3A_98 = arith.constant 0 : i32
      %dma_start3A_99 = tpu.memref_slice %arg5[%add3A_68, %dma_start3A_98] : memref<18432x256xf32, #tpu.memory_space<hbm>> -> memref<96x256xf32, #tpu.memory_space<hbm>>
      tpu.enqueue_dma source(%arg9 : memref<96x256xf32, #tpu.memory_space<vmem>>) target(%dma_start3A_99 : memref<96x256xf32, #tpu.memory_space<hbm>>) target_semaphore(%run_scoped3A : memref<!tpu.dma_semaphore, #tpu.memory_space<semaphore_mem>>)
      %dma_wait3A_100 = arith.constant 0 : i32
      %dma_wait3A_101 = tpu.memref_slice %arg5[%add3A_68, %dma_wait3A_100] : memref<18432x256xf32, #tpu.memory_space<hbm>> -> memref<96x256xf32, #tpu.memory_space<hbm>>
      %dma_wait3A_102 = arith.constant 0 : i32
      %dma_wait3A_103 = tpu.memref_slice %arg5[%add3A_68, %dma_wait3A_102] : memref<18432x256xf32, #tpu.memory_space<hbm>> -> memref<96x256xf32, #tpu.memory_space<hbm>>
      tpu.wait_dma2 semaphore(%run_scoped3A : memref<!tpu.dma_semaphore, #tpu.memory_space<semaphore_mem>>) src(%arg9 : memref<96x256xf32, #tpu.memory_space<vmem>>) dst(%dma_wait3A_103 : memref<96x256xf32, #tpu.memory_space<hbm>>)
      tpu.yield
    }) : () -> ()
    %get3A_69 = arith.constant 0 : index
    %get3A_70 = tpu.vector_load %arg10[%get3A_69] {strides = array<i32>} : memref<96xf32, #tpu.memory_space<vmem>>, vector<16xf32>,
    %get3A_71 = vector.shape_cast %get3A_70 : vector<16xf32> to vector<16xf32>
    %add3A_72 = arith.addf %add3A_48, %get3A_71 : vector<16xf32>
    %get3A_73 = arith.constant 16 : index
    %get3A_74 = tpu.vector_load %arg10[%get3A_73] {strides = array<i32>} : memref<96xf32, #tpu.memory_space<vmem>>, vector<16xf32>,
    %get3A_75 = vector.shape_cast %get3A_74 : vector<16xf32> to vector<16xf32>
    %add3A_76 = arith.addf %add3A_72, %get3A_75 : vector<16xf32>
    %get3A_77 = arith.constant 32 : index
    %get3A_78 = tpu.vector_load %arg10[%get3A_77] {strides = array<i32>} : memref<96xf32, #tpu.memory_space<vmem>>, vector<16xf32>,
    %get3A_79 = vector.shape_cast %get3A_78 : vector<16xf32> to vector<16xf32>
    %add3A_80 = arith.addf %add3A_76, %get3A_79 : vector<16xf32>
    %get3A_81 = arith.constant 48 : index
    %get3A_82 = tpu.vector_load %arg10[%get3A_81] {strides = array<i32>} : memref<96xf32, #tpu.memory_space<vmem>>, vector<16xf32>,
    %get3A_83 = vector.shape_cast %get3A_82 : vector<16xf32> to vector<16xf32>
    %add3A_84 = arith.addf %add3A_80, %get3A_83 : vector<16xf32>
    %get3A_85 = arith.constant 64 : index
    %get3A_86 = tpu.vector_load %arg10[%get3A_85] {strides = array<i32>} : memref<96xf32, #tpu.memory_space<vmem>>, vector<16xf32>,
    %get3A_87 = vector.shape_cast %get3A_86 : vector<16xf32> to vector<16xf32>
    %add3A_88 = arith.addf %add3A_84, %get3A_87 : vector<16xf32>
    %get3A_89 = arith.constant 80 : index
    %get3A_90 = tpu.vector_load %arg10[%get3A_89] {strides = array<i32>} : memref<96xf32, #tpu.memory_space<vmem>>, vector<16xf32>,
    %get3A_91 = vector.shape_cast %get3A_90 : vector<16xf32> to vector<16xf32>
    %add3A_92 = arith.addf %add3A_88, %get3A_91 : vector<16xf32>
    %swap3A = arith.constant 0 : index
    %swap3A_93 = tpu.vector_load %arg11[%swap3A] {strides = array<i32>} : memref<16xf32, #tpu.memory_space<vmem>>, vector<16xf32>,
    %swap3A_94 = vector.shape_cast %swap3A_93 : vector<16xf32> to vector<16xf32>
    %swap3A_95 = vector.shape_cast %add3A_92 : vector<16xf32> to vector<16xf32>
    tpu.vector_store %arg11[%swap3A], %swap3A_95 {strides = array<i32>} : memref<16xf32, #tpu.memory_space<vmem>>, vector<16xf32>,
    "tpu.region"() ({
      %run_scoped3A = tpu.sem_alloc : memref<!tpu.dma_semaphore, #tpu.memory_space<semaphore_mem>>
      %dma_start3A_96 = arith.constant 0 : i32
      %dma_start3A_97 = tpu.memref_slice %arg6[%add3A, %dma_start3A_96] : memref<32x16xf32, #tpu.memory_space<hbm>> -> memref<1x16xf32, #tpu.memory_space<hbm>>
      %dma_start3A_98 = tpu.memref_squeeze %dma_start3A_97 : memref<1x16xf32, #tpu.memory_space<hbm>> -> memref<16xf32, #tpu.memory_space<hbm>>
      %dma_start3A_99 = arith.constant 0 : i32
      %dma_start3A_100 = tpu.memref_slice %arg6[%add3A, %dma_start3A_99] : memref<32x16xf32, #tpu.memory_space<hbm>> -> memref<1x16xf32, #tpu.memory_space<hbm>>
      %dma_start3A_101 = tpu.memref_squeeze %dma_start3A_100 : memref<1x16xf32, #tpu.memory_space<hbm>> -> memref<16xf32, #tpu.memory_space<hbm>>
      tpu.enqueue_dma source(%arg11 : memref<16xf32, #tpu.memory_space<vmem>>) target(%dma_start3A_101 : memref<16xf32, #tpu.memory_space<hbm>>) target_semaphore(%run_scoped3A : memref<!tpu.dma_semaphore, #tpu.memory_space<semaphore_mem>>)
      %dma_wait3A_102 = arith.constant 0 : i32
      %dma_wait3A_103 = tpu.memref_slice %arg6[%add3A, %dma_wait3A_102] : memref<32x16xf32, #tpu.memory_space<hbm>> -> memref<1x16xf32, #tpu.memory_space<hbm>>
      %dma_wait3A_104 = tpu.memref_squeeze %dma_wait3A_103 : memref<1x16xf32, #tpu.memory_space<hbm>> -> memref<16xf32, #tpu.memory_space<hbm>>
      %dma_wait3A_105 = arith.constant 0 : i32
      %dma_wait3A_106 = tpu.memref_slice %arg6[%add3A, %dma_wait3A_105] : memref<32x16xf32, #tpu.memory_space<hbm>> -> memref<1x16xf32, #tpu.memory_space<hbm>>
      %dma_wait3A_107 = tpu.memref_squeeze %dma_wait3A_106 : memref<1x16xf32, #tpu.memory_space<hbm>> -> memref<16xf32, #tpu.memory_space<hbm>>
      tpu.wait_dma2 semaphore(%run_scoped3A : memref<!tpu.dma_semaphore, #tpu.memory_space<semaphore_mem>>) src(%arg11 : memref<16xf32, #tpu.memory_space<vmem>>) dst(%dma_wait3A_107 : memref<16xf32, #tpu.memory_space<hbm>>)
      tpu.yield
    }) : () -> ()
    return
  }
}

module attributes {stable_mosaic.version = 14 : i64} {
  func.func @_tc_body(%arg0: i32, %arg1: memref<3072x256xf32, #tpu.memory_space<vmem>>, %arg2: memref<1024x256xf32, #tpu.memory_space<vmem>>, %arg3: memref<3072xi32, #tpu.memory_space<vmem>>, %arg4: memref<1x1xf32, #tpu.memory_space<vmem>>, %arg5: memref<1x1024xf32, #tpu.memory_space<vmem>>) attributes {dimension_semantics = [#tpu.dimension_semantics<arbitrary>], iteration_bounds = array<i64: 2>, scalar_prefetch = 0 : i64, scratch_operands = 0 : i64, tpu.core_type = #tpu.core_type<tc>, window_params = [{transform_indices = @transform_0, window_bounds = array<i64: 3072, 256>}, {pipeline_mode = #tpu.pipeline_mode<synchronous>, transform_indices = @transform_1, window_bounds = array<i64: 1024, 256>}, {transform_indices = @transform_2, window_bounds = array<i64: 3072>}, {pipeline_mode = #tpu.pipeline_mode<synchronous>, transform_indices = @transform_3, window_bounds = array<i64: 1, 1>}, {pipeline_mode = #tpu.pipeline_mode<synchronous>, transform_indices = @transform_4, window_bounds = array<i64: 1, 1024>}]} {
    %get3A = arith.constant 0 : index
    %get3A_0 = arith.constant 0 : index
    %get3A_1 = vector.load %arg2[%get3A, %get3A_0] : memref<1024x256xf32, #tpu.memory_space<vmem>>, vector<1024x256xf32>
    %iota3A = tpu.iota {dimensions = array<i32: 1>} : vector<1x1024xi32>
    %convert_element_type3A = arith.sitofp %iota3A : vector<1x1024xi32> to vector<1x1024xf32>
    %get3A_2 = arith.constant 0 : index
    %get3A_3 = arith.constant 0 : index
    %get3A_4 = vector.load %arg1[%get3A_2, %get3A_3] : memref<3072x256xf32, #tpu.memory_space<vmem>>, vector<256x256xf32>
    %dot_general3A = arith.constant dense<0.000000e+00> : vector<256x1024xf32>
    %dot_general3A_5 = tpu.matmul %get3A_4, %get3A_1, %dot_general3A {dimension_numbers = #tpu.dot_dimension_numbers<[1], [1], [0], [0], [0, 0, 1, 0], [], []>, transpose_lhs_hint = false} : vector<256x256xf32>, vector<1024x256xf32>, vector<256x1024xf32> -> vector<256x1024xf32>
    %reduce_min3A = arith.constant dense<0x7F800000> : vector<256xf32>
    %reduce_min3A_6 = vector.multi_reduction <minimumf>, %dot_general3A_5, %reduce_min3A [1] : vector<256x1024xf32> to vector<256xf32>
    %broadcast_in_dim3A = vector.shape_cast %reduce_min3A_6 : vector<256xf32> to vector<256x1xf32>
    %eq3A = vector.broadcast %broadcast_in_dim3A : vector<256x1xf32> to vector<256x1024xf32>
    %eq3A_7 = arith.cmpf oeq, %dot_general3A_5, %eq3A : vector<256x1024xf32>
    %jit3A = arith.constant 1.024000e+03 : f32
    %broadcast_in_dim3A_8 = vector.shape_cast %convert_element_type3A : vector<1x1024xf32> to vector<1x1024xf32>
    %broadcast_in_dim3A_9 = vector.broadcast %broadcast_in_dim3A_8 : vector<1x1024xf32> to vector<256x1024xf32>
    %broadcast_in_dim3A_10 = vector.broadcast %jit3A : f32 to vector<256x1024xf32>
    %select_n3A = arith.select %eq3A_7, %broadcast_in_dim3A_9, %broadcast_in_dim3A_10 : vector<256x1024xi1>, vector<256x1024xf32>
    %reduce_min3A_11 = arith.constant dense<0x7F800000> : vector<256xf32>
    %reduce_min3A_12 = vector.multi_reduction <minimumf>, %select_n3A, %reduce_min3A_11 [1] : vector<256x1024xf32> to vector<256xf32>
    %convert_element_type3A_13 = arith.fptosi %reduce_min3A_12 : vector<256xf32> to vector<256xi32>
    %swap3A = arith.constant 0 : index
    %swap3A_14 = vector.load %arg3[%swap3A] : memref<3072xi32, #tpu.memory_space<vmem>>, vector<256xi32>
    tpu.vector_store %arg3[%swap3A], %convert_element_type3A_13 {strides = array<i32>} : memref<3072xi32, #tpu.memory_space<vmem>>, vector<256xi32>,
    %mul3A = arith.mulf %get3A_4, %get3A_4 : vector<256x256xf32>
    %reduce_sum3A = vector.shape_cast %mul3A : vector<256x256xf32> to vector<1x256x256xf32>
    %reduce_sum3A_15 = arith.constant dense<0.000000e+00> : vector<1xf32>
    %reduce_sum3A_16 = vector.multi_reduction <add>, %reduce_sum3A, %reduce_sum3A_15 [1, 2] : vector<1x256x256xf32> to vector<1xf32>
    %reduce_sum3A_17 = vector.shape_cast %reduce_sum3A_16 : vector<1xf32> to vector<1x1x1xf32>
    %reduce_sum3A_18 = vector.extract %reduce_sum3A_17[0, 0, 0] : f32 from vector<1x1x1xf32>
    %reduce_sum3A_19 = vector.shape_cast %broadcast_in_dim3A : vector<256x1xf32> to vector<1x256x1xf32>
    %reduce_sum3A_20 = arith.constant dense<0.000000e+00> : vector<1xf32>
    %reduce_sum3A_21 = vector.multi_reduction <add>, %reduce_sum3A_19, %reduce_sum3A_20 [1, 2] : vector<1x256x1xf32> to vector<1xf32>
    %reduce_sum3A_22 = vector.shape_cast %reduce_sum3A_21 : vector<1xf32> to vector<1x1x1xf32>
    %reduce_sum3A_23 = vector.extract %reduce_sum3A_22[0, 0, 0] : f32 from vector<1x1x1xf32>
    %mul3A_24 = arith.constant 2.000000e+00 : f32
    %mul3A_25 = arith.mulf %mul3A_24, %reduce_sum3A_23 : f32
    %sub3A = arith.subf %reduce_sum3A_18, %mul3A_25 : f32
    %add3A = arith.constant 0.000000e+00 : f32
    %add3A_26 = arith.addf %add3A, %sub3A : f32
    %get3A_27 = arith.constant 256 : index
    %get3A_28 = arith.constant 0 : index
    %get3A_29 = vector.load %arg1[%get3A_27, %get3A_28] : memref<3072x256xf32, #tpu.memory_space<vmem>>, vector<256x256xf32>
    %dot_general3A_30 = arith.constant dense<0.000000e+00> : vector<256x1024xf32>
    %dot_general3A_31 = tpu.matmul %get3A_29, %get3A_1, %dot_general3A_30 {dimension_numbers = #tpu.dot_dimension_numbers<[1], [1], [0], [0], [0, 0, 1, 0], [], []>, transpose_lhs_hint = false} : vector<256x256xf32>, vector<1024x256xf32>, vector<256x1024xf32> -> vector<256x1024xf32>
    %reduce_min3A_32 = arith.constant dense<0x7F800000> : vector<256xf32>
    %reduce_min3A_33 = vector.multi_reduction <minimumf>, %dot_general3A_31, %reduce_min3A_32 [1] : vector<256x1024xf32> to vector<256xf32>
    %broadcast_in_dim3A_34 = vector.shape_cast %reduce_min3A_33 : vector<256xf32> to vector<256x1xf32>
    %eq3A_35 = vector.broadcast %broadcast_in_dim3A_34 : vector<256x1xf32> to vector<256x1024xf32>
    %eq3A_36 = arith.cmpf oeq, %dot_general3A_31, %eq3A_35 : vector<256x1024xf32>
    %jit3A_37 = arith.constant 1.024000e+03 : f32
    %broadcast_in_dim3A_38 = vector.shape_cast %convert_element_type3A : vector<1x1024xf32> to vector<1x1024xf32>
    %broadcast_in_dim3A_39 = vector.broadcast %broadcast_in_dim3A_38 : vector<1x1024xf32> to vector<256x1024xf32>
    %broadcast_in_dim3A_40 = vector.broadcast %jit3A_37 : f32 to vector<256x1024xf32>
    %select_n3A_41 = arith.select %eq3A_36, %broadcast_in_dim3A_39, %broadcast_in_dim3A_40 : vector<256x1024xi1>, vector<256x1024xf32>
    %reduce_min3A_42 = arith.constant dense<0x7F800000> : vector<256xf32>
    %reduce_min3A_43 = vector.multi_reduction <minimumf>, %select_n3A_41, %reduce_min3A_42 [1] : vector<256x1024xf32> to vector<256xf32>
    %convert_element_type3A_44 = arith.fptosi %reduce_min3A_43 : vector<256xf32> to vector<256xi32>
    %swap3A_45 = arith.constant 256 : index
    %swap3A_46 = vector.load %arg3[%swap3A_45] : memref<3072xi32, #tpu.memory_space<vmem>>, vector<256xi32>
    tpu.vector_store %arg3[%swap3A_45], %convert_element_type3A_44 {strides = array<i32>} : memref<3072xi32, #tpu.memory_space<vmem>>, vector<256xi32>,
    %mul3A_47 = arith.mulf %get3A_29, %get3A_29 : vector<256x256xf32>
    %reduce_sum3A_48 = vector.shape_cast %mul3A_47 : vector<256x256xf32> to vector<1x256x256xf32>
    %reduce_sum3A_49 = arith.constant dense<0.000000e+00> : vector<1xf32>
    %reduce_sum3A_50 = vector.multi_reduction <add>, %reduce_sum3A_48, %reduce_sum3A_49 [1, 2] : vector<1x256x256xf32> to vector<1xf32>
    %reduce_sum3A_51 = vector.shape_cast %reduce_sum3A_50 : vector<1xf32> to vector<1x1x1xf32>
    %reduce_sum3A_52 = vector.extract %reduce_sum3A_51[0, 0, 0] : f32 from vector<1x1x1xf32>
    %reduce_sum3A_53 = vector.shape_cast %broadcast_in_dim3A_34 : vector<256x1xf32> to vector<1x256x1xf32>
    %reduce_sum3A_54 = arith.constant dense<0.000000e+00> : vector<1xf32>
    %reduce_sum3A_55 = vector.multi_reduction <add>, %reduce_sum3A_53, %reduce_sum3A_54 [1, 2] : vector<1x256x1xf32> to vector<1xf32>
    %reduce_sum3A_56 = vector.shape_cast %reduce_sum3A_55 : vector<1xf32> to vector<1x1x1xf32>
    %reduce_sum3A_57 = vector.extract %reduce_sum3A_56[0, 0, 0] : f32 from vector<1x1x1xf32>
    %mul3A_58 = arith.constant 2.000000e+00 : f32
    %mul3A_59 = arith.mulf %mul3A_58, %reduce_sum3A_57 : f32
    %sub3A_60 = arith.subf %reduce_sum3A_52, %mul3A_59 : f32
    %add3A_61 = arith.addf %add3A_26, %sub3A_60 : f32
    %get3A_62 = arith.constant 512 : index
    %get3A_63 = arith.constant 0 : index
    %get3A_64 = vector.load %arg1[%get3A_62, %get3A_63] : memref<3072x256xf32, #tpu.memory_space<vmem>>, vector<256x256xf32>
    %dot_general3A_65 = arith.constant dense<0.000000e+00> : vector<256x1024xf32>
    %dot_general3A_66 = tpu.matmul %get3A_64, %get3A_1, %dot_general3A_65 {dimension_numbers = #tpu.dot_dimension_numbers<[1], [1], [0], [0], [0, 0, 1, 0], [], []>, transpose_lhs_hint = false} : vector<256x256xf32>, vector<1024x256xf32>, vector<256x1024xf32> -> vector<256x1024xf32>
    %reduce_min3A_67 = arith.constant dense<0x7F800000> : vector<256xf32>
    %reduce_min3A_68 = vector.multi_reduction <minimumf>, %dot_general3A_66, %reduce_min3A_67 [1] : vector<256x1024xf32> to vector<256xf32>
    %broadcast_in_dim3A_69 = vector.shape_cast %reduce_min3A_68 : vector<256xf32> to vector<256x1xf32>
    %eq3A_70 = vector.broadcast %broadcast_in_dim3A_69 : vector<256x1xf32> to vector<256x1024xf32>
    %eq3A_71 = arith.cmpf oeq, %dot_general3A_66, %eq3A_70 : vector<256x1024xf32>
    %jit3A_72 = arith.constant 1.024000e+03 : f32
    %broadcast_in_dim3A_73 = vector.shape_cast %convert_element_type3A : vector<1x1024xf32> to vector<1x1024xf32>
    %broadcast_in_dim3A_74 = vector.broadcast %broadcast_in_dim3A_73 : vector<1x1024xf32> to vector<256x1024xf32>
    %broadcast_in_dim3A_75 = vector.broadcast %jit3A_72 : f32 to vector<256x1024xf32>
    %select_n3A_76 = arith.select %eq3A_71, %broadcast_in_dim3A_74, %broadcast_in_dim3A_75 : vector<256x1024xi1>, vector<256x1024xf32>
    %reduce_min3A_77 = arith.constant dense<0x7F800000> : vector<256xf32>
    %reduce_min3A_78 = vector.multi_reduction <minimumf>, %select_n3A_76, %reduce_min3A_77 [1] : vector<256x1024xf32> to vector<256xf32>
    %convert_element_type3A_79 = arith.fptosi %reduce_min3A_78 : vector<256xf32> to vector<256xi32>
    %swap3A_80 = arith.constant 512 : index
    %swap3A_81 = vector.load %arg3[%swap3A_80] : memref<3072xi32, #tpu.memory_space<vmem>>, vector<256xi32>
    tpu.vector_store %arg3[%swap3A_80], %convert_element_type3A_79 {strides = array<i32>} : memref<3072xi32, #tpu.memory_space<vmem>>, vector<256xi32>,
    %mul3A_82 = arith.mulf %get3A_64, %get3A_64 : vector<256x256xf32>
    %reduce_sum3A_83 = vector.shape_cast %mul3A_82 : vector<256x256xf32> to vector<1x256x256xf32>
    %reduce_sum3A_84 = arith.constant dense<0.000000e+00> : vector<1xf32>
    %reduce_sum3A_85 = vector.multi_reduction <add>, %reduce_sum3A_83, %reduce_sum3A_84 [1, 2] : vector<1x256x256xf32> to vector<1xf32>
    %reduce_sum3A_86 = vector.shape_cast %reduce_sum3A_85 : vector<1xf32> to vector<1x1x1xf32>
    %reduce_sum3A_87 = vector.extract %reduce_sum3A_86[0, 0, 0] : f32 from vector<1x1x1xf32>
    %reduce_sum3A_88 = vector.shape_cast %broadcast_in_dim3A_69 : vector<256x1xf32> to vector<1x256x1xf32>
    %reduce_sum3A_89 = arith.constant dense<0.000000e+00> : vector<1xf32>
    %reduce_sum3A_90 = vector.multi_reduction <add>, %reduce_sum3A_88, %reduce_sum3A_89 [1, 2] : vector<1x256x1xf32> to vector<1xf32>
    %reduce_sum3A_91 = vector.shape_cast %reduce_sum3A_90 : vector<1xf32> to vector<1x1x1xf32>
    %reduce_sum3A_92 = vector.extract %reduce_sum3A_91[0, 0, 0] : f32 from vector<1x1x1xf32>
    %mul3A_93 = arith.constant 2.000000e+00 : f32
    %mul3A_94 = arith.mulf %mul3A_93, %reduce_sum3A_92 : f32
    %sub3A_95 = arith.subf %reduce_sum3A_87, %mul3A_94 : f32
    %add3A_96 = arith.addf %add3A_61, %sub3A_95 : f32
    %get3A_97 = arith.constant 768 : index
    %get3A_98 = arith.constant 0 : index
    %get3A_99 = vector.load %arg1[%get3A_97, %get3A_98] : memref<3072x256xf32, #tpu.memory_space<vmem>>, vector<256x256xf32>
    %dot_general3A_100 = arith.constant dense<0.000000e+00> : vector<256x1024xf32>
    %dot_general3A_101 = tpu.matmul %get3A_99, %get3A_1, %dot_general3A_100 {dimension_numbers = #tpu.dot_dimension_numbers<[1], [1], [0], [0], [0, 0, 1, 0], [], []>, transpose_lhs_hint = false} : vector<256x256xf32>, vector<1024x256xf32>, vector<256x1024xf32> -> vector<256x1024xf32>
    %reduce_min3A_102 = arith.constant dense<0x7F800000> : vector<256xf32>
    %reduce_min3A_103 = vector.multi_reduction <minimumf>, %dot_general3A_101, %reduce_min3A_102 [1] : vector<256x1024xf32> to vector<256xf32>
    %broadcast_in_dim3A_104 = vector.shape_cast %reduce_min3A_103 : vector<256xf32> to vector<256x1xf32>
    %eq3A_105 = vector.broadcast %broadcast_in_dim3A_104 : vector<256x1xf32> to vector<256x1024xf32>
    %eq3A_106 = arith.cmpf oeq, %dot_general3A_101, %eq3A_105 : vector<256x1024xf32>
    %jit3A_107 = arith.constant 1.024000e+03 : f32
    %broadcast_in_dim3A_108 = vector.shape_cast %convert_element_type3A : vector<1x1024xf32> to vector<1x1024xf32>
    %broadcast_in_dim3A_109 = vector.broadcast %broadcast_in_dim3A_108 : vector<1x1024xf32> to vector<256x1024xf32>
    %broadcast_in_dim3A_110 = vector.broadcast %jit3A_107 : f32 to vector<256x1024xf32>
    %select_n3A_111 = arith.select %eq3A_106, %broadcast_in_dim3A_109, %broadcast_in_dim3A_110 : vector<256x1024xi1>, vector<256x1024xf32>
    %reduce_min3A_112 = arith.constant dense<0x7F800000> : vector<256xf32>
    %reduce_min3A_113 = vector.multi_reduction <minimumf>, %select_n3A_111, %reduce_min3A_112 [1] : vector<256x1024xf32> to vector<256xf32>
    %convert_element_type3A_114 = arith.fptosi %reduce_min3A_113 : vector<256xf32> to vector<256xi32>
    %swap3A_115 = arith.constant 768 : index
    %swap3A_116 = vector.load %arg3[%swap3A_115] : memref<3072xi32, #tpu.memory_space<vmem>>, vector<256xi32>
    tpu.vector_store %arg3[%swap3A_115], %convert_element_type3A_114 {strides = array<i32>} : memref<3072xi32, #tpu.memory_space<vmem>>, vector<256xi32>,
    %mul3A_117 = arith.mulf %get3A_99, %get3A_99 : vector<256x256xf32>
    %reduce_sum3A_118 = vector.shape_cast %mul3A_117 : vector<256x256xf32> to vector<1x256x256xf32>
    %reduce_sum3A_119 = arith.constant dense<0.000000e+00> : vector<1xf32>
    %reduce_sum3A_120 = vector.multi_reduction <add>, %reduce_sum3A_118, %reduce_sum3A_119 [1, 2] : vector<1x256x256xf32> to vector<1xf32>
    %reduce_sum3A_121 = vector.shape_cast %reduce_sum3A_120 : vector<1xf32> to vector<1x1x1xf32>
    %reduce_sum3A_122 = vector.extract %reduce_sum3A_121[0, 0, 0] : f32 from vector<1x1x1xf32>
    %reduce_sum3A_123 = vector.shape_cast %broadcast_in_dim3A_104 : vector<256x1xf32> to vector<1x256x1xf32>
    %reduce_sum3A_124 = arith.constant dense<0.000000e+00> : vector<1xf32>
    %reduce_sum3A_125 = vector.multi_reduction <add>, %reduce_sum3A_123, %reduce_sum3A_124 [1, 2] : vector<1x256x1xf32> to vector<1xf32>
    %reduce_sum3A_126 = vector.shape_cast %reduce_sum3A_125 : vector<1xf32> to vector<1x1x1xf32>
    %reduce_sum3A_127 = vector.extract %reduce_sum3A_126[0, 0, 0] : f32 from vector<1x1x1xf32>
    %mul3A_128 = arith.constant 2.000000e+00 : f32
    %mul3A_129 = arith.mulf %mul3A_128, %reduce_sum3A_127 : f32
    %sub3A_130 = arith.subf %reduce_sum3A_122, %mul3A_129 : f32
    %add3A_131 = arith.addf %add3A_96, %sub3A_130 : f32
    %get3A_132 = arith.constant 1024 : index
    %get3A_133 = arith.constant 0 : index
    %get3A_134 = vector.load %arg1[%get3A_132, %get3A_133] : memref<3072x256xf32, #tpu.memory_space<vmem>>, vector<256x256xf32>
    %dot_general3A_135 = arith.constant dense<0.000000e+00> : vector<256x1024xf32>
    %dot_general3A_136 = tpu.matmul %get3A_134, %get3A_1, %dot_general3A_135 {dimension_numbers = #tpu.dot_dimension_numbers<[1], [1], [0], [0], [0, 0, 1, 0], [], []>, transpose_lhs_hint = false} : vector<256x256xf32>, vector<1024x256xf32>, vector<256x1024xf32> -> vector<256x1024xf32>
    %reduce_min3A_137 = arith.constant dense<0x7F800000> : vector<256xf32>
    %reduce_min3A_138 = vector.multi_reduction <minimumf>, %dot_general3A_136, %reduce_min3A_137 [1] : vector<256x1024xf32> to vector<256xf32>
    %broadcast_in_dim3A_139 = vector.shape_cast %reduce_min3A_138 : vector<256xf32> to vector<256x1xf32>
    %eq3A_140 = vector.broadcast %broadcast_in_dim3A_139 : vector<256x1xf32> to vector<256x1024xf32>
    %eq3A_141 = arith.cmpf oeq, %dot_general3A_136, %eq3A_140 : vector<256x1024xf32>
    %jit3A_142 = arith.constant 1.024000e+03 : f32
    %broadcast_in_dim3A_143 = vector.shape_cast %convert_element_type3A : vector<1x1024xf32> to vector<1x1024xf32>
    %broadcast_in_dim3A_144 = vector.broadcast %broadcast_in_dim3A_143 : vector<1x1024xf32> to vector<256x1024xf32>
    %broadcast_in_dim3A_145 = vector.broadcast %jit3A_142 : f32 to vector<256x1024xf32>
    %select_n3A_146 = arith.select %eq3A_141, %broadcast_in_dim3A_144, %broadcast_in_dim3A_145 : vector<256x1024xi1>, vector<256x1024xf32>
    %reduce_min3A_147 = arith.constant dense<0x7F800000> : vector<256xf32>
    %reduce_min3A_148 = vector.multi_reduction <minimumf>, %select_n3A_146, %reduce_min3A_147 [1] : vector<256x1024xf32> to vector<256xf32>
    %convert_element_type3A_149 = arith.fptosi %reduce_min3A_148 : vector<256xf32> to vector<256xi32>
    %swap3A_150 = arith.constant 1024 : index
    %swap3A_151 = vector.load %arg3[%swap3A_150] : memref<3072xi32, #tpu.memory_space<vmem>>, vector<256xi32>
    tpu.vector_store %arg3[%swap3A_150], %convert_element_type3A_149 {strides = array<i32>} : memref<3072xi32, #tpu.memory_space<vmem>>, vector<256xi32>,
    %mul3A_152 = arith.mulf %get3A_134, %get3A_134 : vector<256x256xf32>
    %reduce_sum3A_153 = vector.shape_cast %mul3A_152 : vector<256x256xf32> to vector<1x256x256xf32>
    %reduce_sum3A_154 = arith.constant dense<0.000000e+00> : vector<1xf32>
    %reduce_sum3A_155 = vector.multi_reduction <add>, %reduce_sum3A_153, %reduce_sum3A_154 [1, 2] : vector<1x256x256xf32> to vector<1xf32>
    %reduce_sum3A_156 = vector.shape_cast %reduce_sum3A_155 : vector<1xf32> to vector<1x1x1xf32>
    %reduce_sum3A_157 = vector.extract %reduce_sum3A_156[0, 0, 0] : f32 from vector<1x1x1xf32>
    %reduce_sum3A_158 = vector.shape_cast %broadcast_in_dim3A_139 : vector<256x1xf32> to vector<1x256x1xf32>
    %reduce_sum3A_159 = arith.constant dense<0.000000e+00> : vector<1xf32>
    %reduce_sum3A_160 = vector.multi_reduction <add>, %reduce_sum3A_158, %reduce_sum3A_159 [1, 2] : vector<1x256x1xf32> to vector<1xf32>
    %reduce_sum3A_161 = vector.shape_cast %reduce_sum3A_160 : vector<1xf32> to vector<1x1x1xf32>
    %reduce_sum3A_162 = vector.extract %reduce_sum3A_161[0, 0, 0] : f32 from vector<1x1x1xf32>
    %mul3A_163 = arith.constant 2.000000e+00 : f32
    %mul3A_164 = arith.mulf %mul3A_163, %reduce_sum3A_162 : f32
    %sub3A_165 = arith.subf %reduce_sum3A_157, %mul3A_164 : f32
    %add3A_166 = arith.addf %add3A_131, %sub3A_165 : f32
    %get3A_167 = arith.constant 1280 : index
    %get3A_168 = arith.constant 0 : index
    %get3A_169 = vector.load %arg1[%get3A_167, %get3A_168] : memref<3072x256xf32, #tpu.memory_space<vmem>>, vector<256x256xf32>
    %dot_general3A_170 = arith.constant dense<0.000000e+00> : vector<256x1024xf32>
    %dot_general3A_171 = tpu.matmul %get3A_169, %get3A_1, %dot_general3A_170 {dimension_numbers = #tpu.dot_dimension_numbers<[1], [1], [0], [0], [0, 0, 1, 0], [], []>, transpose_lhs_hint = false} : vector<256x256xf32>, vector<1024x256xf32>, vector<256x1024xf32> -> vector<256x1024xf32>
    %reduce_min3A_172 = arith.constant dense<0x7F800000> : vector<256xf32>
    %reduce_min3A_173 = vector.multi_reduction <minimumf>, %dot_general3A_171, %reduce_min3A_172 [1] : vector<256x1024xf32> to vector<256xf32>
    %broadcast_in_dim3A_174 = vector.shape_cast %reduce_min3A_173 : vector<256xf32> to vector<256x1xf32>
    %eq3A_175 = vector.broadcast %broadcast_in_dim3A_174 : vector<256x1xf32> to vector<256x1024xf32>
    %eq3A_176 = arith.cmpf oeq, %dot_general3A_171, %eq3A_175 : vector<256x1024xf32>
    %jit3A_177 = arith.constant 1.024000e+03 : f32
    %broadcast_in_dim3A_178 = vector.shape_cast %convert_element_type3A : vector<1x1024xf32> to vector<1x1024xf32>
    %broadcast_in_dim3A_179 = vector.broadcast %broadcast_in_dim3A_178 : vector<1x1024xf32> to vector<256x1024xf32>
    %broadcast_in_dim3A_180 = vector.broadcast %jit3A_177 : f32 to vector<256x1024xf32>
    %select_n3A_181 = arith.select %eq3A_176, %broadcast_in_dim3A_179, %broadcast_in_dim3A_180 : vector<256x1024xi1>, vector<256x1024xf32>
    %reduce_min3A_182 = arith.constant dense<0x7F800000> : vector<256xf32>
    %reduce_min3A_183 = vector.multi_reduction <minimumf>, %select_n3A_181, %reduce_min3A_182 [1] : vector<256x1024xf32> to vector<256xf32>
    %convert_element_type3A_184 = arith.fptosi %reduce_min3A_183 : vector<256xf32> to vector<256xi32>
    %swap3A_185 = arith.constant 1280 : index
    %swap3A_186 = vector.load %arg3[%swap3A_185] : memref<3072xi32, #tpu.memory_space<vmem>>, vector<256xi32>
    tpu.vector_store %arg3[%swap3A_185], %convert_element_type3A_184 {strides = array<i32>} : memref<3072xi32, #tpu.memory_space<vmem>>, vector<256xi32>,
    %mul3A_187 = arith.mulf %get3A_169, %get3A_169 : vector<256x256xf32>
    %reduce_sum3A_188 = vector.shape_cast %mul3A_187 : vector<256x256xf32> to vector<1x256x256xf32>
    %reduce_sum3A_189 = arith.constant dense<0.000000e+00> : vector<1xf32>
    %reduce_sum3A_190 = vector.multi_reduction <add>, %reduce_sum3A_188, %reduce_sum3A_189 [1, 2] : vector<1x256x256xf32> to vector<1xf32>
    %reduce_sum3A_191 = vector.shape_cast %reduce_sum3A_190 : vector<1xf32> to vector<1x1x1xf32>
    %reduce_sum3A_192 = vector.extract %reduce_sum3A_191[0, 0, 0] : f32 from vector<1x1x1xf32>
    %reduce_sum3A_193 = vector.shape_cast %broadcast_in_dim3A_174 : vector<256x1xf32> to vector<1x256x1xf32>
    %reduce_sum3A_194 = arith.constant dense<0.000000e+00> : vector<1xf32>
    %reduce_sum3A_195 = vector.multi_reduction <add>, %reduce_sum3A_193, %reduce_sum3A_194 [1, 2] : vector<1x256x1xf32> to vector<1xf32>
    %reduce_sum3A_196 = vector.shape_cast %reduce_sum3A_195 : vector<1xf32> to vector<1x1x1xf32>
    %reduce_sum3A_197 = vector.extract %reduce_sum3A_196[0, 0, 0] : f32 from vector<1x1x1xf32>
    %mul3A_198 = arith.constant 2.000000e+00 : f32
    %mul3A_199 = arith.mulf %mul3A_198, %reduce_sum3A_197 : f32
    %sub3A_200 = arith.subf %reduce_sum3A_192, %mul3A_199 : f32
    %add3A_201 = arith.addf %add3A_166, %sub3A_200 : f32
    %get3A_202 = arith.constant 1536 : index
    %get3A_203 = arith.constant 0 : index
    %get3A_204 = vector.load %arg1[%get3A_202, %get3A_203] : memref<3072x256xf32, #tpu.memory_space<vmem>>, vector<256x256xf32>
    %dot_general3A_205 = arith.constant dense<0.000000e+00> : vector<256x1024xf32>
    %dot_general3A_206 = tpu.matmul %get3A_204, %get3A_1, %dot_general3A_205 {dimension_numbers = #tpu.dot_dimension_numbers<[1], [1], [0], [0], [0, 0, 1, 0], [], []>, transpose_lhs_hint = false} : vector<256x256xf32>, vector<1024x256xf32>, vector<256x1024xf32> -> vector<256x1024xf32>
    %reduce_min3A_207 = arith.constant dense<0x7F800000> : vector<256xf32>
    %reduce_min3A_208 = vector.multi_reduction <minimumf>, %dot_general3A_206, %reduce_min3A_207 [1] : vector<256x1024xf32> to vector<256xf32>
    %broadcast_in_dim3A_209 = vector.shape_cast %reduce_min3A_208 : vector<256xf32> to vector<256x1xf32>
    %eq3A_210 = vector.broadcast %broadcast_in_dim3A_209 : vector<256x1xf32> to vector<256x1024xf32>
    %eq3A_211 = arith.cmpf oeq, %dot_general3A_206, %eq3A_210 : vector<256x1024xf32>
    %jit3A_212 = arith.constant 1.024000e+03 : f32
    %broadcast_in_dim3A_213 = vector.shape_cast %convert_element_type3A : vector<1x1024xf32> to vector<1x1024xf32>
    %broadcast_in_dim3A_214 = vector.broadcast %broadcast_in_dim3A_213 : vector<1x1024xf32> to vector<256x1024xf32>
    %broadcast_in_dim3A_215 = vector.broadcast %jit3A_212 : f32 to vector<256x1024xf32>
    %select_n3A_216 = arith.select %eq3A_211, %broadcast_in_dim3A_214, %broadcast_in_dim3A_215 : vector<256x1024xi1>, vector<256x1024xf32>
    %reduce_min3A_217 = arith.constant dense<0x7F800000> : vector<256xf32>
    %reduce_min3A_218 = vector.multi_reduction <minimumf>, %select_n3A_216, %reduce_min3A_217 [1] : vector<256x1024xf32> to vector<256xf32>
    %convert_element_type3A_219 = arith.fptosi %reduce_min3A_218 : vector<256xf32> to vector<256xi32>
    %swap3A_220 = arith.constant 1536 : index
    %swap3A_221 = vector.load %arg3[%swap3A_220] : memref<3072xi32, #tpu.memory_space<vmem>>, vector<256xi32>
    tpu.vector_store %arg3[%swap3A_220], %convert_element_type3A_219 {strides = array<i32>} : memref<3072xi32, #tpu.memory_space<vmem>>, vector<256xi32>,
    %mul3A_222 = arith.mulf %get3A_204, %get3A_204 : vector<256x256xf32>
    %reduce_sum3A_223 = vector.shape_cast %mul3A_222 : vector<256x256xf32> to vector<1x256x256xf32>
    %reduce_sum3A_224 = arith.constant dense<0.000000e+00> : vector<1xf32>
    %reduce_sum3A_225 = vector.multi_reduction <add>, %reduce_sum3A_223, %reduce_sum3A_224 [1, 2] : vector<1x256x256xf32> to vector<1xf32>
    %reduce_sum3A_226 = vector.shape_cast %reduce_sum3A_225 : vector<1xf32> to vector<1x1x1xf32>
    %reduce_sum3A_227 = vector.extract %reduce_sum3A_226[0, 0, 0] : f32 from vector<1x1x1xf32>
    %reduce_sum3A_228 = vector.shape_cast %broadcast_in_dim3A_209 : vector<256x1xf32> to vector<1x256x1xf32>
    %reduce_sum3A_229 = arith.constant dense<0.000000e+00> : vector<1xf32>
    %reduce_sum3A_230 = vector.multi_reduction <add>, %reduce_sum3A_228, %reduce_sum3A_229 [1, 2] : vector<1x256x1xf32> to vector<1xf32>
    %reduce_sum3A_231 = vector.shape_cast %reduce_sum3A_230 : vector<1xf32> to vector<1x1x1xf32>
    %reduce_sum3A_232 = vector.extract %reduce_sum3A_231[0, 0, 0] : f32 from vector<1x1x1xf32>
    %mul3A_233 = arith.constant 2.000000e+00 : f32
    %mul3A_234 = arith.mulf %mul3A_233, %reduce_sum3A_232 : f32
    %sub3A_235 = arith.subf %reduce_sum3A_227, %mul3A_234 : f32
    %add3A_236 = arith.addf %add3A_201, %sub3A_235 : f32
    %get3A_237 = arith.constant 1792 : index
    %get3A_238 = arith.constant 0 : index
    %get3A_239 = vector.load %arg1[%get3A_237, %get3A_238] : memref<3072x256xf32, #tpu.memory_space<vmem>>, vector<256x256xf32>
    %dot_general3A_240 = arith.constant dense<0.000000e+00> : vector<256x1024xf32>
    %dot_general3A_241 = tpu.matmul %get3A_239, %get3A_1, %dot_general3A_240 {dimension_numbers = #tpu.dot_dimension_numbers<[1], [1], [0], [0], [0, 0, 1, 0], [], []>, transpose_lhs_hint = false} : vector<256x256xf32>, vector<1024x256xf32>, vector<256x1024xf32> -> vector<256x1024xf32>
    %reduce_min3A_242 = arith.constant dense<0x7F800000> : vector<256xf32>
    %reduce_min3A_243 = vector.multi_reduction <minimumf>, %dot_general3A_241, %reduce_min3A_242 [1] : vector<256x1024xf32> to vector<256xf32>
    %broadcast_in_dim3A_244 = vector.shape_cast %reduce_min3A_243 : vector<256xf32> to vector<256x1xf32>
    %eq3A_245 = vector.broadcast %broadcast_in_dim3A_244 : vector<256x1xf32> to vector<256x1024xf32>
    %eq3A_246 = arith.cmpf oeq, %dot_general3A_241, %eq3A_245 : vector<256x1024xf32>
    %jit3A_247 = arith.constant 1.024000e+03 : f32
    %broadcast_in_dim3A_248 = vector.shape_cast %convert_element_type3A : vector<1x1024xf32> to vector<1x1024xf32>
    %broadcast_in_dim3A_249 = vector.broadcast %broadcast_in_dim3A_248 : vector<1x1024xf32> to vector<256x1024xf32>
    %broadcast_in_dim3A_250 = vector.broadcast %jit3A_247 : f32 to vector<256x1024xf32>
    %select_n3A_251 = arith.select %eq3A_246, %broadcast_in_dim3A_249, %broadcast_in_dim3A_250 : vector<256x1024xi1>, vector<256x1024xf32>
    %reduce_min3A_252 = arith.constant dense<0x7F800000> : vector<256xf32>
    %reduce_min3A_253 = vector.multi_reduction <minimumf>, %select_n3A_251, %reduce_min3A_252 [1] : vector<256x1024xf32> to vector<256xf32>
    %convert_element_type3A_254 = arith.fptosi %reduce_min3A_253 : vector<256xf32> to vector<256xi32>
    %swap3A_255 = arith.constant 1792 : index
    %swap3A_256 = vector.load %arg3[%swap3A_255] : memref<3072xi32, #tpu.memory_space<vmem>>, vector<256xi32>
    tpu.vector_store %arg3[%swap3A_255], %convert_element_type3A_254 {strides = array<i32>} : memref<3072xi32, #tpu.memory_space<vmem>>, vector<256xi32>,
    %mul3A_257 = arith.mulf %get3A_239, %get3A_239 : vector<256x256xf32>
    %reduce_sum3A_258 = vector.shape_cast %mul3A_257 : vector<256x256xf32> to vector<1x256x256xf32>
    %reduce_sum3A_259 = arith.constant dense<0.000000e+00> : vector<1xf32>
    %reduce_sum3A_260 = vector.multi_reduction <add>, %reduce_sum3A_258, %reduce_sum3A_259 [1, 2] : vector<1x256x256xf32> to vector<1xf32>
    %reduce_sum3A_261 = vector.shape_cast %reduce_sum3A_260 : vector<1xf32> to vector<1x1x1xf32>
    %reduce_sum3A_262 = vector.extract %reduce_sum3A_261[0, 0, 0] : f32 from vector<1x1x1xf32>
    %reduce_sum3A_263 = vector.shape_cast %broadcast_in_dim3A_244 : vector<256x1xf32> to vector<1x256x1xf32>
    %reduce_sum3A_264 = arith.constant dense<0.000000e+00> : vector<1xf32>
    %reduce_sum3A_265 = vector.multi_reduction <add>, %reduce_sum3A_263, %reduce_sum3A_264 [1, 2] : vector<1x256x1xf32> to vector<1xf32>
    %reduce_sum3A_266 = vector.shape_cast %reduce_sum3A_265 : vector<1xf32> to vector<1x1x1xf32>
    %reduce_sum3A_267 = vector.extract %reduce_sum3A_266[0, 0, 0] : f32 from vector<1x1x1xf32>
    %mul3A_268 = arith.constant 2.000000e+00 : f32
    %mul3A_269 = arith.mulf %mul3A_268, %reduce_sum3A_267 : f32
    %sub3A_270 = arith.subf %reduce_sum3A_262, %mul3A_269 : f32
    %add3A_271 = arith.addf %add3A_236, %sub3A_270 : f32
    %get3A_272 = arith.constant 2048 : index
    %get3A_273 = arith.constant 0 : index
    %get3A_274 = vector.load %arg1[%get3A_272, %get3A_273] : memref<3072x256xf32, #tpu.memory_space<vmem>>, vector<256x256xf32>
    %dot_general3A_275 = arith.constant dense<0.000000e+00> : vector<256x1024xf32>
    %dot_general3A_276 = tpu.matmul %get3A_274, %get3A_1, %dot_general3A_275 {dimension_numbers = #tpu.dot_dimension_numbers<[1], [1], [0], [0], [0, 0, 1, 0], [], []>, transpose_lhs_hint = false} : vector<256x256xf32>, vector<1024x256xf32>, vector<256x1024xf32> -> vector<256x1024xf32>
    %reduce_min3A_277 = arith.constant dense<0x7F800000> : vector<256xf32>
    %reduce_min3A_278 = vector.multi_reduction <minimumf>, %dot_general3A_276, %reduce_min3A_277 [1] : vector<256x1024xf32> to vector<256xf32>
    %broadcast_in_dim3A_279 = vector.shape_cast %reduce_min3A_278 : vector<256xf32> to vector<256x1xf32>
    %eq3A_280 = vector.broadcast %broadcast_in_dim3A_279 : vector<256x1xf32> to vector<256x1024xf32>
    %eq3A_281 = arith.cmpf oeq, %dot_general3A_276, %eq3A_280 : vector<256x1024xf32>
    %jit3A_282 = arith.constant 1.024000e+03 : f32
    %broadcast_in_dim3A_283 = vector.shape_cast %convert_element_type3A : vector<1x1024xf32> to vector<1x1024xf32>
    %broadcast_in_dim3A_284 = vector.broadcast %broadcast_in_dim3A_283 : vector<1x1024xf32> to vector<256x1024xf32>
    %broadcast_in_dim3A_285 = vector.broadcast %jit3A_282 : f32 to vector<256x1024xf32>
    %select_n3A_286 = arith.select %eq3A_281, %broadcast_in_dim3A_284, %broadcast_in_dim3A_285 : vector<256x1024xi1>, vector<256x1024xf32>
    %reduce_min3A_287 = arith.constant dense<0x7F800000> : vector<256xf32>
    %reduce_min3A_288 = vector.multi_reduction <minimumf>, %select_n3A_286, %reduce_min3A_287 [1] : vector<256x1024xf32> to vector<256xf32>
    %convert_element_type3A_289 = arith.fptosi %reduce_min3A_288 : vector<256xf32> to vector<256xi32>
    %swap3A_290 = arith.constant 2048 : index
    %swap3A_291 = vector.load %arg3[%swap3A_290] : memref<3072xi32, #tpu.memory_space<vmem>>, vector<256xi32>
    tpu.vector_store %arg3[%swap3A_290], %convert_element_type3A_289 {strides = array<i32>} : memref<3072xi32, #tpu.memory_space<vmem>>, vector<256xi32>,
    %mul3A_292 = arith.mulf %get3A_274, %get3A_274 : vector<256x256xf32>
    %reduce_sum3A_293 = vector.shape_cast %mul3A_292 : vector<256x256xf32> to vector<1x256x256xf32>
    %reduce_sum3A_294 = arith.constant dense<0.000000e+00> : vector<1xf32>
    %reduce_sum3A_295 = vector.multi_reduction <add>, %reduce_sum3A_293, %reduce_sum3A_294 [1, 2] : vector<1x256x256xf32> to vector<1xf32>
    %reduce_sum3A_296 = vector.shape_cast %reduce_sum3A_295 : vector<1xf32> to vector<1x1x1xf32>
    %reduce_sum3A_297 = vector.extract %reduce_sum3A_296[0, 0, 0] : f32 from vector<1x1x1xf32>
    %reduce_sum3A_298 = vector.shape_cast %broadcast_in_dim3A_279 : vector<256x1xf32> to vector<1x256x1xf32>
    %reduce_sum3A_299 = arith.constant dense<0.000000e+00> : vector<1xf32>
    %reduce_sum3A_300 = vector.multi_reduction <add>, %reduce_sum3A_298, %reduce_sum3A_299 [1, 2] : vector<1x256x1xf32> to vector<1xf32>
    %reduce_sum3A_301 = vector.shape_cast %reduce_sum3A_300 : vector<1xf32> to vector<1x1x1xf32>
    %reduce_sum3A_302 = vector.extract %reduce_sum3A_301[0, 0, 0] : f32 from vector<1x1x1xf32>
    %mul3A_303 = arith.constant 2.000000e+00 : f32
    %mul3A_304 = arith.mulf %mul3A_303, %reduce_sum3A_302 : f32
    %sub3A_305 = arith.subf %reduce_sum3A_297, %mul3A_304 : f32
    %add3A_306 = arith.addf %add3A_271, %sub3A_305 : f32
    %get3A_307 = arith.constant 2304 : index
    %get3A_308 = arith.constant 0 : index
    %get3A_309 = vector.load %arg1[%get3A_307, %get3A_308] : memref<3072x256xf32, #tpu.memory_space<vmem>>, vector<256x256xf32>
    %dot_general3A_310 = arith.constant dense<0.000000e+00> : vector<256x1024xf32>
    %dot_general3A_311 = tpu.matmul %get3A_309, %get3A_1, %dot_general3A_310 {dimension_numbers = #tpu.dot_dimension_numbers<[1], [1], [0], [0], [0, 0, 1, 0], [], []>, transpose_lhs_hint = false} : vector<256x256xf32>, vector<1024x256xf32>, vector<256x1024xf32> -> vector<256x1024xf32>
    %reduce_min3A_312 = arith.constant dense<0x7F800000> : vector<256xf32>
    %reduce_min3A_313 = vector.multi_reduction <minimumf>, %dot_general3A_311, %reduce_min3A_312 [1] : vector<256x1024xf32> to vector<256xf32>
    %broadcast_in_dim3A_314 = vector.shape_cast %reduce_min3A_313 : vector<256xf32> to vector<256x1xf32>
    %eq3A_315 = vector.broadcast %broadcast_in_dim3A_314 : vector<256x1xf32> to vector<256x1024xf32>
    %eq3A_316 = arith.cmpf oeq, %dot_general3A_311, %eq3A_315 : vector<256x1024xf32>
    %jit3A_317 = arith.constant 1.024000e+03 : f32
    %broadcast_in_dim3A_318 = vector.shape_cast %convert_element_type3A : vector<1x1024xf32> to vector<1x1024xf32>
    %broadcast_in_dim3A_319 = vector.broadcast %broadcast_in_dim3A_318 : vector<1x1024xf32> to vector<256x1024xf32>
    %broadcast_in_dim3A_320 = vector.broadcast %jit3A_317 : f32 to vector<256x1024xf32>
    %select_n3A_321 = arith.select %eq3A_316, %broadcast_in_dim3A_319, %broadcast_in_dim3A_320 : vector<256x1024xi1>, vector<256x1024xf32>
    %reduce_min3A_322 = arith.constant dense<0x7F800000> : vector<256xf32>
    %reduce_min3A_323 = vector.multi_reduction <minimumf>, %select_n3A_321, %reduce_min3A_322 [1] : vector<256x1024xf32> to vector<256xf32>
    %convert_element_type3A_324 = arith.fptosi %reduce_min3A_323 : vector<256xf32> to vector<256xi32>
    %swap3A_325 = arith.constant 2304 : index
    %swap3A_326 = vector.load %arg3[%swap3A_325] : memref<3072xi32, #tpu.memory_space<vmem>>, vector<256xi32>
    tpu.vector_store %arg3[%swap3A_325], %convert_element_type3A_324 {strides = array<i32>} : memref<3072xi32, #tpu.memory_space<vmem>>, vector<256xi32>,
    %mul3A_327 = arith.mulf %get3A_309, %get3A_309 : vector<256x256xf32>
    %reduce_sum3A_328 = vector.shape_cast %mul3A_327 : vector<256x256xf32> to vector<1x256x256xf32>
    %reduce_sum3A_329 = arith.constant dense<0.000000e+00> : vector<1xf32>
    %reduce_sum3A_330 = vector.multi_reduction <add>, %reduce_sum3A_328, %reduce_sum3A_329 [1, 2] : vector<1x256x256xf32> to vector<1xf32>
    %reduce_sum3A_331 = vector.shape_cast %reduce_sum3A_330 : vector<1xf32> to vector<1x1x1xf32>
    %reduce_sum3A_332 = vector.extract %reduce_sum3A_331[0, 0, 0] : f32 from vector<1x1x1xf32>
    %reduce_sum3A_333 = vector.shape_cast %broadcast_in_dim3A_314 : vector<256x1xf32> to vector<1x256x1xf32>
    %reduce_sum3A_334 = arith.constant dense<0.000000e+00> : vector<1xf32>
    %reduce_sum3A_335 = vector.multi_reduction <add>, %reduce_sum3A_333, %reduce_sum3A_334 [1, 2] : vector<1x256x1xf32> to vector<1xf32>
    %reduce_sum3A_336 = vector.shape_cast %reduce_sum3A_335 : vector<1xf32> to vector<1x1x1xf32>
    %reduce_sum3A_337 = vector.extract %reduce_sum3A_336[0, 0, 0] : f32 from vector<1x1x1xf32>
    %mul3A_338 = arith.constant 2.000000e+00 : f32
    %mul3A_339 = arith.mulf %mul3A_338, %reduce_sum3A_337 : f32
    %sub3A_340 = arith.subf %reduce_sum3A_332, %mul3A_339 : f32
    %add3A_341 = arith.addf %add3A_306, %sub3A_340 : f32
    %get3A_342 = arith.constant 2560 : index
    %get3A_343 = arith.constant 0 : index
    %get3A_344 = vector.load %arg1[%get3A_342, %get3A_343] : memref<3072x256xf32, #tpu.memory_space<vmem>>, vector<256x256xf32>
    %dot_general3A_345 = arith.constant dense<0.000000e+00> : vector<256x1024xf32>
    %dot_general3A_346 = tpu.matmul %get3A_344, %get3A_1, %dot_general3A_345 {dimension_numbers = #tpu.dot_dimension_numbers<[1], [1], [0], [0], [0, 0, 1, 0], [], []>, transpose_lhs_hint = false} : vector<256x256xf32>, vector<1024x256xf32>, vector<256x1024xf32> -> vector<256x1024xf32>
    %reduce_min3A_347 = arith.constant dense<0x7F800000> : vector<256xf32>
    %reduce_min3A_348 = vector.multi_reduction <minimumf>, %dot_general3A_346, %reduce_min3A_347 [1] : vector<256x1024xf32> to vector<256xf32>
    %broadcast_in_dim3A_349 = vector.shape_cast %reduce_min3A_348 : vector<256xf32> to vector<256x1xf32>
    %eq3A_350 = vector.broadcast %broadcast_in_dim3A_349 : vector<256x1xf32> to vector<256x1024xf32>
    %eq3A_351 = arith.cmpf oeq, %dot_general3A_346, %eq3A_350 : vector<256x1024xf32>
    %jit3A_352 = arith.constant 1.024000e+03 : f32
    %broadcast_in_dim3A_353 = vector.shape_cast %convert_element_type3A : vector<1x1024xf32> to vector<1x1024xf32>
    %broadcast_in_dim3A_354 = vector.broadcast %broadcast_in_dim3A_353 : vector<1x1024xf32> to vector<256x1024xf32>
    %broadcast_in_dim3A_355 = vector.broadcast %jit3A_352 : f32 to vector<256x1024xf32>
    %select_n3A_356 = arith.select %eq3A_351, %broadcast_in_dim3A_354, %broadcast_in_dim3A_355 : vector<256x1024xi1>, vector<256x1024xf32>
    %reduce_min3A_357 = arith.constant dense<0x7F800000> : vector<256xf32>
    %reduce_min3A_358 = vector.multi_reduction <minimumf>, %select_n3A_356, %reduce_min3A_357 [1] : vector<256x1024xf32> to vector<256xf32>
    %convert_element_type3A_359 = arith.fptosi %reduce_min3A_358 : vector<256xf32> to vector<256xi32>
    %swap3A_360 = arith.constant 2560 : index
    %swap3A_361 = vector.load %arg3[%swap3A_360] : memref<3072xi32, #tpu.memory_space<vmem>>, vector<256xi32>
    tpu.vector_store %arg3[%swap3A_360], %convert_element_type3A_359 {strides = array<i32>} : memref<3072xi32, #tpu.memory_space<vmem>>, vector<256xi32>,
    %mul3A_362 = arith.mulf %get3A_344, %get3A_344 : vector<256x256xf32>
    %reduce_sum3A_363 = vector.shape_cast %mul3A_362 : vector<256x256xf32> to vector<1x256x256xf32>
    %reduce_sum3A_364 = arith.constant dense<0.000000e+00> : vector<1xf32>
    %reduce_sum3A_365 = vector.multi_reduction <add>, %reduce_sum3A_363, %reduce_sum3A_364 [1, 2] : vector<1x256x256xf32> to vector<1xf32>
    %reduce_sum3A_366 = vector.shape_cast %reduce_sum3A_365 : vector<1xf32> to vector<1x1x1xf32>
    %reduce_sum3A_367 = vector.extract %reduce_sum3A_366[0, 0, 0] : f32 from vector<1x1x1xf32>
    %reduce_sum3A_368 = vector.shape_cast %broadcast_in_dim3A_349 : vector<256x1xf32> to vector<1x256x1xf32>
    %reduce_sum3A_369 = arith.constant dense<0.000000e+00> : vector<1xf32>
    %reduce_sum3A_370 = vector.multi_reduction <add>, %reduce_sum3A_368, %reduce_sum3A_369 [1, 2] : vector<1x256x1xf32> to vector<1xf32>
    %reduce_sum3A_371 = vector.shape_cast %reduce_sum3A_370 : vector<1xf32> to vector<1x1x1xf32>
    %reduce_sum3A_372 = vector.extract %reduce_sum3A_371[0, 0, 0] : f32 from vector<1x1x1xf32>
    %mul3A_373 = arith.constant 2.000000e+00 : f32
    %mul3A_374 = arith.mulf %mul3A_373, %reduce_sum3A_372 : f32
    %sub3A_375 = arith.subf %reduce_sum3A_367, %mul3A_374 : f32
    %add3A_376 = arith.addf %add3A_341, %sub3A_375 : f32
    %get3A_377 = arith.constant 2816 : index
    %get3A_378 = arith.constant 0 : index
    %get3A_379 = vector.load %arg1[%get3A_377, %get3A_378] : memref<3072x256xf32, #tpu.memory_space<vmem>>, vector<256x256xf32>
    %dot_general3A_380 = arith.constant dense<0.000000e+00> : vector<256x1024xf32>
    %dot_general3A_381 = tpu.matmul %get3A_379, %get3A_1, %dot_general3A_380 {dimension_numbers = #tpu.dot_dimension_numbers<[1], [1], [0], [0], [0, 0, 1, 0], [], []>, transpose_lhs_hint = false} : vector<256x256xf32>, vector<1024x256xf32>, vector<256x1024xf32> -> vector<256x1024xf32>
    %reduce_min3A_382 = arith.constant dense<0x7F800000> : vector<256xf32>
    %reduce_min3A_383 = vector.multi_reduction <minimumf>, %dot_general3A_381, %reduce_min3A_382 [1] : vector<256x1024xf32> to vector<256xf32>
    %broadcast_in_dim3A_384 = vector.shape_cast %reduce_min3A_383 : vector<256xf32> to vector<256x1xf32>
    %eq3A_385 = vector.broadcast %broadcast_in_dim3A_384 : vector<256x1xf32> to vector<256x1024xf32>
    %eq3A_386 = arith.cmpf oeq, %dot_general3A_381, %eq3A_385 : vector<256x1024xf32>
    %jit3A_387 = arith.constant 1.024000e+03 : f32
    %broadcast_in_dim3A_388 = vector.shape_cast %convert_element_type3A : vector<1x1024xf32> to vector<1x1024xf32>
    %broadcast_in_dim3A_389 = vector.broadcast %broadcast_in_dim3A_388 : vector<1x1024xf32> to vector<256x1024xf32>
    %broadcast_in_dim3A_390 = vector.broadcast %jit3A_387 : f32 to vector<256x1024xf32>
    %select_n3A_391 = arith.select %eq3A_386, %broadcast_in_dim3A_389, %broadcast_in_dim3A_390 : vector<256x1024xi1>, vector<256x1024xf32>
    %reduce_min3A_392 = arith.constant dense<0x7F800000> : vector<256xf32>
    %reduce_min3A_393 = vector.multi_reduction <minimumf>, %select_n3A_391, %reduce_min3A_392 [1] : vector<256x1024xf32> to vector<256xf32>
    %convert_element_type3A_394 = arith.fptosi %reduce_min3A_393 : vector<256xf32> to vector<256xi32>
    %swap3A_395 = arith.constant 2816 : index
    %swap3A_396 = vector.load %arg3[%swap3A_395] : memref<3072xi32, #tpu.memory_space<vmem>>, vector<256xi32>
    tpu.vector_store %arg3[%swap3A_395], %convert_element_type3A_394 {strides = array<i32>} : memref<3072xi32, #tpu.memory_space<vmem>>, vector<256xi32>,
    %mul3A_397 = arith.mulf %get3A_379, %get3A_379 : vector<256x256xf32>
    %reduce_sum3A_398 = vector.shape_cast %mul3A_397 : vector<256x256xf32> to vector<1x256x256xf32>
    %reduce_sum3A_399 = arith.constant dense<0.000000e+00> : vector<1xf32>
    %reduce_sum3A_400 = vector.multi_reduction <add>, %reduce_sum3A_398, %reduce_sum3A_399 [1, 2] : vector<1x256x256xf32> to vector<1xf32>
    %reduce_sum3A_401 = vector.shape_cast %reduce_sum3A_400 : vector<1xf32> to vector<1x1x1xf32>
    %reduce_sum3A_402 = vector.extract %reduce_sum3A_401[0, 0, 0] : f32 from vector<1x1x1xf32>
    %reduce_sum3A_403 = vector.shape_cast %broadcast_in_dim3A_384 : vector<256x1xf32> to vector<1x256x1xf32>
    %reduce_sum3A_404 = arith.constant dense<0.000000e+00> : vector<1xf32>
    %reduce_sum3A_405 = vector.multi_reduction <add>, %reduce_sum3A_403, %reduce_sum3A_404 [1, 2] : vector<1x256x1xf32> to vector<1xf32>
    %reduce_sum3A_406 = vector.shape_cast %reduce_sum3A_405 : vector<1xf32> to vector<1x1x1xf32>
    %reduce_sum3A_407 = vector.extract %reduce_sum3A_406[0, 0, 0] : f32 from vector<1x1x1xf32>
    %mul3A_408 = arith.constant 2.000000e+00 : f32
    %mul3A_409 = arith.mulf %mul3A_408, %reduce_sum3A_407 : f32
    %sub3A_410 = arith.subf %reduce_sum3A_402, %mul3A_409 : f32
    %add3A_411 = arith.addf %add3A_376, %sub3A_410 : f32
    %eq3A_412 = arith.constant 0 : i32
    %eq3A_413 = arith.cmpi eq, %arg0, %eq3A_412 : i32
    %convert_element_type3A_414 = arith.extui %eq3A_413 : i1 to i32
    %cond3A = arith.constant 0 : i32
    %cond3A_415 = arith.cmpi ne, %convert_element_type3A_414, %cond3A : i32
    scf.if %cond3A_415 {
      %broadcast_in_dim3A_433 = arith.constant 1.000000e+00 : f32
      %broadcast_in_dim3A_434 = vector.broadcast %broadcast_in_dim3A_433 : f32 to vector<1x256xf32>
      %mul3A_435 = arith.mulf %get3A_1, %get3A_1 : vector<1024x256xf32>
      %dot_general3A_436 = arith.constant dense<0.000000e+00> : vector<1x1024xf32>
      %dot_general3A_437 = tpu.matmul %broadcast_in_dim3A_434, %mul3A_435, %dot_general3A_436 {dimension_numbers = #tpu.dot_dimension_numbers<[1], [1], [0], [0], [0, 0, 1, 0], [], []>, transpose_lhs_hint = false} : vector<1x256xf32>, vector<1024x256xf32>, vector<1x1024xf32> -> vector<1x1024xf32>
      %swap3A_438 = arith.constant 0 : index
      %swap3A_439 = arith.constant 0 : index
      %swap3A_440 = vector.load %arg5[%swap3A_438, %swap3A_439] : memref<1x1024xf32, #tpu.memory_space<vmem>>, vector<1x1024xf32>
      tpu.vector_store %arg5[%swap3A_438, %swap3A_439], %dot_general3A_437 {strides = array<i32>} : memref<1x1024xf32, #tpu.memory_space<vmem>>, vector<1x1024xf32>,
    } else {
    }
    %eq3A_416 = arith.constant 0 : i32
    %eq3A_417 = arith.cmpi eq, %arg0, %eq3A_416 : i32
    %convert_element_type3A_418 = arith.extui %eq3A_417 : i1 to i32
    %cond3A_419 = arith.constant 0 : i32
    %cond3A_420 = arith.cmpi ne, %convert_element_type3A_418, %cond3A_419 : i32
    scf.if %cond3A_420 {
      %broadcast_in_dim3A_433 = arith.constant 0.000000e+00 : f32
      %broadcast_in_dim3A_434 = vector.broadcast %broadcast_in_dim3A_433 : f32 to vector<1x1xf32>
      %swap3A_435 = arith.constant 0 : index
      %swap3A_436 = arith.constant 0 : index
      %swap3A_437 = vector.load %arg4[%swap3A_435, %swap3A_436] : memref<1x1xf32, #tpu.memory_space<vmem>>, vector<1x1xf32>
      tpu.vector_store %arg4[%swap3A_435, %swap3A_436], %broadcast_in_dim3A_434 {strides = array<i32>} : memref<1x1xf32, #tpu.memory_space<vmem>>, vector<1x1xf32>,
    } else {
    }
    %get3A_421 = arith.constant 0 : index
    %get3A_422 = arith.constant 0 : index
    %get3A_423 = vector.load %arg4[%get3A_421, %get3A_422] : memref<1x1xf32, #tpu.memory_space<vmem>>, vector<1x1xf32>
    %reshape3A = vector.broadcast %add3A_411 : f32 to vector<1x1xf32>
    %add3A_424 = arith.addf %get3A_423, %reshape3A : vector<1x1xf32>
    %swap3A_425 = arith.constant 0 : index
    %swap3A_426 = arith.constant 0 : index
    %swap3A_427 = vector.load %arg4[%swap3A_425, %swap3A_426] : memref<1x1xf32, #tpu.memory_space<vmem>>, vector<1x1xf32>
    tpu.vector_store %arg4[%swap3A_425, %swap3A_426], %add3A_424 {strides = array<i32>} : memref<1x1xf32, #tpu.memory_space<vmem>>, vector<1x1xf32>,
    %eq3A_428 = arith.constant 1 : i32
    %eq3A_429 = arith.cmpi eq, %arg0, %eq3A_428 : i32
    %convert_element_type3A_430 = arith.extui %eq3A_429 : i1 to i32
    %cond3A_431 = arith.constant 0 : i32
    %cond3A_432 = arith.cmpi ne, %convert_element_type3A_430, %cond3A_431 : i32
    scf.if %cond3A_432 {
      %get3A_433 = arith.constant 0 : index
      %get3A_434 = arith.constant 0 : index
      %get3A_435 = vector.load %arg4[%get3A_433, %get3A_434] : memref<1x1xf32, #tpu.memory_space<vmem>>, vector<1x1xf32>
      %mul3A_436 = arith.constant 2.64909545E-7 : f32
      %mul3A_437 = vector.broadcast %mul3A_436 : f32 to vector<1x1xf32>
      %mul3A_438 = arith.mulf %get3A_435, %mul3A_437 : vector<1x1xf32>
      %swap3A_439 = arith.constant 0 : index
      %swap3A_440 = arith.constant 0 : index
      %swap3A_441 = vector.load %arg4[%swap3A_439, %swap3A_440] : memref<1x1xf32, #tpu.memory_space<vmem>>, vector<1x1xf32>
      tpu.vector_store %arg4[%swap3A_439, %swap3A_440], %mul3A_438 {strides = array<i32>} : memref<1x1xf32, #tpu.memory_space<vmem>>, vector<1x1xf32>,
    } else {
    }
    return
  }
  func.func @transform_0(%arg0: i32) -> (i32, i32) {
    %add3A = arith.constant 2 : i32
    %add3A_0 = arith.addi %add3A, %arg0 : i32
    %c0_i32 = arith.constant 0 : i32
    %c0_i32_1 = arith.constant 0 : i32
    return %add3A_0, %c0_i32 : i32, i32
  }
  func.func @transform_1(%arg0: i32) -> (i32, i32) {
    %c0_i32 = arith.constant 0 : i32
    %c0_i32_0 = arith.constant 0 : i32
    %c0_i32_1 = arith.constant 0 : i32
    return %c0_i32, %c0_i32_0 : i32, i32
  }
  func.func @transform_2(%arg0: i32) -> i32 {
    %c0_i32 = arith.constant 0 : i32
    return %arg0 : i32
  }
  func.func @transform_3(%arg0: i32) -> (i32, i32) {
    %c0_i32 = arith.constant 0 : i32
    %c0_i32_0 = arith.constant 0 : i32
    %c0_i32_1 = arith.constant 0 : i32
    return %c0_i32, %c0_i32_0 : i32, i32
  }
  func.func @transform_4(%arg0: i32) -> (i32, i32) {
    %c0_i32 = arith.constant 0 : i32
    %c0_i32_0 = arith.constant 0 : i32
    %c0_i32_1 = arith.constant 0 : i32
    return %c0_i32, %c0_i32_0 : i32, i32
  }
}

module attributes {stable_mosaic.version = 14 : i64} {
  func.func @_tc_body(%arg0: i32, %arg1: memref<3072x256xf32, #tpu.memory_space<vmem>>, %arg2: memref<1024x256xf32, #tpu.memory_space<vmem>>, %arg3: memref<3072xi32, #tpu.memory_space<vmem>>, %arg4: memref<1x1xf32, #tpu.memory_space<vmem>>, %arg5: memref<1x1024xf32, #tpu.memory_space<vmem>>) attributes {dimension_semantics = [#tpu.dimension_semantics<arbitrary>], iteration_bounds = array<i64: 2>, scalar_prefetch = 0 : i64, scratch_operands = 0 : i64, tpu.core_type = #tpu.core_type<tc>, window_params = [{transform_indices = @transform_0, window_bounds = array<i64: 3072, 256>}, {pipeline_mode = #tpu.pipeline_mode<synchronous>, transform_indices = @transform_1, window_bounds = array<i64: 1024, 256>}, {transform_indices = @transform_2, window_bounds = array<i64: 3072>}, {pipeline_mode = #tpu.pipeline_mode<synchronous>, transform_indices = @transform_3, window_bounds = array<i64: 1, 1>}, {pipeline_mode = #tpu.pipeline_mode<synchronous>, transform_indices = @transform_4, window_bounds = array<i64: 1, 1024>}]} {
    %get3A = arith.constant 0 : index
    %get3A_0 = arith.constant 0 : index
    %get3A_1 = vector.load %arg2[%get3A, %get3A_0] : memref<1024x256xf32, #tpu.memory_space<vmem>>, vector<1024x256xf32>
    %iota3A = tpu.iota {dimensions = array<i32: 1>} : vector<1x1024xi32>
    %convert_element_type3A = arith.sitofp %iota3A : vector<1x1024xi32> to vector<1x1024xf32>
    %get3A_2 = arith.constant 0 : index
    %get3A_3 = arith.constant 0 : index
    %get3A_4 = vector.load %arg1[%get3A_2, %get3A_3] : memref<3072x256xf32, #tpu.memory_space<vmem>>, vector<256x256xf32>
    %dot_general3A = arith.constant dense<0.000000e+00> : vector<256x1024xf32>
    %dot_general3A_5 = tpu.matmul %get3A_4, %get3A_1, %dot_general3A {dimension_numbers = #tpu.dot_dimension_numbers<[1], [1], [0], [0], [0, 0, 1, 0], [], []>, transpose_lhs_hint = false} : vector<256x256xf32>, vector<1024x256xf32>, vector<256x1024xf32> -> vector<256x1024xf32>
    %reduce_min3A = arith.constant dense<0x7F800000> : vector<256xf32>
    %reduce_min3A_6 = vector.multi_reduction <minimumf>, %dot_general3A_5, %reduce_min3A [1] : vector<256x1024xf32> to vector<256xf32>
    %broadcast_in_dim3A = vector.shape_cast %reduce_min3A_6 : vector<256xf32> to vector<256x1xf32>
    %eq3A = vector.broadcast %broadcast_in_dim3A : vector<256x1xf32> to vector<256x1024xf32>
    %eq3A_7 = arith.cmpf oeq, %dot_general3A_5, %eq3A : vector<256x1024xf32>
    %jit3A = arith.constant 1.024000e+03 : f32
    %broadcast_in_dim3A_8 = vector.shape_cast %convert_element_type3A : vector<1x1024xf32> to vector<1x1024xf32>
    %broadcast_in_dim3A_9 = vector.broadcast %broadcast_in_dim3A_8 : vector<1x1024xf32> to vector<256x1024xf32>
    %broadcast_in_dim3A_10 = vector.broadcast %jit3A : f32 to vector<256x1024xf32>
    %select_n3A = arith.select %eq3A_7, %broadcast_in_dim3A_9, %broadcast_in_dim3A_10 : vector<256x1024xi1>, vector<256x1024xf32>
    %reduce_min3A_11 = arith.constant dense<0x7F800000> : vector<256xf32>
    %reduce_min3A_12 = vector.multi_reduction <minimumf>, %select_n3A, %reduce_min3A_11 [1] : vector<256x1024xf32> to vector<256xf32>
    %convert_element_type3A_13 = arith.fptosi %reduce_min3A_12 : vector<256xf32> to vector<256xi32>
    %swap3A = arith.constant 0 : index
    %swap3A_14 = vector.load %arg3[%swap3A] : memref<3072xi32, #tpu.memory_space<vmem>>, vector<256xi32>
    tpu.vector_store %arg3[%swap3A], %convert_element_type3A_13 {strides = array<i32>} : memref<3072xi32, #tpu.memory_space<vmem>>, vector<256xi32>,
    %mul3A = arith.mulf %get3A_4, %get3A_4 : vector<256x256xf32>
    %reduce_sum3A = vector.shape_cast %mul3A : vector<256x256xf32> to vector<1x256x256xf32>
    %reduce_sum3A_15 = arith.constant dense<0.000000e+00> : vector<1xf32>
    %reduce_sum3A_16 = vector.multi_reduction <add>, %reduce_sum3A, %reduce_sum3A_15 [1, 2] : vector<1x256x256xf32> to vector<1xf32>
    %reduce_sum3A_17 = vector.shape_cast %reduce_sum3A_16 : vector<1xf32> to vector<1x1x1xf32>
    %reduce_sum3A_18 = vector.extract %reduce_sum3A_17[0, 0, 0] : f32 from vector<1x1x1xf32>
    %reduce_sum3A_19 = vector.shape_cast %broadcast_in_dim3A : vector<256x1xf32> to vector<1x256x1xf32>
    %reduce_sum3A_20 = arith.constant dense<0.000000e+00> : vector<1xf32>
    %reduce_sum3A_21 = vector.multi_reduction <add>, %reduce_sum3A_19, %reduce_sum3A_20 [1, 2] : vector<1x256x1xf32> to vector<1xf32>
    %reduce_sum3A_22 = vector.shape_cast %reduce_sum3A_21 : vector<1xf32> to vector<1x1x1xf32>
    %reduce_sum3A_23 = vector.extract %reduce_sum3A_22[0, 0, 0] : f32 from vector<1x1x1xf32>
    %mul3A_24 = arith.constant 2.000000e+00 : f32
    %mul3A_25 = arith.mulf %mul3A_24, %reduce_sum3A_23 : f32
    %sub3A = arith.subf %reduce_sum3A_18, %mul3A_25 : f32
    %add3A = arith.constant 0.000000e+00 : f32
    %add3A_26 = arith.addf %add3A, %sub3A : f32
    %get3A_27 = arith.constant 256 : index
    %get3A_28 = arith.constant 0 : index
    %get3A_29 = vector.load %arg1[%get3A_27, %get3A_28] : memref<3072x256xf32, #tpu.memory_space<vmem>>, vector<256x256xf32>
    %dot_general3A_30 = arith.constant dense<0.000000e+00> : vector<256x1024xf32>
    %dot_general3A_31 = tpu.matmul %get3A_29, %get3A_1, %dot_general3A_30 {dimension_numbers = #tpu.dot_dimension_numbers<[1], [1], [0], [0], [0, 0, 1, 0], [], []>, transpose_lhs_hint = false} : vector<256x256xf32>, vector<1024x256xf32>, vector<256x1024xf32> -> vector<256x1024xf32>
    %reduce_min3A_32 = arith.constant dense<0x7F800000> : vector<256xf32>
    %reduce_min3A_33 = vector.multi_reduction <minimumf>, %dot_general3A_31, %reduce_min3A_32 [1] : vector<256x1024xf32> to vector<256xf32>
    %broadcast_in_dim3A_34 = vector.shape_cast %reduce_min3A_33 : vector<256xf32> to vector<256x1xf32>
    %eq3A_35 = vector.broadcast %broadcast_in_dim3A_34 : vector<256x1xf32> to vector<256x1024xf32>
    %eq3A_36 = arith.cmpf oeq, %dot_general3A_31, %eq3A_35 : vector<256x1024xf32>
    %jit3A_37 = arith.constant 1.024000e+03 : f32
    %broadcast_in_dim3A_38 = vector.shape_cast %convert_element_type3A : vector<1x1024xf32> to vector<1x1024xf32>
    %broadcast_in_dim3A_39 = vector.broadcast %broadcast_in_dim3A_38 : vector<1x1024xf32> to vector<256x1024xf32>
    %broadcast_in_dim3A_40 = vector.broadcast %jit3A_37 : f32 to vector<256x1024xf32>
    %select_n3A_41 = arith.select %eq3A_36, %broadcast_in_dim3A_39, %broadcast_in_dim3A_40 : vector<256x1024xi1>, vector<256x1024xf32>
    %reduce_min3A_42 = arith.constant dense<0x7F800000> : vector<256xf32>
    %reduce_min3A_43 = vector.multi_reduction <minimumf>, %select_n3A_41, %reduce_min3A_42 [1] : vector<256x1024xf32> to vector<256xf32>
    %convert_element_type3A_44 = arith.fptosi %reduce_min3A_43 : vector<256xf32> to vector<256xi32>
    %swap3A_45 = arith.constant 256 : index
    %swap3A_46 = vector.load %arg3[%swap3A_45] : memref<3072xi32, #tpu.memory_space<vmem>>, vector<256xi32>
    tpu.vector_store %arg3[%swap3A_45], %convert_element_type3A_44 {strides = array<i32>} : memref<3072xi32, #tpu.memory_space<vmem>>, vector<256xi32>,
    %mul3A_47 = arith.mulf %get3A_29, %get3A_29 : vector<256x256xf32>
    %reduce_sum3A_48 = vector.shape_cast %mul3A_47 : vector<256x256xf32> to vector<1x256x256xf32>
    %reduce_sum3A_49 = arith.constant dense<0.000000e+00> : vector<1xf32>
    %reduce_sum3A_50 = vector.multi_reduction <add>, %reduce_sum3A_48, %reduce_sum3A_49 [1, 2] : vector<1x256x256xf32> to vector<1xf32>
    %reduce_sum3A_51 = vector.shape_cast %reduce_sum3A_50 : vector<1xf32> to vector<1x1x1xf32>
    %reduce_sum3A_52 = vector.extract %reduce_sum3A_51[0, 0, 0] : f32 from vector<1x1x1xf32>
    %reduce_sum3A_53 = vector.shape_cast %broadcast_in_dim3A_34 : vector<256x1xf32> to vector<1x256x1xf32>
    %reduce_sum3A_54 = arith.constant dense<0.000000e+00> : vector<1xf32>
    %reduce_sum3A_55 = vector.multi_reduction <add>, %reduce_sum3A_53, %reduce_sum3A_54 [1, 2] : vector<1x256x1xf32> to vector<1xf32>
    %reduce_sum3A_56 = vector.shape_cast %reduce_sum3A_55 : vector<1xf32> to vector<1x1x1xf32>
    %reduce_sum3A_57 = vector.extract %reduce_sum3A_56[0, 0, 0] : f32 from vector<1x1x1xf32>
    %mul3A_58 = arith.constant 2.000000e+00 : f32
    %mul3A_59 = arith.mulf %mul3A_58, %reduce_sum3A_57 : f32
    %sub3A_60 = arith.subf %reduce_sum3A_52, %mul3A_59 : f32
    %add3A_61 = arith.addf %add3A_26, %sub3A_60 : f32
    %get3A_62 = arith.constant 512 : index
    %get3A_63 = arith.constant 0 : index
    %get3A_64 = vector.load %arg1[%get3A_62, %get3A_63] : memref<3072x256xf32, #tpu.memory_space<vmem>>, vector<256x256xf32>
    %dot_general3A_65 = arith.constant dense<0.000000e+00> : vector<256x1024xf32>
    %dot_general3A_66 = tpu.matmul %get3A_64, %get3A_1, %dot_general3A_65 {dimension_numbers = #tpu.dot_dimension_numbers<[1], [1], [0], [0], [0, 0, 1, 0], [], []>, transpose_lhs_hint = false} : vector<256x256xf32>, vector<1024x256xf32>, vector<256x1024xf32> -> vector<256x1024xf32>
    %reduce_min3A_67 = arith.constant dense<0x7F800000> : vector<256xf32>
    %reduce_min3A_68 = vector.multi_reduction <minimumf>, %dot_general3A_66, %reduce_min3A_67 [1] : vector<256x1024xf32> to vector<256xf32>
    %broadcast_in_dim3A_69 = vector.shape_cast %reduce_min3A_68 : vector<256xf32> to vector<256x1xf32>
    %eq3A_70 = vector.broadcast %broadcast_in_dim3A_69 : vector<256x1xf32> to vector<256x1024xf32>
    %eq3A_71 = arith.cmpf oeq, %dot_general3A_66, %eq3A_70 : vector<256x1024xf32>
    %jit3A_72 = arith.constant 1.024000e+03 : f32
    %broadcast_in_dim3A_73 = vector.shape_cast %convert_element_type3A : vector<1x1024xf32> to vector<1x1024xf32>
    %broadcast_in_dim3A_74 = vector.broadcast %broadcast_in_dim3A_73 : vector<1x1024xf32> to vector<256x1024xf32>
    %broadcast_in_dim3A_75 = vector.broadcast %jit3A_72 : f32 to vector<256x1024xf32>
    %select_n3A_76 = arith.select %eq3A_71, %broadcast_in_dim3A_74, %broadcast_in_dim3A_75 : vector<256x1024xi1>, vector<256x1024xf32>
    %reduce_min3A_77 = arith.constant dense<0x7F800000> : vector<256xf32>
    %reduce_min3A_78 = vector.multi_reduction <minimumf>, %select_n3A_76, %reduce_min3A_77 [1] : vector<256x1024xf32> to vector<256xf32>
    %convert_element_type3A_79 = arith.fptosi %reduce_min3A_78 : vector<256xf32> to vector<256xi32>
    %swap3A_80 = arith.constant 512 : index
    %swap3A_81 = vector.load %arg3[%swap3A_80] : memref<3072xi32, #tpu.memory_space<vmem>>, vector<256xi32>
    tpu.vector_store %arg3[%swap3A_80], %convert_element_type3A_79 {strides = array<i32>} : memref<3072xi32, #tpu.memory_space<vmem>>, vector<256xi32>,
    %mul3A_82 = arith.mulf %get3A_64, %get3A_64 : vector<256x256xf32>
    %reduce_sum3A_83 = vector.shape_cast %mul3A_82 : vector<256x256xf32> to vector<1x256x256xf32>
    %reduce_sum3A_84 = arith.constant dense<0.000000e+00> : vector<1xf32>
    %reduce_sum3A_85 = vector.multi_reduction <add>, %reduce_sum3A_83, %reduce_sum3A_84 [1, 2] : vector<1x256x256xf32> to vector<1xf32>
    %reduce_sum3A_86 = vector.shape_cast %reduce_sum3A_85 : vector<1xf32> to vector<1x1x1xf32>
    %reduce_sum3A_87 = vector.extract %reduce_sum3A_86[0, 0, 0] : f32 from vector<1x1x1xf32>
    %reduce_sum3A_88 = vector.shape_cast %broadcast_in_dim3A_69 : vector<256x1xf32> to vector<1x256x1xf32>
    %reduce_sum3A_89 = arith.constant dense<0.000000e+00> : vector<1xf32>
    %reduce_sum3A_90 = vector.multi_reduction <add>, %reduce_sum3A_88, %reduce_sum3A_89 [1, 2] : vector<1x256x1xf32> to vector<1xf32>
    %reduce_sum3A_91 = vector.shape_cast %reduce_sum3A_90 : vector<1xf32> to vector<1x1x1xf32>
    %reduce_sum3A_92 = vector.extract %reduce_sum3A_91[0, 0, 0] : f32 from vector<1x1x1xf32>
    %mul3A_93 = arith.constant 2.000000e+00 : f32
    %mul3A_94 = arith.mulf %mul3A_93, %reduce_sum3A_92 : f32
    %sub3A_95 = arith.subf %reduce_sum3A_87, %mul3A_94 : f32
    %add3A_96 = arith.addf %add3A_61, %sub3A_95 : f32
    %get3A_97 = arith.constant 768 : index
    %get3A_98 = arith.constant 0 : index
    %get3A_99 = vector.load %arg1[%get3A_97, %get3A_98] : memref<3072x256xf32, #tpu.memory_space<vmem>>, vector<256x256xf32>
    %dot_general3A_100 = arith.constant dense<0.000000e+00> : vector<256x1024xf32>
    %dot_general3A_101 = tpu.matmul %get3A_99, %get3A_1, %dot_general3A_100 {dimension_numbers = #tpu.dot_dimension_numbers<[1], [1], [0], [0], [0, 0, 1, 0], [], []>, transpose_lhs_hint = false} : vector<256x256xf32>, vector<1024x256xf32>, vector<256x1024xf32> -> vector<256x1024xf32>
    %reduce_min3A_102 = arith.constant dense<0x7F800000> : vector<256xf32>
    %reduce_min3A_103 = vector.multi_reduction <minimumf>, %dot_general3A_101, %reduce_min3A_102 [1] : vector<256x1024xf32> to vector<256xf32>
    %broadcast_in_dim3A_104 = vector.shape_cast %reduce_min3A_103 : vector<256xf32> to vector<256x1xf32>
    %eq3A_105 = vector.broadcast %broadcast_in_dim3A_104 : vector<256x1xf32> to vector<256x1024xf32>
    %eq3A_106 = arith.cmpf oeq, %dot_general3A_101, %eq3A_105 : vector<256x1024xf32>
    %jit3A_107 = arith.constant 1.024000e+03 : f32
    %broadcast_in_dim3A_108 = vector.shape_cast %convert_element_type3A : vector<1x1024xf32> to vector<1x1024xf32>
    %broadcast_in_dim3A_109 = vector.broadcast %broadcast_in_dim3A_108 : vector<1x1024xf32> to vector<256x1024xf32>
    %broadcast_in_dim3A_110 = vector.broadcast %jit3A_107 : f32 to vector<256x1024xf32>
    %select_n3A_111 = arith.select %eq3A_106, %broadcast_in_dim3A_109, %broadcast_in_dim3A_110 : vector<256x1024xi1>, vector<256x1024xf32>
    %reduce_min3A_112 = arith.constant dense<0x7F800000> : vector<256xf32>
    %reduce_min3A_113 = vector.multi_reduction <minimumf>, %select_n3A_111, %reduce_min3A_112 [1] : vector<256x1024xf32> to vector<256xf32>
    %convert_element_type3A_114 = arith.fptosi %reduce_min3A_113 : vector<256xf32> to vector<256xi32>
    %swap3A_115 = arith.constant 768 : index
    %swap3A_116 = vector.load %arg3[%swap3A_115] : memref<3072xi32, #tpu.memory_space<vmem>>, vector<256xi32>
    tpu.vector_store %arg3[%swap3A_115], %convert_element_type3A_114 {strides = array<i32>} : memref<3072xi32, #tpu.memory_space<vmem>>, vector<256xi32>,
    %mul3A_117 = arith.mulf %get3A_99, %get3A_99 : vector<256x256xf32>
    %reduce_sum3A_118 = vector.shape_cast %mul3A_117 : vector<256x256xf32> to vector<1x256x256xf32>
    %reduce_sum3A_119 = arith.constant dense<0.000000e+00> : vector<1xf32>
    %reduce_sum3A_120 = vector.multi_reduction <add>, %reduce_sum3A_118, %reduce_sum3A_119 [1, 2] : vector<1x256x256xf32> to vector<1xf32>
    %reduce_sum3A_121 = vector.shape_cast %reduce_sum3A_120 : vector<1xf32> to vector<1x1x1xf32>
    %reduce_sum3A_122 = vector.extract %reduce_sum3A_121[0, 0, 0] : f32 from vector<1x1x1xf32>
    %reduce_sum3A_123 = vector.shape_cast %broadcast_in_dim3A_104 : vector<256x1xf32> to vector<1x256x1xf32>
    %reduce_sum3A_124 = arith.constant dense<0.000000e+00> : vector<1xf32>
    %reduce_sum3A_125 = vector.multi_reduction <add>, %reduce_sum3A_123, %reduce_sum3A_124 [1, 2] : vector<1x256x1xf32> to vector<1xf32>
    %reduce_sum3A_126 = vector.shape_cast %reduce_sum3A_125 : vector<1xf32> to vector<1x1x1xf32>
    %reduce_sum3A_127 = vector.extract %reduce_sum3A_126[0, 0, 0] : f32 from vector<1x1x1xf32>
    %mul3A_128 = arith.constant 2.000000e+00 : f32
    %mul3A_129 = arith.mulf %mul3A_128, %reduce_sum3A_127 : f32
    %sub3A_130 = arith.subf %reduce_sum3A_122, %mul3A_129 : f32
    %add3A_131 = arith.addf %add3A_96, %sub3A_130 : f32
    %get3A_132 = arith.constant 1024 : index
    %get3A_133 = arith.constant 0 : index
    %get3A_134 = vector.load %arg1[%get3A_132, %get3A_133] : memref<3072x256xf32, #tpu.memory_space<vmem>>, vector<256x256xf32>
    %dot_general3A_135 = arith.constant dense<0.000000e+00> : vector<256x1024xf32>
    %dot_general3A_136 = tpu.matmul %get3A_134, %get3A_1, %dot_general3A_135 {dimension_numbers = #tpu.dot_dimension_numbers<[1], [1], [0], [0], [0, 0, 1, 0], [], []>, transpose_lhs_hint = false} : vector<256x256xf32>, vector<1024x256xf32>, vector<256x1024xf32> -> vector<256x1024xf32>
    %reduce_min3A_137 = arith.constant dense<0x7F800000> : vector<256xf32>
    %reduce_min3A_138 = vector.multi_reduction <minimumf>, %dot_general3A_136, %reduce_min3A_137 [1] : vector<256x1024xf32> to vector<256xf32>
    %broadcast_in_dim3A_139 = vector.shape_cast %reduce_min3A_138 : vector<256xf32> to vector<256x1xf32>
    %eq3A_140 = vector.broadcast %broadcast_in_dim3A_139 : vector<256x1xf32> to vector<256x1024xf32>
    %eq3A_141 = arith.cmpf oeq, %dot_general3A_136, %eq3A_140 : vector<256x1024xf32>
    %jit3A_142 = arith.constant 1.024000e+03 : f32
    %broadcast_in_dim3A_143 = vector.shape_cast %convert_element_type3A : vector<1x1024xf32> to vector<1x1024xf32>
    %broadcast_in_dim3A_144 = vector.broadcast %broadcast_in_dim3A_143 : vector<1x1024xf32> to vector<256x1024xf32>
    %broadcast_in_dim3A_145 = vector.broadcast %jit3A_142 : f32 to vector<256x1024xf32>
    %select_n3A_146 = arith.select %eq3A_141, %broadcast_in_dim3A_144, %broadcast_in_dim3A_145 : vector<256x1024xi1>, vector<256x1024xf32>
    %reduce_min3A_147 = arith.constant dense<0x7F800000> : vector<256xf32>
    %reduce_min3A_148 = vector.multi_reduction <minimumf>, %select_n3A_146, %reduce_min3A_147 [1] : vector<256x1024xf32> to vector<256xf32>
    %convert_element_type3A_149 = arith.fptosi %reduce_min3A_148 : vector<256xf32> to vector<256xi32>
    %swap3A_150 = arith.constant 1024 : index
    %swap3A_151 = vector.load %arg3[%swap3A_150] : memref<3072xi32, #tpu.memory_space<vmem>>, vector<256xi32>
    tpu.vector_store %arg3[%swap3A_150], %convert_element_type3A_149 {strides = array<i32>} : memref<3072xi32, #tpu.memory_space<vmem>>, vector<256xi32>,
    %mul3A_152 = arith.mulf %get3A_134, %get3A_134 : vector<256x256xf32>
    %reduce_sum3A_153 = vector.shape_cast %mul3A_152 : vector<256x256xf32> to vector<1x256x256xf32>
    %reduce_sum3A_154 = arith.constant dense<0.000000e+00> : vector<1xf32>
    %reduce_sum3A_155 = vector.multi_reduction <add>, %reduce_sum3A_153, %reduce_sum3A_154 [1, 2] : vector<1x256x256xf32> to vector<1xf32>
    %reduce_sum3A_156 = vector.shape_cast %reduce_sum3A_155 : vector<1xf32> to vector<1x1x1xf32>
    %reduce_sum3A_157 = vector.extract %reduce_sum3A_156[0, 0, 0] : f32 from vector<1x1x1xf32>
    %reduce_sum3A_158 = vector.shape_cast %broadcast_in_dim3A_139 : vector<256x1xf32> to vector<1x256x1xf32>
    %reduce_sum3A_159 = arith.constant dense<0.000000e+00> : vector<1xf32>
    %reduce_sum3A_160 = vector.multi_reduction <add>, %reduce_sum3A_158, %reduce_sum3A_159 [1, 2] : vector<1x256x1xf32> to vector<1xf32>
    %reduce_sum3A_161 = vector.shape_cast %reduce_sum3A_160 : vector<1xf32> to vector<1x1x1xf32>
    %reduce_sum3A_162 = vector.extract %reduce_sum3A_161[0, 0, 0] : f32 from vector<1x1x1xf32>
    %mul3A_163 = arith.constant 2.000000e+00 : f32
    %mul3A_164 = arith.mulf %mul3A_163, %reduce_sum3A_162 : f32
    %sub3A_165 = arith.subf %reduce_sum3A_157, %mul3A_164 : f32
    %add3A_166 = arith.addf %add3A_131, %sub3A_165 : f32
    %get3A_167 = arith.constant 1280 : index
    %get3A_168 = arith.constant 0 : index
    %get3A_169 = vector.load %arg1[%get3A_167, %get3A_168] : memref<3072x256xf32, #tpu.memory_space<vmem>>, vector<256x256xf32>
    %dot_general3A_170 = arith.constant dense<0.000000e+00> : vector<256x1024xf32>
    %dot_general3A_171 = tpu.matmul %get3A_169, %get3A_1, %dot_general3A_170 {dimension_numbers = #tpu.dot_dimension_numbers<[1], [1], [0], [0], [0, 0, 1, 0], [], []>, transpose_lhs_hint = false} : vector<256x256xf32>, vector<1024x256xf32>, vector<256x1024xf32> -> vector<256x1024xf32>
    %reduce_min3A_172 = arith.constant dense<0x7F800000> : vector<256xf32>
    %reduce_min3A_173 = vector.multi_reduction <minimumf>, %dot_general3A_171, %reduce_min3A_172 [1] : vector<256x1024xf32> to vector<256xf32>
    %broadcast_in_dim3A_174 = vector.shape_cast %reduce_min3A_173 : vector<256xf32> to vector<256x1xf32>
    %eq3A_175 = vector.broadcast %broadcast_in_dim3A_174 : vector<256x1xf32> to vector<256x1024xf32>
    %eq3A_176 = arith.cmpf oeq, %dot_general3A_171, %eq3A_175 : vector<256x1024xf32>
    %jit3A_177 = arith.constant 1.024000e+03 : f32
    %broadcast_in_dim3A_178 = vector.shape_cast %convert_element_type3A : vector<1x1024xf32> to vector<1x1024xf32>
    %broadcast_in_dim3A_179 = vector.broadcast %broadcast_in_dim3A_178 : vector<1x1024xf32> to vector<256x1024xf32>
    %broadcast_in_dim3A_180 = vector.broadcast %jit3A_177 : f32 to vector<256x1024xf32>
    %select_n3A_181 = arith.select %eq3A_176, %broadcast_in_dim3A_179, %broadcast_in_dim3A_180 : vector<256x1024xi1>, vector<256x1024xf32>
    %reduce_min3A_182 = arith.constant dense<0x7F800000> : vector<256xf32>
    %reduce_min3A_183 = vector.multi_reduction <minimumf>, %select_n3A_181, %reduce_min3A_182 [1] : vector<256x1024xf32> to vector<256xf32>
    %convert_element_type3A_184 = arith.fptosi %reduce_min3A_183 : vector<256xf32> to vector<256xi32>
    %swap3A_185 = arith.constant 1280 : index
    %swap3A_186 = vector.load %arg3[%swap3A_185] : memref<3072xi32, #tpu.memory_space<vmem>>, vector<256xi32>
    tpu.vector_store %arg3[%swap3A_185], %convert_element_type3A_184 {strides = array<i32>} : memref<3072xi32, #tpu.memory_space<vmem>>, vector<256xi32>,
    %mul3A_187 = arith.mulf %get3A_169, %get3A_169 : vector<256x256xf32>
    %reduce_sum3A_188 = vector.shape_cast %mul3A_187 : vector<256x256xf32> to vector<1x256x256xf32>
    %reduce_sum3A_189 = arith.constant dense<0.000000e+00> : vector<1xf32>
    %reduce_sum3A_190 = vector.multi_reduction <add>, %reduce_sum3A_188, %reduce_sum3A_189 [1, 2] : vector<1x256x256xf32> to vector<1xf32>
    %reduce_sum3A_191 = vector.shape_cast %reduce_sum3A_190 : vector<1xf32> to vector<1x1x1xf32>
    %reduce_sum3A_192 = vector.extract %reduce_sum3A_191[0, 0, 0] : f32 from vector<1x1x1xf32>
    %reduce_sum3A_193 = vector.shape_cast %broadcast_in_dim3A_174 : vector<256x1xf32> to vector<1x256x1xf32>
    %reduce_sum3A_194 = arith.constant dense<0.000000e+00> : vector<1xf32>
    %reduce_sum3A_195 = vector.multi_reduction <add>, %reduce_sum3A_193, %reduce_sum3A_194 [1, 2] : vector<1x256x1xf32> to vector<1xf32>
    %reduce_sum3A_196 = vector.shape_cast %reduce_sum3A_195 : vector<1xf32> to vector<1x1x1xf32>
    %reduce_sum3A_197 = vector.extract %reduce_sum3A_196[0, 0, 0] : f32 from vector<1x1x1xf32>
    %mul3A_198 = arith.constant 2.000000e+00 : f32
    %mul3A_199 = arith.mulf %mul3A_198, %reduce_sum3A_197 : f32
    %sub3A_200 = arith.subf %reduce_sum3A_192, %mul3A_199 : f32
    %add3A_201 = arith.addf %add3A_166, %sub3A_200 : f32
    %get3A_202 = arith.constant 1536 : index
    %get3A_203 = arith.constant 0 : index
    %get3A_204 = vector.load %arg1[%get3A_202, %get3A_203] : memref<3072x256xf32, #tpu.memory_space<vmem>>, vector<256x256xf32>
    %dot_general3A_205 = arith.constant dense<0.000000e+00> : vector<256x1024xf32>
    %dot_general3A_206 = tpu.matmul %get3A_204, %get3A_1, %dot_general3A_205 {dimension_numbers = #tpu.dot_dimension_numbers<[1], [1], [0], [0], [0, 0, 1, 0], [], []>, transpose_lhs_hint = false} : vector<256x256xf32>, vector<1024x256xf32>, vector<256x1024xf32> -> vector<256x1024xf32>
    %reduce_min3A_207 = arith.constant dense<0x7F800000> : vector<256xf32>
    %reduce_min3A_208 = vector.multi_reduction <minimumf>, %dot_general3A_206, %reduce_min3A_207 [1] : vector<256x1024xf32> to vector<256xf32>
    %broadcast_in_dim3A_209 = vector.shape_cast %reduce_min3A_208 : vector<256xf32> to vector<256x1xf32>
    %eq3A_210 = vector.broadcast %broadcast_in_dim3A_209 : vector<256x1xf32> to vector<256x1024xf32>
    %eq3A_211 = arith.cmpf oeq, %dot_general3A_206, %eq3A_210 : vector<256x1024xf32>
    %jit3A_212 = arith.constant 1.024000e+03 : f32
    %broadcast_in_dim3A_213 = vector.shape_cast %convert_element_type3A : vector<1x1024xf32> to vector<1x1024xf32>
    %broadcast_in_dim3A_214 = vector.broadcast %broadcast_in_dim3A_213 : vector<1x1024xf32> to vector<256x1024xf32>
    %broadcast_in_dim3A_215 = vector.broadcast %jit3A_212 : f32 to vector<256x1024xf32>
    %select_n3A_216 = arith.select %eq3A_211, %broadcast_in_dim3A_214, %broadcast_in_dim3A_215 : vector<256x1024xi1>, vector<256x1024xf32>
    %reduce_min3A_217 = arith.constant dense<0x7F800000> : vector<256xf32>
    %reduce_min3A_218 = vector.multi_reduction <minimumf>, %select_n3A_216, %reduce_min3A_217 [1] : vector<256x1024xf32> to vector<256xf32>
    %convert_element_type3A_219 = arith.fptosi %reduce_min3A_218 : vector<256xf32> to vector<256xi32>
    %swap3A_220 = arith.constant 1536 : index
    %swap3A_221 = vector.load %arg3[%swap3A_220] : memref<3072xi32, #tpu.memory_space<vmem>>, vector<256xi32>
    tpu.vector_store %arg3[%swap3A_220], %convert_element_type3A_219 {strides = array<i32>} : memref<3072xi32, #tpu.memory_space<vmem>>, vector<256xi32>,
    %mul3A_222 = arith.mulf %get3A_204, %get3A_204 : vector<256x256xf32>
    %reduce_sum3A_223 = vector.shape_cast %mul3A_222 : vector<256x256xf32> to vector<1x256x256xf32>
    %reduce_sum3A_224 = arith.constant dense<0.000000e+00> : vector<1xf32>
    %reduce_sum3A_225 = vector.multi_reduction <add>, %reduce_sum3A_223, %reduce_sum3A_224 [1, 2] : vector<1x256x256xf32> to vector<1xf32>
    %reduce_sum3A_226 = vector.shape_cast %reduce_sum3A_225 : vector<1xf32> to vector<1x1x1xf32>
    %reduce_sum3A_227 = vector.extract %reduce_sum3A_226[0, 0, 0] : f32 from vector<1x1x1xf32>
    %reduce_sum3A_228 = vector.shape_cast %broadcast_in_dim3A_209 : vector<256x1xf32> to vector<1x256x1xf32>
    %reduce_sum3A_229 = arith.constant dense<0.000000e+00> : vector<1xf32>
    %reduce_sum3A_230 = vector.multi_reduction <add>, %reduce_sum3A_228, %reduce_sum3A_229 [1, 2] : vector<1x256x1xf32> to vector<1xf32>
    %reduce_sum3A_231 = vector.shape_cast %reduce_sum3A_230 : vector<1xf32> to vector<1x1x1xf32>
    %reduce_sum3A_232 = vector.extract %reduce_sum3A_231[0, 0, 0] : f32 from vector<1x1x1xf32>
    %mul3A_233 = arith.constant 2.000000e+00 : f32
    %mul3A_234 = arith.mulf %mul3A_233, %reduce_sum3A_232 : f32
    %sub3A_235 = arith.subf %reduce_sum3A_227, %mul3A_234 : f32
    %add3A_236 = arith.addf %add3A_201, %sub3A_235 : f32
    %get3A_237 = arith.constant 1792 : index
    %get3A_238 = arith.constant 0 : index
    %get3A_239 = vector.load %arg1[%get3A_237, %get3A_238] : memref<3072x256xf32, #tpu.memory_space<vmem>>, vector<256x256xf32>
    %dot_general3A_240 = arith.constant dense<0.000000e+00> : vector<256x1024xf32>
    %dot_general3A_241 = tpu.matmul %get3A_239, %get3A_1, %dot_general3A_240 {dimension_numbers = #tpu.dot_dimension_numbers<[1], [1], [0], [0], [0, 0, 1, 0], [], []>, transpose_lhs_hint = false} : vector<256x256xf32>, vector<1024x256xf32>, vector<256x1024xf32> -> vector<256x1024xf32>
    %reduce_min3A_242 = arith.constant dense<0x7F800000> : vector<256xf32>
    %reduce_min3A_243 = vector.multi_reduction <minimumf>, %dot_general3A_241, %reduce_min3A_242 [1] : vector<256x1024xf32> to vector<256xf32>
    %broadcast_in_dim3A_244 = vector.shape_cast %reduce_min3A_243 : vector<256xf32> to vector<256x1xf32>
    %eq3A_245 = vector.broadcast %broadcast_in_dim3A_244 : vector<256x1xf32> to vector<256x1024xf32>
    %eq3A_246 = arith.cmpf oeq, %dot_general3A_241, %eq3A_245 : vector<256x1024xf32>
    %jit3A_247 = arith.constant 1.024000e+03 : f32
    %broadcast_in_dim3A_248 = vector.shape_cast %convert_element_type3A : vector<1x1024xf32> to vector<1x1024xf32>
    %broadcast_in_dim3A_249 = vector.broadcast %broadcast_in_dim3A_248 : vector<1x1024xf32> to vector<256x1024xf32>
    %broadcast_in_dim3A_250 = vector.broadcast %jit3A_247 : f32 to vector<256x1024xf32>
    %select_n3A_251 = arith.select %eq3A_246, %broadcast_in_dim3A_249, %broadcast_in_dim3A_250 : vector<256x1024xi1>, vector<256x1024xf32>
    %reduce_min3A_252 = arith.constant dense<0x7F800000> : vector<256xf32>
    %reduce_min3A_253 = vector.multi_reduction <minimumf>, %select_n3A_251, %reduce_min3A_252 [1] : vector<256x1024xf32> to vector<256xf32>
    %convert_element_type3A_254 = arith.fptosi %reduce_min3A_253 : vector<256xf32> to vector<256xi32>
    %swap3A_255 = arith.constant 1792 : index
    %swap3A_256 = vector.load %arg3[%swap3A_255] : memref<3072xi32, #tpu.memory_space<vmem>>, vector<256xi32>
    tpu.vector_store %arg3[%swap3A_255], %convert_element_type3A_254 {strides = array<i32>} : memref<3072xi32, #tpu.memory_space<vmem>>, vector<256xi32>,
    %mul3A_257 = arith.mulf %get3A_239, %get3A_239 : vector<256x256xf32>
    %reduce_sum3A_258 = vector.shape_cast %mul3A_257 : vector<256x256xf32> to vector<1x256x256xf32>
    %reduce_sum3A_259 = arith.constant dense<0.000000e+00> : vector<1xf32>
    %reduce_sum3A_260 = vector.multi_reduction <add>, %reduce_sum3A_258, %reduce_sum3A_259 [1, 2] : vector<1x256x256xf32> to vector<1xf32>
    %reduce_sum3A_261 = vector.shape_cast %reduce_sum3A_260 : vector<1xf32> to vector<1x1x1xf32>
    %reduce_sum3A_262 = vector.extract %reduce_sum3A_261[0, 0, 0] : f32 from vector<1x1x1xf32>
    %reduce_sum3A_263 = vector.shape_cast %broadcast_in_dim3A_244 : vector<256x1xf32> to vector<1x256x1xf32>
    %reduce_sum3A_264 = arith.constant dense<0.000000e+00> : vector<1xf32>
    %reduce_sum3A_265 = vector.multi_reduction <add>, %reduce_sum3A_263, %reduce_sum3A_264 [1, 2] : vector<1x256x1xf32> to vector<1xf32>
    %reduce_sum3A_266 = vector.shape_cast %reduce_sum3A_265 : vector<1xf32> to vector<1x1x1xf32>
    %reduce_sum3A_267 = vector.extract %reduce_sum3A_266[0, 0, 0] : f32 from vector<1x1x1xf32>
    %mul3A_268 = arith.constant 2.000000e+00 : f32
    %mul3A_269 = arith.mulf %mul3A_268, %reduce_sum3A_267 : f32
    %sub3A_270 = arith.subf %reduce_sum3A_262, %mul3A_269 : f32
    %add3A_271 = arith.addf %add3A_236, %sub3A_270 : f32
    %get3A_272 = arith.constant 2048 : index
    %get3A_273 = arith.constant 0 : index
    %get3A_274 = vector.load %arg1[%get3A_272, %get3A_273] : memref<3072x256xf32, #tpu.memory_space<vmem>>, vector<256x256xf32>
    %dot_general3A_275 = arith.constant dense<0.000000e+00> : vector<256x1024xf32>
    %dot_general3A_276 = tpu.matmul %get3A_274, %get3A_1, %dot_general3A_275 {dimension_numbers = #tpu.dot_dimension_numbers<[1], [1], [0], [0], [0, 0, 1, 0], [], []>, transpose_lhs_hint = false} : vector<256x256xf32>, vector<1024x256xf32>, vector<256x1024xf32> -> vector<256x1024xf32>
    %reduce_min3A_277 = arith.constant dense<0x7F800000> : vector<256xf32>
    %reduce_min3A_278 = vector.multi_reduction <minimumf>, %dot_general3A_276, %reduce_min3A_277 [1] : vector<256x1024xf32> to vector<256xf32>
    %broadcast_in_dim3A_279 = vector.shape_cast %reduce_min3A_278 : vector<256xf32> to vector<256x1xf32>
    %eq3A_280 = vector.broadcast %broadcast_in_dim3A_279 : vector<256x1xf32> to vector<256x1024xf32>
    %eq3A_281 = arith.cmpf oeq, %dot_general3A_276, %eq3A_280 : vector<256x1024xf32>
    %jit3A_282 = arith.constant 1.024000e+03 : f32
    %broadcast_in_dim3A_283 = vector.shape_cast %convert_element_type3A : vector<1x1024xf32> to vector<1x1024xf32>
    %broadcast_in_dim3A_284 = vector.broadcast %broadcast_in_dim3A_283 : vector<1x1024xf32> to vector<256x1024xf32>
    %broadcast_in_dim3A_285 = vector.broadcast %jit3A_282 : f32 to vector<256x1024xf32>
    %select_n3A_286 = arith.select %eq3A_281, %broadcast_in_dim3A_284, %broadcast_in_dim3A_285 : vector<256x1024xi1>, vector<256x1024xf32>
    %reduce_min3A_287 = arith.constant dense<0x7F800000> : vector<256xf32>
    %reduce_min3A_288 = vector.multi_reduction <minimumf>, %select_n3A_286, %reduce_min3A_287 [1] : vector<256x1024xf32> to vector<256xf32>
    %convert_element_type3A_289 = arith.fptosi %reduce_min3A_288 : vector<256xf32> to vector<256xi32>
    %swap3A_290 = arith.constant 2048 : index
    %swap3A_291 = vector.load %arg3[%swap3A_290] : memref<3072xi32, #tpu.memory_space<vmem>>, vector<256xi32>
    tpu.vector_store %arg3[%swap3A_290], %convert_element_type3A_289 {strides = array<i32>} : memref<3072xi32, #tpu.memory_space<vmem>>, vector<256xi32>,
    %mul3A_292 = arith.mulf %get3A_274, %get3A_274 : vector<256x256xf32>
    %reduce_sum3A_293 = vector.shape_cast %mul3A_292 : vector<256x256xf32> to vector<1x256x256xf32>
    %reduce_sum3A_294 = arith.constant dense<0.000000e+00> : vector<1xf32>
    %reduce_sum3A_295 = vector.multi_reduction <add>, %reduce_sum3A_293, %reduce_sum3A_294 [1, 2] : vector<1x256x256xf32> to vector<1xf32>
    %reduce_sum3A_296 = vector.shape_cast %reduce_sum3A_295 : vector<1xf32> to vector<1x1x1xf32>
    %reduce_sum3A_297 = vector.extract %reduce_sum3A_296[0, 0, 0] : f32 from vector<1x1x1xf32>
    %reduce_sum3A_298 = vector.shape_cast %broadcast_in_dim3A_279 : vector<256x1xf32> to vector<1x256x1xf32>
    %reduce_sum3A_299 = arith.constant dense<0.000000e+00> : vector<1xf32>
    %reduce_sum3A_300 = vector.multi_reduction <add>, %reduce_sum3A_298, %reduce_sum3A_299 [1, 2] : vector<1x256x1xf32> to vector<1xf32>
    %reduce_sum3A_301 = vector.shape_cast %reduce_sum3A_300 : vector<1xf32> to vector<1x1x1xf32>
    %reduce_sum3A_302 = vector.extract %reduce_sum3A_301[0, 0, 0] : f32 from vector<1x1x1xf32>
    %mul3A_303 = arith.constant 2.000000e+00 : f32
    %mul3A_304 = arith.mulf %mul3A_303, %reduce_sum3A_302 : f32
    %sub3A_305 = arith.subf %reduce_sum3A_297, %mul3A_304 : f32
    %add3A_306 = arith.addf %add3A_271, %sub3A_305 : f32
    %get3A_307 = arith.constant 2304 : index
    %get3A_308 = arith.constant 0 : index
    %get3A_309 = vector.load %arg1[%get3A_307, %get3A_308] : memref<3072x256xf32, #tpu.memory_space<vmem>>, vector<256x256xf32>
    %dot_general3A_310 = arith.constant dense<0.000000e+00> : vector<256x1024xf32>
    %dot_general3A_311 = tpu.matmul %get3A_309, %get3A_1, %dot_general3A_310 {dimension_numbers = #tpu.dot_dimension_numbers<[1], [1], [0], [0], [0, 0, 1, 0], [], []>, transpose_lhs_hint = false} : vector<256x256xf32>, vector<1024x256xf32>, vector<256x1024xf32> -> vector<256x1024xf32>
    %reduce_min3A_312 = arith.constant dense<0x7F800000> : vector<256xf32>
    %reduce_min3A_313 = vector.multi_reduction <minimumf>, %dot_general3A_311, %reduce_min3A_312 [1] : vector<256x1024xf32> to vector<256xf32>
    %broadcast_in_dim3A_314 = vector.shape_cast %reduce_min3A_313 : vector<256xf32> to vector<256x1xf32>
    %eq3A_315 = vector.broadcast %broadcast_in_dim3A_314 : vector<256x1xf32> to vector<256x1024xf32>
    %eq3A_316 = arith.cmpf oeq, %dot_general3A_311, %eq3A_315 : vector<256x1024xf32>
    %jit3A_317 = arith.constant 1.024000e+03 : f32
    %broadcast_in_dim3A_318 = vector.shape_cast %convert_element_type3A : vector<1x1024xf32> to vector<1x1024xf32>
    %broadcast_in_dim3A_319 = vector.broadcast %broadcast_in_dim3A_318 : vector<1x1024xf32> to vector<256x1024xf32>
    %broadcast_in_dim3A_320 = vector.broadcast %jit3A_317 : f32 to vector<256x1024xf32>
    %select_n3A_321 = arith.select %eq3A_316, %broadcast_in_dim3A_319, %broadcast_in_dim3A_320 : vector<256x1024xi1>, vector<256x1024xf32>
    %reduce_min3A_322 = arith.constant dense<0x7F800000> : vector<256xf32>
    %reduce_min3A_323 = vector.multi_reduction <minimumf>, %select_n3A_321, %reduce_min3A_322 [1] : vector<256x1024xf32> to vector<256xf32>
    %convert_element_type3A_324 = arith.fptosi %reduce_min3A_323 : vector<256xf32> to vector<256xi32>
    %swap3A_325 = arith.constant 2304 : index
    %swap3A_326 = vector.load %arg3[%swap3A_325] : memref<3072xi32, #tpu.memory_space<vmem>>, vector<256xi32>
    tpu.vector_store %arg3[%swap3A_325], %convert_element_type3A_324 {strides = array<i32>} : memref<3072xi32, #tpu.memory_space<vmem>>, vector<256xi32>,
    %mul3A_327 = arith.mulf %get3A_309, %get3A_309 : vector<256x256xf32>
    %reduce_sum3A_328 = vector.shape_cast %mul3A_327 : vector<256x256xf32> to vector<1x256x256xf32>
    %reduce_sum3A_329 = arith.constant dense<0.000000e+00> : vector<1xf32>
    %reduce_sum3A_330 = vector.multi_reduction <add>, %reduce_sum3A_328, %reduce_sum3A_329 [1, 2] : vector<1x256x256xf32> to vector<1xf32>
    %reduce_sum3A_331 = vector.shape_cast %reduce_sum3A_330 : vector<1xf32> to vector<1x1x1xf32>
    %reduce_sum3A_332 = vector.extract %reduce_sum3A_331[0, 0, 0] : f32 from vector<1x1x1xf32>
    %reduce_sum3A_333 = vector.shape_cast %broadcast_in_dim3A_314 : vector<256x1xf32> to vector<1x256x1xf32>
    %reduce_sum3A_334 = arith.constant dense<0.000000e+00> : vector<1xf32>
    %reduce_sum3A_335 = vector.multi_reduction <add>, %reduce_sum3A_333, %reduce_sum3A_334 [1, 2] : vector<1x256x1xf32> to vector<1xf32>
    %reduce_sum3A_336 = vector.shape_cast %reduce_sum3A_335 : vector<1xf32> to vector<1x1x1xf32>
    %reduce_sum3A_337 = vector.extract %reduce_sum3A_336[0, 0, 0] : f32 from vector<1x1x1xf32>
    %mul3A_338 = arith.constant 2.000000e+00 : f32
    %mul3A_339 = arith.mulf %mul3A_338, %reduce_sum3A_337 : f32
    %sub3A_340 = arith.subf %reduce_sum3A_332, %mul3A_339 : f32
    %add3A_341 = arith.addf %add3A_306, %sub3A_340 : f32
    %get3A_342 = arith.constant 2560 : index
    %get3A_343 = arith.constant 0 : index
    %get3A_344 = vector.load %arg1[%get3A_342, %get3A_343] : memref<3072x256xf32, #tpu.memory_space<vmem>>, vector<256x256xf32>
    %dot_general3A_345 = arith.constant dense<0.000000e+00> : vector<256x1024xf32>
    %dot_general3A_346 = tpu.matmul %get3A_344, %get3A_1, %dot_general3A_345 {dimension_numbers = #tpu.dot_dimension_numbers<[1], [1], [0], [0], [0, 0, 1, 0], [], []>, transpose_lhs_hint = false} : vector<256x256xf32>, vector<1024x256xf32>, vector<256x1024xf32> -> vector<256x1024xf32>
    %reduce_min3A_347 = arith.constant dense<0x7F800000> : vector<256xf32>
    %reduce_min3A_348 = vector.multi_reduction <minimumf>, %dot_general3A_346, %reduce_min3A_347 [1] : vector<256x1024xf32> to vector<256xf32>
    %broadcast_in_dim3A_349 = vector.shape_cast %reduce_min3A_348 : vector<256xf32> to vector<256x1xf32>
    %eq3A_350 = vector.broadcast %broadcast_in_dim3A_349 : vector<256x1xf32> to vector<256x1024xf32>
    %eq3A_351 = arith.cmpf oeq, %dot_general3A_346, %eq3A_350 : vector<256x1024xf32>
    %jit3A_352 = arith.constant 1.024000e+03 : f32
    %broadcast_in_dim3A_353 = vector.shape_cast %convert_element_type3A : vector<1x1024xf32> to vector<1x1024xf32>
    %broadcast_in_dim3A_354 = vector.broadcast %broadcast_in_dim3A_353 : vector<1x1024xf32> to vector<256x1024xf32>
    %broadcast_in_dim3A_355 = vector.broadcast %jit3A_352 : f32 to vector<256x1024xf32>
    %select_n3A_356 = arith.select %eq3A_351, %broadcast_in_dim3A_354, %broadcast_in_dim3A_355 : vector<256x1024xi1>, vector<256x1024xf32>
    %reduce_min3A_357 = arith.constant dense<0x7F800000> : vector<256xf32>
    %reduce_min3A_358 = vector.multi_reduction <minimumf>, %select_n3A_356, %reduce_min3A_357 [1] : vector<256x1024xf32> to vector<256xf32>
    %convert_element_type3A_359 = arith.fptosi %reduce_min3A_358 : vector<256xf32> to vector<256xi32>
    %swap3A_360 = arith.constant 2560 : index
    %swap3A_361 = vector.load %arg3[%swap3A_360] : memref<3072xi32, #tpu.memory_space<vmem>>, vector<256xi32>
    tpu.vector_store %arg3[%swap3A_360], %convert_element_type3A_359 {strides = array<i32>} : memref<3072xi32, #tpu.memory_space<vmem>>, vector<256xi32>,
    %mul3A_362 = arith.mulf %get3A_344, %get3A_344 : vector<256x256xf32>
    %reduce_sum3A_363 = vector.shape_cast %mul3A_362 : vector<256x256xf32> to vector<1x256x256xf32>
    %reduce_sum3A_364 = arith.constant dense<0.000000e+00> : vector<1xf32>
    %reduce_sum3A_365 = vector.multi_reduction <add>, %reduce_sum3A_363, %reduce_sum3A_364 [1, 2] : vector<1x256x256xf32> to vector<1xf32>
    %reduce_sum3A_366 = vector.shape_cast %reduce_sum3A_365 : vector<1xf32> to vector<1x1x1xf32>
    %reduce_sum3A_367 = vector.extract %reduce_sum3A_366[0, 0, 0] : f32 from vector<1x1x1xf32>
    %reduce_sum3A_368 = vector.shape_cast %broadcast_in_dim3A_349 : vector<256x1xf32> to vector<1x256x1xf32>
    %reduce_sum3A_369 = arith.constant dense<0.000000e+00> : vector<1xf32>
    %reduce_sum3A_370 = vector.multi_reduction <add>, %reduce_sum3A_368, %reduce_sum3A_369 [1, 2] : vector<1x256x1xf32> to vector<1xf32>
    %reduce_sum3A_371 = vector.shape_cast %reduce_sum3A_370 : vector<1xf32> to vector<1x1x1xf32>
    %reduce_sum3A_372 = vector.extract %reduce_sum3A_371[0, 0, 0] : f32 from vector<1x1x1xf32>
    %mul3A_373 = arith.constant 2.000000e+00 : f32
    %mul3A_374 = arith.mulf %mul3A_373, %reduce_sum3A_372 : f32
    %sub3A_375 = arith.subf %reduce_sum3A_367, %mul3A_374 : f32
    %add3A_376 = arith.addf %add3A_341, %sub3A_375 : f32
    %get3A_377 = arith.constant 2816 : index
    %get3A_378 = arith.constant 0 : index
    %get3A_379 = vector.load %arg1[%get3A_377, %get3A_378] : memref<3072x256xf32, #tpu.memory_space<vmem>>, vector<256x256xf32>
    %dot_general3A_380 = arith.constant dense<0.000000e+00> : vector<256x1024xf32>
    %dot_general3A_381 = tpu.matmul %get3A_379, %get3A_1, %dot_general3A_380 {dimension_numbers = #tpu.dot_dimension_numbers<[1], [1], [0], [0], [0, 0, 1, 0], [], []>, transpose_lhs_hint = false} : vector<256x256xf32>, vector<1024x256xf32>, vector<256x1024xf32> -> vector<256x1024xf32>
    %reduce_min3A_382 = arith.constant dense<0x7F800000> : vector<256xf32>
    %reduce_min3A_383 = vector.multi_reduction <minimumf>, %dot_general3A_381, %reduce_min3A_382 [1] : vector<256x1024xf32> to vector<256xf32>
    %broadcast_in_dim3A_384 = vector.shape_cast %reduce_min3A_383 : vector<256xf32> to vector<256x1xf32>
    %eq3A_385 = vector.broadcast %broadcast_in_dim3A_384 : vector<256x1xf32> to vector<256x1024xf32>
    %eq3A_386 = arith.cmpf oeq, %dot_general3A_381, %eq3A_385 : vector<256x1024xf32>
    %jit3A_387 = arith.constant 1.024000e+03 : f32
    %broadcast_in_dim3A_388 = vector.shape_cast %convert_element_type3A : vector<1x1024xf32> to vector<1x1024xf32>
    %broadcast_in_dim3A_389 = vector.broadcast %broadcast_in_dim3A_388 : vector<1x1024xf32> to vector<256x1024xf32>
    %broadcast_in_dim3A_390 = vector.broadcast %jit3A_387 : f32 to vector<256x1024xf32>
    %select_n3A_391 = arith.select %eq3A_386, %broadcast_in_dim3A_389, %broadcast_in_dim3A_390 : vector<256x1024xi1>, vector<256x1024xf32>
    %reduce_min3A_392 = arith.constant dense<0x7F800000> : vector<256xf32>
    %reduce_min3A_393 = vector.multi_reduction <minimumf>, %select_n3A_391, %reduce_min3A_392 [1] : vector<256x1024xf32> to vector<256xf32>
    %convert_element_type3A_394 = arith.fptosi %reduce_min3A_393 : vector<256xf32> to vector<256xi32>
    %swap3A_395 = arith.constant 2816 : index
    %swap3A_396 = vector.load %arg3[%swap3A_395] : memref<3072xi32, #tpu.memory_space<vmem>>, vector<256xi32>
    tpu.vector_store %arg3[%swap3A_395], %convert_element_type3A_394 {strides = array<i32>} : memref<3072xi32, #tpu.memory_space<vmem>>, vector<256xi32>,
    %mul3A_397 = arith.mulf %get3A_379, %get3A_379 : vector<256x256xf32>
    %reduce_sum3A_398 = vector.shape_cast %mul3A_397 : vector<256x256xf32> to vector<1x256x256xf32>
    %reduce_sum3A_399 = arith.constant dense<0.000000e+00> : vector<1xf32>
    %reduce_sum3A_400 = vector.multi_reduction <add>, %reduce_sum3A_398, %reduce_sum3A_399 [1, 2] : vector<1x256x256xf32> to vector<1xf32>
    %reduce_sum3A_401 = vector.shape_cast %reduce_sum3A_400 : vector<1xf32> to vector<1x1x1xf32>
    %reduce_sum3A_402 = vector.extract %reduce_sum3A_401[0, 0, 0] : f32 from vector<1x1x1xf32>
    %reduce_sum3A_403 = vector.shape_cast %broadcast_in_dim3A_384 : vector<256x1xf32> to vector<1x256x1xf32>
    %reduce_sum3A_404 = arith.constant dense<0.000000e+00> : vector<1xf32>
    %reduce_sum3A_405 = vector.multi_reduction <add>, %reduce_sum3A_403, %reduce_sum3A_404 [1, 2] : vector<1x256x1xf32> to vector<1xf32>
    %reduce_sum3A_406 = vector.shape_cast %reduce_sum3A_405 : vector<1xf32> to vector<1x1x1xf32>
    %reduce_sum3A_407 = vector.extract %reduce_sum3A_406[0, 0, 0] : f32 from vector<1x1x1xf32>
    %mul3A_408 = arith.constant 2.000000e+00 : f32
    %mul3A_409 = arith.mulf %mul3A_408, %reduce_sum3A_407 : f32
    %sub3A_410 = arith.subf %reduce_sum3A_402, %mul3A_409 : f32
    %add3A_411 = arith.addf %add3A_376, %sub3A_410 : f32
    %eq3A_412 = arith.constant 0 : i32
    %eq3A_413 = arith.cmpi eq, %arg0, %eq3A_412 : i32
    %convert_element_type3A_414 = arith.extui %eq3A_413 : i1 to i32
    %cond3A = arith.constant 0 : i32
    %cond3A_415 = arith.cmpi ne, %convert_element_type3A_414, %cond3A : i32
    scf.if %cond3A_415 {
      %broadcast_in_dim3A_433 = arith.constant 1.000000e+00 : f32
      %broadcast_in_dim3A_434 = vector.broadcast %broadcast_in_dim3A_433 : f32 to vector<1x256xf32>
      %mul3A_435 = arith.mulf %get3A_1, %get3A_1 : vector<1024x256xf32>
      %dot_general3A_436 = arith.constant dense<0.000000e+00> : vector<1x1024xf32>
      %dot_general3A_437 = tpu.matmul %broadcast_in_dim3A_434, %mul3A_435, %dot_general3A_436 {dimension_numbers = #tpu.dot_dimension_numbers<[1], [1], [0], [0], [0, 0, 1, 0], [], []>, transpose_lhs_hint = false} : vector<1x256xf32>, vector<1024x256xf32>, vector<1x1024xf32> -> vector<1x1024xf32>
      %swap3A_438 = arith.constant 0 : index
      %swap3A_439 = arith.constant 0 : index
      %swap3A_440 = vector.load %arg5[%swap3A_438, %swap3A_439] : memref<1x1024xf32, #tpu.memory_space<vmem>>, vector<1x1024xf32>
      tpu.vector_store %arg5[%swap3A_438, %swap3A_439], %dot_general3A_437 {strides = array<i32>} : memref<1x1024xf32, #tpu.memory_space<vmem>>, vector<1x1024xf32>,
    } else {
    }
    %eq3A_416 = arith.constant 0 : i32
    %eq3A_417 = arith.cmpi eq, %arg0, %eq3A_416 : i32
    %convert_element_type3A_418 = arith.extui %eq3A_417 : i1 to i32
    %cond3A_419 = arith.constant 0 : i32
    %cond3A_420 = arith.cmpi ne, %convert_element_type3A_418, %cond3A_419 : i32
    scf.if %cond3A_420 {
      %broadcast_in_dim3A_433 = arith.constant 0.000000e+00 : f32
      %broadcast_in_dim3A_434 = vector.broadcast %broadcast_in_dim3A_433 : f32 to vector<1x1xf32>
      %swap3A_435 = arith.constant 0 : index
      %swap3A_436 = arith.constant 0 : index
      %swap3A_437 = vector.load %arg4[%swap3A_435, %swap3A_436] : memref<1x1xf32, #tpu.memory_space<vmem>>, vector<1x1xf32>
      tpu.vector_store %arg4[%swap3A_435, %swap3A_436], %broadcast_in_dim3A_434 {strides = array<i32>} : memref<1x1xf32, #tpu.memory_space<vmem>>, vector<1x1xf32>,
    } else {
    }
    %get3A_421 = arith.constant 0 : index
    %get3A_422 = arith.constant 0 : index
    %get3A_423 = vector.load %arg4[%get3A_421, %get3A_422] : memref<1x1xf32, #tpu.memory_space<vmem>>, vector<1x1xf32>
    %reshape3A = vector.broadcast %add3A_411 : f32 to vector<1x1xf32>
    %add3A_424 = arith.addf %get3A_423, %reshape3A : vector<1x1xf32>
    %swap3A_425 = arith.constant 0 : index
    %swap3A_426 = arith.constant 0 : index
    %swap3A_427 = vector.load %arg4[%swap3A_425, %swap3A_426] : memref<1x1xf32, #tpu.memory_space<vmem>>, vector<1x1xf32>
    tpu.vector_store %arg4[%swap3A_425, %swap3A_426], %add3A_424 {strides = array<i32>} : memref<1x1xf32, #tpu.memory_space<vmem>>, vector<1x1xf32>,
    %eq3A_428 = arith.constant 1 : i32
    %eq3A_429 = arith.cmpi eq, %arg0, %eq3A_428 : i32
    %convert_element_type3A_430 = arith.extui %eq3A_429 : i1 to i32
    %cond3A_431 = arith.constant 0 : i32
    %cond3A_432 = arith.cmpi ne, %convert_element_type3A_430, %cond3A_431 : i32
    scf.if %cond3A_432 {
      %get3A_433 = arith.constant 0 : index
      %get3A_434 = arith.constant 0 : index
      %get3A_435 = vector.load %arg4[%get3A_433, %get3A_434] : memref<1x1xf32, #tpu.memory_space<vmem>>, vector<1x1xf32>
      %mul3A_436 = arith.constant 2.64909545E-7 : f32
      %mul3A_437 = vector.broadcast %mul3A_436 : f32 to vector<1x1xf32>
      %mul3A_438 = arith.mulf %get3A_435, %mul3A_437 : vector<1x1xf32>
      %swap3A_439 = arith.constant 0 : index
      %swap3A_440 = arith.constant 0 : index
      %swap3A_441 = vector.load %arg4[%swap3A_439, %swap3A_440] : memref<1x1xf32, #tpu.memory_space<vmem>>, vector<1x1xf32>
      tpu.vector_store %arg4[%swap3A_439, %swap3A_440], %mul3A_438 {strides = array<i32>} : memref<1x1xf32, #tpu.memory_space<vmem>>, vector<1x1xf32>,
    } else {
    }
    return
  }
  func.func @transform_0(%arg0: i32) -> (i32, i32) {
    %add3A = arith.constant 0 : i32
    %add3A_0 = arith.addi %add3A, %arg0 : i32
    %c0_i32 = arith.constant 0 : i32
    %c0_i32_1 = arith.constant 0 : i32
    return %add3A_0, %c0_i32 : i32, i32
  }
  func.func @transform_1(%arg0: i32) -> (i32, i32) {
    %c0_i32 = arith.constant 0 : i32
    %c0_i32_0 = arith.constant 0 : i32
    %c0_i32_1 = arith.constant 0 : i32
    return %c0_i32, %c0_i32_0 : i32, i32
  }
  func.func @transform_2(%arg0: i32) -> i32 {
    %c0_i32 = arith.constant 0 : i32
    return %arg0 : i32
  }
  func.func @transform_3(%arg0: i32) -> (i32, i32) {
    %c0_i32 = arith.constant 0 : i32
    %c0_i32_0 = arith.constant 0 : i32
    %c0_i32_1 = arith.constant 0 : i32
    return %c0_i32, %c0_i32_0 : i32, i32
  }
  func.func @transform_4(%arg0: i32) -> (i32, i32) {
    %c0_i32 = arith.constant 0 : i32
    %c0_i32_0 = arith.constant 0 : i32
    %c0_i32_1 = arith.constant 0 : i32
    return %c0_i32, %c0_i32_0 : i32, i32
  }
}

module attributes {stable_mosaic.version = 14 : i64} {
  func.func @_tc_body(%arg0: i32, %arg1: memref<3072x256xf32, #tpu.memory_space<vmem>>, %arg2: memref<1024x256xf32, #tpu.memory_space<vmem>>, %arg3: memref<3072xi32, #tpu.memory_space<vmem>>, %arg4: memref<1x1xf32, #tpu.memory_space<vmem>>, %arg5: memref<1x1024xf32, #tpu.memory_space<vmem>>) attributes {dimension_semantics = [#tpu.dimension_semantics<arbitrary>], iteration_bounds = array<i64: 2>, scalar_prefetch = 0 : i64, scratch_operands = 0 : i64, tpu.core_type = #tpu.core_type<tc>, window_params = [{transform_indices = @transform_0, window_bounds = array<i64: 3072, 256>}, {pipeline_mode = #tpu.pipeline_mode<synchronous>, transform_indices = @transform_1, window_bounds = array<i64: 1024, 256>}, {transform_indices = @transform_2, window_bounds = array<i64: 3072>}, {pipeline_mode = #tpu.pipeline_mode<synchronous>, transform_indices = @transform_3, window_bounds = array<i64: 1, 1>}, {pipeline_mode = #tpu.pipeline_mode<synchronous>, transform_indices = @transform_4, window_bounds = array<i64: 1, 1024>}]} {
    %get3A = arith.constant 0 : index
    %get3A_0 = arith.constant 0 : index
    %get3A_1 = vector.load %arg2[%get3A, %get3A_0] : memref<1024x256xf32, #tpu.memory_space<vmem>>, vector<1024x256xf32>
    %iota3A = tpu.iota {dimensions = array<i32: 1>} : vector<1x1024xi32>
    %convert_element_type3A = arith.sitofp %iota3A : vector<1x1024xi32> to vector<1x1024xf32>
    %get3A_2 = arith.constant 0 : index
    %get3A_3 = arith.constant 0 : index
    %get3A_4 = vector.load %arg1[%get3A_2, %get3A_3] : memref<3072x256xf32, #tpu.memory_space<vmem>>, vector<256x256xf32>
    %dot_general3A = arith.constant dense<0.000000e+00> : vector<256x1024xf32>
    %dot_general3A_5 = tpu.matmul %get3A_4, %get3A_1, %dot_general3A {dimension_numbers = #tpu.dot_dimension_numbers<[1], [1], [0], [0], [0, 0, 1, 0], [], []>, transpose_lhs_hint = false} : vector<256x256xf32>, vector<1024x256xf32>, vector<256x1024xf32> -> vector<256x1024xf32>
    %reduce_min3A = arith.constant dense<0x7F800000> : vector<256xf32>
    %reduce_min3A_6 = vector.multi_reduction <minimumf>, %dot_general3A_5, %reduce_min3A [1] : vector<256x1024xf32> to vector<256xf32>
    %broadcast_in_dim3A = vector.shape_cast %reduce_min3A_6 : vector<256xf32> to vector<256x1xf32>
    %eq3A = vector.broadcast %broadcast_in_dim3A : vector<256x1xf32> to vector<256x1024xf32>
    %eq3A_7 = arith.cmpf oeq, %dot_general3A_5, %eq3A : vector<256x1024xf32>
    %jit3A = arith.constant 1.024000e+03 : f32
    %broadcast_in_dim3A_8 = vector.shape_cast %convert_element_type3A : vector<1x1024xf32> to vector<1x1024xf32>
    %broadcast_in_dim3A_9 = vector.broadcast %broadcast_in_dim3A_8 : vector<1x1024xf32> to vector<256x1024xf32>
    %broadcast_in_dim3A_10 = vector.broadcast %jit3A : f32 to vector<256x1024xf32>
    %select_n3A = arith.select %eq3A_7, %broadcast_in_dim3A_9, %broadcast_in_dim3A_10 : vector<256x1024xi1>, vector<256x1024xf32>
    %reduce_min3A_11 = arith.constant dense<0x7F800000> : vector<256xf32>
    %reduce_min3A_12 = vector.multi_reduction <minimumf>, %select_n3A, %reduce_min3A_11 [1] : vector<256x1024xf32> to vector<256xf32>
    %convert_element_type3A_13 = arith.fptosi %reduce_min3A_12 : vector<256xf32> to vector<256xi32>
    %swap3A = arith.constant 0 : index
    %swap3A_14 = vector.load %arg3[%swap3A] : memref<3072xi32, #tpu.memory_space<vmem>>, vector<256xi32>
    tpu.vector_store %arg3[%swap3A], %convert_element_type3A_13 {strides = array<i32>} : memref<3072xi32, #tpu.memory_space<vmem>>, vector<256xi32>,
    %mul3A = arith.mulf %get3A_4, %get3A_4 : vector<256x256xf32>
    %reduce_sum3A = vector.shape_cast %mul3A : vector<256x256xf32> to vector<1x256x256xf32>
    %reduce_sum3A_15 = arith.constant dense<0.000000e+00> : vector<1xf32>
    %reduce_sum3A_16 = vector.multi_reduction <add>, %reduce_sum3A, %reduce_sum3A_15 [1, 2] : vector<1x256x256xf32> to vector<1xf32>
    %reduce_sum3A_17 = vector.shape_cast %reduce_sum3A_16 : vector<1xf32> to vector<1x1x1xf32>
    %reduce_sum3A_18 = vector.extract %reduce_sum3A_17[0, 0, 0] : f32 from vector<1x1x1xf32>
    %reduce_sum3A_19 = vector.shape_cast %broadcast_in_dim3A : vector<256x1xf32> to vector<1x256x1xf32>
    %reduce_sum3A_20 = arith.constant dense<0.000000e+00> : vector<1xf32>
    %reduce_sum3A_21 = vector.multi_reduction <add>, %reduce_sum3A_19, %reduce_sum3A_20 [1, 2] : vector<1x256x1xf32> to vector<1xf32>
    %reduce_sum3A_22 = vector.shape_cast %reduce_sum3A_21 : vector<1xf32> to vector<1x1x1xf32>
    %reduce_sum3A_23 = vector.extract %reduce_sum3A_22[0, 0, 0] : f32 from vector<1x1x1xf32>
    %mul3A_24 = arith.constant 2.000000e+00 : f32
    %mul3A_25 = arith.mulf %mul3A_24, %reduce_sum3A_23 : f32
    %sub3A = arith.subf %reduce_sum3A_18, %mul3A_25 : f32
    %add3A = arith.constant 0.000000e+00 : f32
    %add3A_26 = arith.addf %add3A, %sub3A : f32
    %get3A_27 = arith.constant 256 : index
    %get3A_28 = arith.constant 0 : index
    %get3A_29 = vector.load %arg1[%get3A_27, %get3A_28] : memref<3072x256xf32, #tpu.memory_space<vmem>>, vector<256x256xf32>
    %dot_general3A_30 = arith.constant dense<0.000000e+00> : vector<256x1024xf32>
    %dot_general3A_31 = tpu.matmul %get3A_29, %get3A_1, %dot_general3A_30 {dimension_numbers = #tpu.dot_dimension_numbers<[1], [1], [0], [0], [0, 0, 1, 0], [], []>, transpose_lhs_hint = false} : vector<256x256xf32>, vector<1024x256xf32>, vector<256x1024xf32> -> vector<256x1024xf32>
    %reduce_min3A_32 = arith.constant dense<0x7F800000> : vector<256xf32>
    %reduce_min3A_33 = vector.multi_reduction <minimumf>, %dot_general3A_31, %reduce_min3A_32 [1] : vector<256x1024xf32> to vector<256xf32>
    %broadcast_in_dim3A_34 = vector.shape_cast %reduce_min3A_33 : vector<256xf32> to vector<256x1xf32>
    %eq3A_35 = vector.broadcast %broadcast_in_dim3A_34 : vector<256x1xf32> to vector<256x1024xf32>
    %eq3A_36 = arith.cmpf oeq, %dot_general3A_31, %eq3A_35 : vector<256x1024xf32>
    %jit3A_37 = arith.constant 1.024000e+03 : f32
    %broadcast_in_dim3A_38 = vector.shape_cast %convert_element_type3A : vector<1x1024xf32> to vector<1x1024xf32>
    %broadcast_in_dim3A_39 = vector.broadcast %broadcast_in_dim3A_38 : vector<1x1024xf32> to vector<256x1024xf32>
    %broadcast_in_dim3A_40 = vector.broadcast %jit3A_37 : f32 to vector<256x1024xf32>
    %select_n3A_41 = arith.select %eq3A_36, %broadcast_in_dim3A_39, %broadcast_in_dim3A_40 : vector<256x1024xi1>, vector<256x1024xf32>
    %reduce_min3A_42 = arith.constant dense<0x7F800000> : vector<256xf32>
    %reduce_min3A_43 = vector.multi_reduction <minimumf>, %select_n3A_41, %reduce_min3A_42 [1] : vector<256x1024xf32> to vector<256xf32>
    %convert_element_type3A_44 = arith.fptosi %reduce_min3A_43 : vector<256xf32> to vector<256xi32>
    %swap3A_45 = arith.constant 256 : index
    %swap3A_46 = vector.load %arg3[%swap3A_45] : memref<3072xi32, #tpu.memory_space<vmem>>, vector<256xi32>
    tpu.vector_store %arg3[%swap3A_45], %convert_element_type3A_44 {strides = array<i32>} : memref<3072xi32, #tpu.memory_space<vmem>>, vector<256xi32>,
    %mul3A_47 = arith.mulf %get3A_29, %get3A_29 : vector<256x256xf32>
    %reduce_sum3A_48 = vector.shape_cast %mul3A_47 : vector<256x256xf32> to vector<1x256x256xf32>
    %reduce_sum3A_49 = arith.constant dense<0.000000e+00> : vector<1xf32>
    %reduce_sum3A_50 = vector.multi_reduction <add>, %reduce_sum3A_48, %reduce_sum3A_49 [1, 2] : vector<1x256x256xf32> to vector<1xf32>
    %reduce_sum3A_51 = vector.shape_cast %reduce_sum3A_50 : vector<1xf32> to vector<1x1x1xf32>
    %reduce_sum3A_52 = vector.extract %reduce_sum3A_51[0, 0, 0] : f32 from vector<1x1x1xf32>
    %reduce_sum3A_53 = vector.shape_cast %broadcast_in_dim3A_34 : vector<256x1xf32> to vector<1x256x1xf32>
    %reduce_sum3A_54 = arith.constant dense<0.000000e+00> : vector<1xf32>
    %reduce_sum3A_55 = vector.multi_reduction <add>, %reduce_sum3A_53, %reduce_sum3A_54 [1, 2] : vector<1x256x1xf32> to vector<1xf32>
    %reduce_sum3A_56 = vector.shape_cast %reduce_sum3A_55 : vector<1xf32> to vector<1x1x1xf32>
    %reduce_sum3A_57 = vector.extract %reduce_sum3A_56[0, 0, 0] : f32 from vector<1x1x1xf32>
    %mul3A_58 = arith.constant 2.000000e+00 : f32
    %mul3A_59 = arith.mulf %mul3A_58, %reduce_sum3A_57 : f32
    %sub3A_60 = arith.subf %reduce_sum3A_52, %mul3A_59 : f32
    %add3A_61 = arith.addf %add3A_26, %sub3A_60 : f32
    %get3A_62 = arith.constant 512 : index
    %get3A_63 = arith.constant 0 : index
    %get3A_64 = vector.load %arg1[%get3A_62, %get3A_63] : memref<3072x256xf32, #tpu.memory_space<vmem>>, vector<256x256xf32>
    %dot_general3A_65 = arith.constant dense<0.000000e+00> : vector<256x1024xf32>
    %dot_general3A_66 = tpu.matmul %get3A_64, %get3A_1, %dot_general3A_65 {dimension_numbers = #tpu.dot_dimension_numbers<[1], [1], [0], [0], [0, 0, 1, 0], [], []>, transpose_lhs_hint = false} : vector<256x256xf32>, vector<1024x256xf32>, vector<256x1024xf32> -> vector<256x1024xf32>
    %reduce_min3A_67 = arith.constant dense<0x7F800000> : vector<256xf32>
    %reduce_min3A_68 = vector.multi_reduction <minimumf>, %dot_general3A_66, %reduce_min3A_67 [1] : vector<256x1024xf32> to vector<256xf32>
    %broadcast_in_dim3A_69 = vector.shape_cast %reduce_min3A_68 : vector<256xf32> to vector<256x1xf32>
    %eq3A_70 = vector.broadcast %broadcast_in_dim3A_69 : vector<256x1xf32> to vector<256x1024xf32>
    %eq3A_71 = arith.cmpf oeq, %dot_general3A_66, %eq3A_70 : vector<256x1024xf32>
    %jit3A_72 = arith.constant 1.024000e+03 : f32
    %broadcast_in_dim3A_73 = vector.shape_cast %convert_element_type3A : vector<1x1024xf32> to vector<1x1024xf32>
    %broadcast_in_dim3A_74 = vector.broadcast %broadcast_in_dim3A_73 : vector<1x1024xf32> to vector<256x1024xf32>
    %broadcast_in_dim3A_75 = vector.broadcast %jit3A_72 : f32 to vector<256x1024xf32>
    %select_n3A_76 = arith.select %eq3A_71, %broadcast_in_dim3A_74, %broadcast_in_dim3A_75 : vector<256x1024xi1>, vector<256x1024xf32>
    %reduce_min3A_77 = arith.constant dense<0x7F800000> : vector<256xf32>
    %reduce_min3A_78 = vector.multi_reduction <minimumf>, %select_n3A_76, %reduce_min3A_77 [1] : vector<256x1024xf32> to vector<256xf32>
    %convert_element_type3A_79 = arith.fptosi %reduce_min3A_78 : vector<256xf32> to vector<256xi32>
    %swap3A_80 = arith.constant 512 : index
    %swap3A_81 = vector.load %arg3[%swap3A_80] : memref<3072xi32, #tpu.memory_space<vmem>>, vector<256xi32>
    tpu.vector_store %arg3[%swap3A_80], %convert_element_type3A_79 {strides = array<i32>} : memref<3072xi32, #tpu.memory_space<vmem>>, vector<256xi32>,
    %mul3A_82 = arith.mulf %get3A_64, %get3A_64 : vector<256x256xf32>
    %reduce_sum3A_83 = vector.shape_cast %mul3A_82 : vector<256x256xf32> to vector<1x256x256xf32>
    %reduce_sum3A_84 = arith.constant dense<0.000000e+00> : vector<1xf32>
    %reduce_sum3A_85 = vector.multi_reduction <add>, %reduce_sum3A_83, %reduce_sum3A_84 [1, 2] : vector<1x256x256xf32> to vector<1xf32>
    %reduce_sum3A_86 = vector.shape_cast %reduce_sum3A_85 : vector<1xf32> to vector<1x1x1xf32>
    %reduce_sum3A_87 = vector.extract %reduce_sum3A_86[0, 0, 0] : f32 from vector<1x1x1xf32>
    %reduce_sum3A_88 = vector.shape_cast %broadcast_in_dim3A_69 : vector<256x1xf32> to vector<1x256x1xf32>
    %reduce_sum3A_89 = arith.constant dense<0.000000e+00> : vector<1xf32>
    %reduce_sum3A_90 = vector.multi_reduction <add>, %reduce_sum3A_88, %reduce_sum3A_89 [1, 2] : vector<1x256x1xf32> to vector<1xf32>
    %reduce_sum3A_91 = vector.shape_cast %reduce_sum3A_90 : vector<1xf32> to vector<1x1x1xf32>
    %reduce_sum3A_92 = vector.extract %reduce_sum3A_91[0, 0, 0] : f32 from vector<1x1x1xf32>
    %mul3A_93 = arith.constant 2.000000e+00 : f32
    %mul3A_94 = arith.mulf %mul3A_93, %reduce_sum3A_92 : f32
    %sub3A_95 = arith.subf %reduce_sum3A_87, %mul3A_94 : f32
    %add3A_96 = arith.addf %add3A_61, %sub3A_95 : f32
    %get3A_97 = arith.constant 768 : index
    %get3A_98 = arith.constant 0 : index
    %get3A_99 = vector.load %arg1[%get3A_97, %get3A_98] : memref<3072x256xf32, #tpu.memory_space<vmem>>, vector<256x256xf32>
    %dot_general3A_100 = arith.constant dense<0.000000e+00> : vector<256x1024xf32>
    %dot_general3A_101 = tpu.matmul %get3A_99, %get3A_1, %dot_general3A_100 {dimension_numbers = #tpu.dot_dimension_numbers<[1], [1], [0], [0], [0, 0, 1, 0], [], []>, transpose_lhs_hint = false} : vector<256x256xf32>, vector<1024x256xf32>, vector<256x1024xf32> -> vector<256x1024xf32>
    %reduce_min3A_102 = arith.constant dense<0x7F800000> : vector<256xf32>
    %reduce_min3A_103 = vector.multi_reduction <minimumf>, %dot_general3A_101, %reduce_min3A_102 [1] : vector<256x1024xf32> to vector<256xf32>
    %broadcast_in_dim3A_104 = vector.shape_cast %reduce_min3A_103 : vector<256xf32> to vector<256x1xf32>
    %eq3A_105 = vector.broadcast %broadcast_in_dim3A_104 : vector<256x1xf32> to vector<256x1024xf32>
    %eq3A_106 = arith.cmpf oeq, %dot_general3A_101, %eq3A_105 : vector<256x1024xf32>
    %jit3A_107 = arith.constant 1.024000e+03 : f32
    %broadcast_in_dim3A_108 = vector.shape_cast %convert_element_type3A : vector<1x1024xf32> to vector<1x1024xf32>
    %broadcast_in_dim3A_109 = vector.broadcast %broadcast_in_dim3A_108 : vector<1x1024xf32> to vector<256x1024xf32>
    %broadcast_in_dim3A_110 = vector.broadcast %jit3A_107 : f32 to vector<256x1024xf32>
    %select_n3A_111 = arith.select %eq3A_106, %broadcast_in_dim3A_109, %broadcast_in_dim3A_110 : vector<256x1024xi1>, vector<256x1024xf32>
    %reduce_min3A_112 = arith.constant dense<0x7F800000> : vector<256xf32>
    %reduce_min3A_113 = vector.multi_reduction <minimumf>, %select_n3A_111, %reduce_min3A_112 [1] : vector<256x1024xf32> to vector<256xf32>
    %convert_element_type3A_114 = arith.fptosi %reduce_min3A_113 : vector<256xf32> to vector<256xi32>
    %swap3A_115 = arith.constant 768 : index
    %swap3A_116 = vector.load %arg3[%swap3A_115] : memref<3072xi32, #tpu.memory_space<vmem>>, vector<256xi32>
    tpu.vector_store %arg3[%swap3A_115], %convert_element_type3A_114 {strides = array<i32>} : memref<3072xi32, #tpu.memory_space<vmem>>, vector<256xi32>,
    %mul3A_117 = arith.mulf %get3A_99, %get3A_99 : vector<256x256xf32>
    %reduce_sum3A_118 = vector.shape_cast %mul3A_117 : vector<256x256xf32> to vector<1x256x256xf32>
    %reduce_sum3A_119 = arith.constant dense<0.000000e+00> : vector<1xf32>
    %reduce_sum3A_120 = vector.multi_reduction <add>, %reduce_sum3A_118, %reduce_sum3A_119 [1, 2] : vector<1x256x256xf32> to vector<1xf32>
    %reduce_sum3A_121 = vector.shape_cast %reduce_sum3A_120 : vector<1xf32> to vector<1x1x1xf32>
    %reduce_sum3A_122 = vector.extract %reduce_sum3A_121[0, 0, 0] : f32 from vector<1x1x1xf32>
    %reduce_sum3A_123 = vector.shape_cast %broadcast_in_dim3A_104 : vector<256x1xf32> to vector<1x256x1xf32>
    %reduce_sum3A_124 = arith.constant dense<0.000000e+00> : vector<1xf32>
    %reduce_sum3A_125 = vector.multi_reduction <add>, %reduce_sum3A_123, %reduce_sum3A_124 [1, 2] : vector<1x256x1xf32> to vector<1xf32>
    %reduce_sum3A_126 = vector.shape_cast %reduce_sum3A_125 : vector<1xf32> to vector<1x1x1xf32>
    %reduce_sum3A_127 = vector.extract %reduce_sum3A_126[0, 0, 0] : f32 from vector<1x1x1xf32>
    %mul3A_128 = arith.constant 2.000000e+00 : f32
    %mul3A_129 = arith.mulf %mul3A_128, %reduce_sum3A_127 : f32
    %sub3A_130 = arith.subf %reduce_sum3A_122, %mul3A_129 : f32
    %add3A_131 = arith.addf %add3A_96, %sub3A_130 : f32
    %get3A_132 = arith.constant 1024 : index
    %get3A_133 = arith.constant 0 : index
    %get3A_134 = vector.load %arg1[%get3A_132, %get3A_133] : memref<3072x256xf32, #tpu.memory_space<vmem>>, vector<256x256xf32>
    %dot_general3A_135 = arith.constant dense<0.000000e+00> : vector<256x1024xf32>
    %dot_general3A_136 = tpu.matmul %get3A_134, %get3A_1, %dot_general3A_135 {dimension_numbers = #tpu.dot_dimension_numbers<[1], [1], [0], [0], [0, 0, 1, 0], [], []>, transpose_lhs_hint = false} : vector<256x256xf32>, vector<1024x256xf32>, vector<256x1024xf32> -> vector<256x1024xf32>
    %reduce_min3A_137 = arith.constant dense<0x7F800000> : vector<256xf32>
    %reduce_min3A_138 = vector.multi_reduction <minimumf>, %dot_general3A_136, %reduce_min3A_137 [1] : vector<256x1024xf32> to vector<256xf32>
    %broadcast_in_dim3A_139 = vector.shape_cast %reduce_min3A_138 : vector<256xf32> to vector<256x1xf32>
    %eq3A_140 = vector.broadcast %broadcast_in_dim3A_139 : vector<256x1xf32> to vector<256x1024xf32>
    %eq3A_141 = arith.cmpf oeq, %dot_general3A_136, %eq3A_140 : vector<256x1024xf32>
    %jit3A_142 = arith.constant 1.024000e+03 : f32
    %broadcast_in_dim3A_143 = vector.shape_cast %convert_element_type3A : vector<1x1024xf32> to vector<1x1024xf32>
    %broadcast_in_dim3A_144 = vector.broadcast %broadcast_in_dim3A_143 : vector<1x1024xf32> to vector<256x1024xf32>
    %broadcast_in_dim3A_145 = vector.broadcast %jit3A_142 : f32 to vector<256x1024xf32>
    %select_n3A_146 = arith.select %eq3A_141, %broadcast_in_dim3A_144, %broadcast_in_dim3A_145 : vector<256x1024xi1>, vector<256x1024xf32>
    %reduce_min3A_147 = arith.constant dense<0x7F800000> : vector<256xf32>
    %reduce_min3A_148 = vector.multi_reduction <minimumf>, %select_n3A_146, %reduce_min3A_147 [1] : vector<256x1024xf32> to vector<256xf32>
    %convert_element_type3A_149 = arith.fptosi %reduce_min3A_148 : vector<256xf32> to vector<256xi32>
    %swap3A_150 = arith.constant 1024 : index
    %swap3A_151 = vector.load %arg3[%swap3A_150] : memref<3072xi32, #tpu.memory_space<vmem>>, vector<256xi32>
    tpu.vector_store %arg3[%swap3A_150], %convert_element_type3A_149 {strides = array<i32>} : memref<3072xi32, #tpu.memory_space<vmem>>, vector<256xi32>,
    %mul3A_152 = arith.mulf %get3A_134, %get3A_134 : vector<256x256xf32>
    %reduce_sum3A_153 = vector.shape_cast %mul3A_152 : vector<256x256xf32> to vector<1x256x256xf32>
    %reduce_sum3A_154 = arith.constant dense<0.000000e+00> : vector<1xf32>
    %reduce_sum3A_155 = vector.multi_reduction <add>, %reduce_sum3A_153, %reduce_sum3A_154 [1, 2] : vector<1x256x256xf32> to vector<1xf32>
    %reduce_sum3A_156 = vector.shape_cast %reduce_sum3A_155 : vector<1xf32> to vector<1x1x1xf32>
    %reduce_sum3A_157 = vector.extract %reduce_sum3A_156[0, 0, 0] : f32 from vector<1x1x1xf32>
    %reduce_sum3A_158 = vector.shape_cast %broadcast_in_dim3A_139 : vector<256x1xf32> to vector<1x256x1xf32>
    %reduce_sum3A_159 = arith.constant dense<0.000000e+00> : vector<1xf32>
    %reduce_sum3A_160 = vector.multi_reduction <add>, %reduce_sum3A_158, %reduce_sum3A_159 [1, 2] : vector<1x256x1xf32> to vector<1xf32>
    %reduce_sum3A_161 = vector.shape_cast %reduce_sum3A_160 : vector<1xf32> to vector<1x1x1xf32>
    %reduce_sum3A_162 = vector.extract %reduce_sum3A_161[0, 0, 0] : f32 from vector<1x1x1xf32>
    %mul3A_163 = arith.constant 2.000000e+00 : f32
    %mul3A_164 = arith.mulf %mul3A_163, %reduce_sum3A_162 : f32
    %sub3A_165 = arith.subf %reduce_sum3A_157, %mul3A_164 : f32
    %add3A_166 = arith.addf %add3A_131, %sub3A_165 : f32
    %get3A_167 = arith.constant 1280 : index
    %get3A_168 = arith.constant 0 : index
    %get3A_169 = vector.load %arg1[%get3A_167, %get3A_168] : memref<3072x256xf32, #tpu.memory_space<vmem>>, vector<256x256xf32>
    %dot_general3A_170 = arith.constant dense<0.000000e+00> : vector<256x1024xf32>
    %dot_general3A_171 = tpu.matmul %get3A_169, %get3A_1, %dot_general3A_170 {dimension_numbers = #tpu.dot_dimension_numbers<[1], [1], [0], [0], [0, 0, 1, 0], [], []>, transpose_lhs_hint = false} : vector<256x256xf32>, vector<1024x256xf32>, vector<256x1024xf32> -> vector<256x1024xf32>
    %reduce_min3A_172 = arith.constant dense<0x7F800000> : vector<256xf32>
    %reduce_min3A_173 = vector.multi_reduction <minimumf>, %dot_general3A_171, %reduce_min3A_172 [1] : vector<256x1024xf32> to vector<256xf32>
    %broadcast_in_dim3A_174 = vector.shape_cast %reduce_min3A_173 : vector<256xf32> to vector<256x1xf32>
    %eq3A_175 = vector.broadcast %broadcast_in_dim3A_174 : vector<256x1xf32> to vector<256x1024xf32>
    %eq3A_176 = arith.cmpf oeq, %dot_general3A_171, %eq3A_175 : vector<256x1024xf32>
    %jit3A_177 = arith.constant 1.024000e+03 : f32
    %broadcast_in_dim3A_178 = vector.shape_cast %convert_element_type3A : vector<1x1024xf32> to vector<1x1024xf32>
    %broadcast_in_dim3A_179 = vector.broadcast %broadcast_in_dim3A_178 : vector<1x1024xf32> to vector<256x1024xf32>
    %broadcast_in_dim3A_180 = vector.broadcast %jit3A_177 : f32 to vector<256x1024xf32>
    %select_n3A_181 = arith.select %eq3A_176, %broadcast_in_dim3A_179, %broadcast_in_dim3A_180 : vector<256x1024xi1>, vector<256x1024xf32>
    %reduce_min3A_182 = arith.constant dense<0x7F800000> : vector<256xf32>
    %reduce_min3A_183 = vector.multi_reduction <minimumf>, %select_n3A_181, %reduce_min3A_182 [1] : vector<256x1024xf32> to vector<256xf32>
    %convert_element_type3A_184 = arith.fptosi %reduce_min3A_183 : vector<256xf32> to vector<256xi32>
    %swap3A_185 = arith.constant 1280 : index
    %swap3A_186 = vector.load %arg3[%swap3A_185] : memref<3072xi32, #tpu.memory_space<vmem>>, vector<256xi32>
    tpu.vector_store %arg3[%swap3A_185], %convert_element_type3A_184 {strides = array<i32>} : memref<3072xi32, #tpu.memory_space<vmem>>, vector<256xi32>,
    %mul3A_187 = arith.mulf %get3A_169, %get3A_169 : vector<256x256xf32>
    %reduce_sum3A_188 = vector.shape_cast %mul3A_187 : vector<256x256xf32> to vector<1x256x256xf32>
    %reduce_sum3A_189 = arith.constant dense<0.000000e+00> : vector<1xf32>
    %reduce_sum3A_190 = vector.multi_reduction <add>, %reduce_sum3A_188, %reduce_sum3A_189 [1, 2] : vector<1x256x256xf32> to vector<1xf32>
    %reduce_sum3A_191 = vector.shape_cast %reduce_sum3A_190 : vector<1xf32> to vector<1x1x1xf32>
    %reduce_sum3A_192 = vector.extract %reduce_sum3A_191[0, 0, 0] : f32 from vector<1x1x1xf32>
    %reduce_sum3A_193 = vector.shape_cast %broadcast_in_dim3A_174 : vector<256x1xf32> to vector<1x256x1xf32>
    %reduce_sum3A_194 = arith.constant dense<0.000000e+00> : vector<1xf32>
    %reduce_sum3A_195 = vector.multi_reduction <add>, %reduce_sum3A_193, %reduce_sum3A_194 [1, 2] : vector<1x256x1xf32> to vector<1xf32>
    %reduce_sum3A_196 = vector.shape_cast %reduce_sum3A_195 : vector<1xf32> to vector<1x1x1xf32>
    %reduce_sum3A_197 = vector.extract %reduce_sum3A_196[0, 0, 0] : f32 from vector<1x1x1xf32>
    %mul3A_198 = arith.constant 2.000000e+00 : f32
    %mul3A_199 = arith.mulf %mul3A_198, %reduce_sum3A_197 : f32
    %sub3A_200 = arith.subf %reduce_sum3A_192, %mul3A_199 : f32
    %add3A_201 = arith.addf %add3A_166, %sub3A_200 : f32
    %get3A_202 = arith.constant 1536 : index
    %get3A_203 = arith.constant 0 : index
    %get3A_204 = vector.load %arg1[%get3A_202, %get3A_203] : memref<3072x256xf32, #tpu.memory_space<vmem>>, vector<256x256xf32>
    %dot_general3A_205 = arith.constant dense<0.000000e+00> : vector<256x1024xf32>
    %dot_general3A_206 = tpu.matmul %get3A_204, %get3A_1, %dot_general3A_205 {dimension_numbers = #tpu.dot_dimension_numbers<[1], [1], [0], [0], [0, 0, 1, 0], [], []>, transpose_lhs_hint = false} : vector<256x256xf32>, vector<1024x256xf32>, vector<256x1024xf32> -> vector<256x1024xf32>
    %reduce_min3A_207 = arith.constant dense<0x7F800000> : vector<256xf32>
    %reduce_min3A_208 = vector.multi_reduction <minimumf>, %dot_general3A_206, %reduce_min3A_207 [1] : vector<256x1024xf32> to vector<256xf32>
    %broadcast_in_dim3A_209 = vector.shape_cast %reduce_min3A_208 : vector<256xf32> to vector<256x1xf32>
    %eq3A_210 = vector.broadcast %broadcast_in_dim3A_209 : vector<256x1xf32> to vector<256x1024xf32>
    %eq3A_211 = arith.cmpf oeq, %dot_general3A_206, %eq3A_210 : vector<256x1024xf32>
    %jit3A_212 = arith.constant 1.024000e+03 : f32
    %broadcast_in_dim3A_213 = vector.shape_cast %convert_element_type3A : vector<1x1024xf32> to vector<1x1024xf32>
    %broadcast_in_dim3A_214 = vector.broadcast %broadcast_in_dim3A_213 : vector<1x1024xf32> to vector<256x1024xf32>
    %broadcast_in_dim3A_215 = vector.broadcast %jit3A_212 : f32 to vector<256x1024xf32>
    %select_n3A_216 = arith.select %eq3A_211, %broadcast_in_dim3A_214, %broadcast_in_dim3A_215 : vector<256x1024xi1>, vector<256x1024xf32>
    %reduce_min3A_217 = arith.constant dense<0x7F800000> : vector<256xf32>
    %reduce_min3A_218 = vector.multi_reduction <minimumf>, %select_n3A_216, %reduce_min3A_217 [1] : vector<256x1024xf32> to vector<256xf32>
    %convert_element_type3A_219 = arith.fptosi %reduce_min3A_218 : vector<256xf32> to vector<256xi32>
    %swap3A_220 = arith.constant 1536 : index
    %swap3A_221 = vector.load %arg3[%swap3A_220] : memref<3072xi32, #tpu.memory_space<vmem>>, vector<256xi32>
    tpu.vector_store %arg3[%swap3A_220], %convert_element_type3A_219 {strides = array<i32>} : memref<3072xi32, #tpu.memory_space<vmem>>, vector<256xi32>,
    %mul3A_222 = arith.mulf %get3A_204, %get3A_204 : vector<256x256xf32>
    %reduce_sum3A_223 = vector.shape_cast %mul3A_222 : vector<256x256xf32> to vector<1x256x256xf32>
    %reduce_sum3A_224 = arith.constant dense<0.000000e+00> : vector<1xf32>
    %reduce_sum3A_225 = vector.multi_reduction <add>, %reduce_sum3A_223, %reduce_sum3A_224 [1, 2] : vector<1x256x256xf32> to vector<1xf32>
    %reduce_sum3A_226 = vector.shape_cast %reduce_sum3A_225 : vector<1xf32> to vector<1x1x1xf32>
    %reduce_sum3A_227 = vector.extract %reduce_sum3A_226[0, 0, 0] : f32 from vector<1x1x1xf32>
    %reduce_sum3A_228 = vector.shape_cast %broadcast_in_dim3A_209 : vector<256x1xf32> to vector<1x256x1xf32>
    %reduce_sum3A_229 = arith.constant dense<0.000000e+00> : vector<1xf32>
    %reduce_sum3A_230 = vector.multi_reduction <add>, %reduce_sum3A_228, %reduce_sum3A_229 [1, 2] : vector<1x256x1xf32> to vector<1xf32>
    %reduce_sum3A_231 = vector.shape_cast %reduce_sum3A_230 : vector<1xf32> to vector<1x1x1xf32>
    %reduce_sum3A_232 = vector.extract %reduce_sum3A_231[0, 0, 0] : f32 from vector<1x1x1xf32>
    %mul3A_233 = arith.constant 2.000000e+00 : f32
    %mul3A_234 = arith.mulf %mul3A_233, %reduce_sum3A_232 : f32
    %sub3A_235 = arith.subf %reduce_sum3A_227, %mul3A_234 : f32
    %add3A_236 = arith.addf %add3A_201, %sub3A_235 : f32
    %get3A_237 = arith.constant 1792 : index
    %get3A_238 = arith.constant 0 : index
    %get3A_239 = vector.load %arg1[%get3A_237, %get3A_238] : memref<3072x256xf32, #tpu.memory_space<vmem>>, vector<256x256xf32>
    %dot_general3A_240 = arith.constant dense<0.000000e+00> : vector<256x1024xf32>
    %dot_general3A_241 = tpu.matmul %get3A_239, %get3A_1, %dot_general3A_240 {dimension_numbers = #tpu.dot_dimension_numbers<[1], [1], [0], [0], [0, 0, 1, 0], [], []>, transpose_lhs_hint = false} : vector<256x256xf32>, vector<1024x256xf32>, vector<256x1024xf32> -> vector<256x1024xf32>
    %reduce_min3A_242 = arith.constant dense<0x7F800000> : vector<256xf32>
    %reduce_min3A_243 = vector.multi_reduction <minimumf>, %dot_general3A_241, %reduce_min3A_242 [1] : vector<256x1024xf32> to vector<256xf32>
    %broadcast_in_dim3A_244 = vector.shape_cast %reduce_min3A_243 : vector<256xf32> to vector<256x1xf32>
    %eq3A_245 = vector.broadcast %broadcast_in_dim3A_244 : vector<256x1xf32> to vector<256x1024xf32>
    %eq3A_246 = arith.cmpf oeq, %dot_general3A_241, %eq3A_245 : vector<256x1024xf32>
    %jit3A_247 = arith.constant 1.024000e+03 : f32
    %broadcast_in_dim3A_248 = vector.shape_cast %convert_element_type3A : vector<1x1024xf32> to vector<1x1024xf32>
    %broadcast_in_dim3A_249 = vector.broadcast %broadcast_in_dim3A_248 : vector<1x1024xf32> to vector<256x1024xf32>
    %broadcast_in_dim3A_250 = vector.broadcast %jit3A_247 : f32 to vector<256x1024xf32>
    %select_n3A_251 = arith.select %eq3A_246, %broadcast_in_dim3A_249, %broadcast_in_dim3A_250 : vector<256x1024xi1>, vector<256x1024xf32>
    %reduce_min3A_252 = arith.constant dense<0x7F800000> : vector<256xf32>
    %reduce_min3A_253 = vector.multi_reduction <minimumf>, %select_n3A_251, %reduce_min3A_252 [1] : vector<256x1024xf32> to vector<256xf32>
    %convert_element_type3A_254 = arith.fptosi %reduce_min3A_253 : vector<256xf32> to vector<256xi32>
    %swap3A_255 = arith.constant 1792 : index
    %swap3A_256 = vector.load %arg3[%swap3A_255] : memref<3072xi32, #tpu.memory_space<vmem>>, vector<256xi32>
    tpu.vector_store %arg3[%swap3A_255], %convert_element_type3A_254 {strides = array<i32>} : memref<3072xi32, #tpu.memory_space<vmem>>, vector<256xi32>,
    %mul3A_257 = arith.mulf %get3A_239, %get3A_239 : vector<256x256xf32>
    %reduce_sum3A_258 = vector.shape_cast %mul3A_257 : vector<256x256xf32> to vector<1x256x256xf32>
    %reduce_sum3A_259 = arith.constant dense<0.000000e+00> : vector<1xf32>
    %reduce_sum3A_260 = vector.multi_reduction <add>, %reduce_sum3A_258, %reduce_sum3A_259 [1, 2] : vector<1x256x256xf32> to vector<1xf32>
    %reduce_sum3A_261 = vector.shape_cast %reduce_sum3A_260 : vector<1xf32> to vector<1x1x1xf32>
    %reduce_sum3A_262 = vector.extract %reduce_sum3A_261[0, 0, 0] : f32 from vector<1x1x1xf32>
    %reduce_sum3A_263 = vector.shape_cast %broadcast_in_dim3A_244 : vector<256x1xf32> to vector<1x256x1xf32>
    %reduce_sum3A_264 = arith.constant dense<0.000000e+00> : vector<1xf32>
    %reduce_sum3A_265 = vector.multi_reduction <add>, %reduce_sum3A_263, %reduce_sum3A_264 [1, 2] : vector<1x256x1xf32> to vector<1xf32>
    %reduce_sum3A_266 = vector.shape_cast %reduce_sum3A_265 : vector<1xf32> to vector<1x1x1xf32>
    %reduce_sum3A_267 = vector.extract %reduce_sum3A_266[0, 0, 0] : f32 from vector<1x1x1xf32>
    %mul3A_268 = arith.constant 2.000000e+00 : f32
    %mul3A_269 = arith.mulf %mul3A_268, %reduce_sum3A_267 : f32
    %sub3A_270 = arith.subf %reduce_sum3A_262, %mul3A_269 : f32
    %add3A_271 = arith.addf %add3A_236, %sub3A_270 : f32
    %get3A_272 = arith.constant 2048 : index
    %get3A_273 = arith.constant 0 : index
    %get3A_274 = vector.load %arg1[%get3A_272, %get3A_273] : memref<3072x256xf32, #tpu.memory_space<vmem>>, vector<256x256xf32>
    %dot_general3A_275 = arith.constant dense<0.000000e+00> : vector<256x1024xf32>
    %dot_general3A_276 = tpu.matmul %get3A_274, %get3A_1, %dot_general3A_275 {dimension_numbers = #tpu.dot_dimension_numbers<[1], [1], [0], [0], [0, 0, 1, 0], [], []>, transpose_lhs_hint = false} : vector<256x256xf32>, vector<1024x256xf32>, vector<256x1024xf32> -> vector<256x1024xf32>
    %reduce_min3A_277 = arith.constant dense<0x7F800000> : vector<256xf32>
    %reduce_min3A_278 = vector.multi_reduction <minimumf>, %dot_general3A_276, %reduce_min3A_277 [1] : vector<256x1024xf32> to vector<256xf32>
    %broadcast_in_dim3A_279 = vector.shape_cast %reduce_min3A_278 : vector<256xf32> to vector<256x1xf32>
    %eq3A_280 = vector.broadcast %broadcast_in_dim3A_279 : vector<256x1xf32> to vector<256x1024xf32>
    %eq3A_281 = arith.cmpf oeq, %dot_general3A_276, %eq3A_280 : vector<256x1024xf32>
    %jit3A_282 = arith.constant 1.024000e+03 : f32
    %broadcast_in_dim3A_283 = vector.shape_cast %convert_element_type3A : vector<1x1024xf32> to vector<1x1024xf32>
    %broadcast_in_dim3A_284 = vector.broadcast %broadcast_in_dim3A_283 : vector<1x1024xf32> to vector<256x1024xf32>
    %broadcast_in_dim3A_285 = vector.broadcast %jit3A_282 : f32 to vector<256x1024xf32>
    %select_n3A_286 = arith.select %eq3A_281, %broadcast_in_dim3A_284, %broadcast_in_dim3A_285 : vector<256x1024xi1>, vector<256x1024xf32>
    %reduce_min3A_287 = arith.constant dense<0x7F800000> : vector<256xf32>
    %reduce_min3A_288 = vector.multi_reduction <minimumf>, %select_n3A_286, %reduce_min3A_287 [1] : vector<256x1024xf32> to vector<256xf32>
    %convert_element_type3A_289 = arith.fptosi %reduce_min3A_288 : vector<256xf32> to vector<256xi32>
    %swap3A_290 = arith.constant 2048 : index
    %swap3A_291 = vector.load %arg3[%swap3A_290] : memref<3072xi32, #tpu.memory_space<vmem>>, vector<256xi32>
    tpu.vector_store %arg3[%swap3A_290], %convert_element_type3A_289 {strides = array<i32>} : memref<3072xi32, #tpu.memory_space<vmem>>, vector<256xi32>,
    %mul3A_292 = arith.mulf %get3A_274, %get3A_274 : vector<256x256xf32>
    %reduce_sum3A_293 = vector.shape_cast %mul3A_292 : vector<256x256xf32> to vector<1x256x256xf32>
    %reduce_sum3A_294 = arith.constant dense<0.000000e+00> : vector<1xf32>
    %reduce_sum3A_295 = vector.multi_reduction <add>, %reduce_sum3A_293, %reduce_sum3A_294 [1, 2] : vector<1x256x256xf32> to vector<1xf32>
    %reduce_sum3A_296 = vector.shape_cast %reduce_sum3A_295 : vector<1xf32> to vector<1x1x1xf32>
    %reduce_sum3A_297 = vector.extract %reduce_sum3A_296[0, 0, 0] : f32 from vector<1x1x1xf32>
    %reduce_sum3A_298 = vector.shape_cast %broadcast_in_dim3A_279 : vector<256x1xf32> to vector<1x256x1xf32>
    %reduce_sum3A_299 = arith.constant dense<0.000000e+00> : vector<1xf32>
    %reduce_sum3A_300 = vector.multi_reduction <add>, %reduce_sum3A_298, %reduce_sum3A_299 [1, 2] : vector<1x256x1xf32> to vector<1xf32>
    %reduce_sum3A_301 = vector.shape_cast %reduce_sum3A_300 : vector<1xf32> to vector<1x1x1xf32>
    %reduce_sum3A_302 = vector.extract %reduce_sum3A_301[0, 0, 0] : f32 from vector<1x1x1xf32>
    %mul3A_303 = arith.constant 2.000000e+00 : f32
    %mul3A_304 = arith.mulf %mul3A_303, %reduce_sum3A_302 : f32
    %sub3A_305 = arith.subf %reduce_sum3A_297, %mul3A_304 : f32
    %add3A_306 = arith.addf %add3A_271, %sub3A_305 : f32
    %get3A_307 = arith.constant 2304 : index
    %get3A_308 = arith.constant 0 : index
    %get3A_309 = vector.load %arg1[%get3A_307, %get3A_308] : memref<3072x256xf32, #tpu.memory_space<vmem>>, vector<256x256xf32>
    %dot_general3A_310 = arith.constant dense<0.000000e+00> : vector<256x1024xf32>
    %dot_general3A_311 = tpu.matmul %get3A_309, %get3A_1, %dot_general3A_310 {dimension_numbers = #tpu.dot_dimension_numbers<[1], [1], [0], [0], [0, 0, 1, 0], [], []>, transpose_lhs_hint = false} : vector<256x256xf32>, vector<1024x256xf32>, vector<256x1024xf32> -> vector<256x1024xf32>
    %reduce_min3A_312 = arith.constant dense<0x7F800000> : vector<256xf32>
    %reduce_min3A_313 = vector.multi_reduction <minimumf>, %dot_general3A_311, %reduce_min3A_312 [1] : vector<256x1024xf32> to vector<256xf32>
    %broadcast_in_dim3A_314 = vector.shape_cast %reduce_min3A_313 : vector<256xf32> to vector<256x1xf32>
    %eq3A_315 = vector.broadcast %broadcast_in_dim3A_314 : vector<256x1xf32> to vector<256x1024xf32>
    %eq3A_316 = arith.cmpf oeq, %dot_general3A_311, %eq3A_315 : vector<256x1024xf32>
    %jit3A_317 = arith.constant 1.024000e+03 : f32
    %broadcast_in_dim3A_318 = vector.shape_cast %convert_element_type3A : vector<1x1024xf32> to vector<1x1024xf32>
    %broadcast_in_dim3A_319 = vector.broadcast %broadcast_in_dim3A_318 : vector<1x1024xf32> to vector<256x1024xf32>
    %broadcast_in_dim3A_320 = vector.broadcast %jit3A_317 : f32 to vector<256x1024xf32>
    %select_n3A_321 = arith.select %eq3A_316, %broadcast_in_dim3A_319, %broadcast_in_dim3A_320 : vector<256x1024xi1>, vector<256x1024xf32>
    %reduce_min3A_322 = arith.constant dense<0x7F800000> : vector<256xf32>
    %reduce_min3A_323 = vector.multi_reduction <minimumf>, %select_n3A_321, %reduce_min3A_322 [1] : vector<256x1024xf32> to vector<256xf32>
    %convert_element_type3A_324 = arith.fptosi %reduce_min3A_323 : vector<256xf32> to vector<256xi32>
    %swap3A_325 = arith.constant 2304 : index
    %swap3A_326 = vector.load %arg3[%swap3A_325] : memref<3072xi32, #tpu.memory_space<vmem>>, vector<256xi32>
    tpu.vector_store %arg3[%swap3A_325], %convert_element_type3A_324 {strides = array<i32>} : memref<3072xi32, #tpu.memory_space<vmem>>, vector<256xi32>,
    %mul3A_327 = arith.mulf %get3A_309, %get3A_309 : vector<256x256xf32>
    %reduce_sum3A_328 = vector.shape_cast %mul3A_327 : vector<256x256xf32> to vector<1x256x256xf32>
    %reduce_sum3A_329 = arith.constant dense<0.000000e+00> : vector<1xf32>
    %reduce_sum3A_330 = vector.multi_reduction <add>, %reduce_sum3A_328, %reduce_sum3A_329 [1, 2] : vector<1x256x256xf32> to vector<1xf32>
    %reduce_sum3A_331 = vector.shape_cast %reduce_sum3A_330 : vector<1xf32> to vector<1x1x1xf32>
    %reduce_sum3A_332 = vector.extract %reduce_sum3A_331[0, 0, 0] : f32 from vector<1x1x1xf32>
    %reduce_sum3A_333 = vector.shape_cast %broadcast_in_dim3A_314 : vector<256x1xf32> to vector<1x256x1xf32>
    %reduce_sum3A_334 = arith.constant dense<0.000000e+00> : vector<1xf32>
    %reduce_sum3A_335 = vector.multi_reduction <add>, %reduce_sum3A_333, %reduce_sum3A_334 [1, 2] : vector<1x256x1xf32> to vector<1xf32>
    %reduce_sum3A_336 = vector.shape_cast %reduce_sum3A_335 : vector<1xf32> to vector<1x1x1xf32>
    %reduce_sum3A_337 = vector.extract %reduce_sum3A_336[0, 0, 0] : f32 from vector<1x1x1xf32>
    %mul3A_338 = arith.constant 2.000000e+00 : f32
    %mul3A_339 = arith.mulf %mul3A_338, %reduce_sum3A_337 : f32
    %sub3A_340 = arith.subf %reduce_sum3A_332, %mul3A_339 : f32
    %add3A_341 = arith.addf %add3A_306, %sub3A_340 : f32
    %get3A_342 = arith.constant 2560 : index
    %get3A_343 = arith.constant 0 : index
    %get3A_344 = vector.load %arg1[%get3A_342, %get3A_343] : memref<3072x256xf32, #tpu.memory_space<vmem>>, vector<256x256xf32>
    %dot_general3A_345 = arith.constant dense<0.000000e+00> : vector<256x1024xf32>
    %dot_general3A_346 = tpu.matmul %get3A_344, %get3A_1, %dot_general3A_345 {dimension_numbers = #tpu.dot_dimension_numbers<[1], [1], [0], [0], [0, 0, 1, 0], [], []>, transpose_lhs_hint = false} : vector<256x256xf32>, vector<1024x256xf32>, vector<256x1024xf32> -> vector<256x1024xf32>
    %reduce_min3A_347 = arith.constant dense<0x7F800000> : vector<256xf32>
    %reduce_min3A_348 = vector.multi_reduction <minimumf>, %dot_general3A_346, %reduce_min3A_347 [1] : vector<256x1024xf32> to vector<256xf32>
    %broadcast_in_dim3A_349 = vector.shape_cast %reduce_min3A_348 : vector<256xf32> to vector<256x1xf32>
    %eq3A_350 = vector.broadcast %broadcast_in_dim3A_349 : vector<256x1xf32> to vector<256x1024xf32>
    %eq3A_351 = arith.cmpf oeq, %dot_general3A_346, %eq3A_350 : vector<256x1024xf32>
    %jit3A_352 = arith.constant 1.024000e+03 : f32
    %broadcast_in_dim3A_353 = vector.shape_cast %convert_element_type3A : vector<1x1024xf32> to vector<1x1024xf32>
    %broadcast_in_dim3A_354 = vector.broadcast %broadcast_in_dim3A_353 : vector<1x1024xf32> to vector<256x1024xf32>
    %broadcast_in_dim3A_355 = vector.broadcast %jit3A_352 : f32 to vector<256x1024xf32>
    %select_n3A_356 = arith.select %eq3A_351, %broadcast_in_dim3A_354, %broadcast_in_dim3A_355 : vector<256x1024xi1>, vector<256x1024xf32>
    %reduce_min3A_357 = arith.constant dense<0x7F800000> : vector<256xf32>
    %reduce_min3A_358 = vector.multi_reduction <minimumf>, %select_n3A_356, %reduce_min3A_357 [1] : vector<256x1024xf32> to vector<256xf32>
    %convert_element_type3A_359 = arith.fptosi %reduce_min3A_358 : vector<256xf32> to vector<256xi32>
    %swap3A_360 = arith.constant 2560 : index
    %swap3A_361 = vector.load %arg3[%swap3A_360] : memref<3072xi32, #tpu.memory_space<vmem>>, vector<256xi32>
    tpu.vector_store %arg3[%swap3A_360], %convert_element_type3A_359 {strides = array<i32>} : memref<3072xi32, #tpu.memory_space<vmem>>, vector<256xi32>,
    %mul3A_362 = arith.mulf %get3A_344, %get3A_344 : vector<256x256xf32>
    %reduce_sum3A_363 = vector.shape_cast %mul3A_362 : vector<256x256xf32> to vector<1x256x256xf32>
    %reduce_sum3A_364 = arith.constant dense<0.000000e+00> : vector<1xf32>
    %reduce_sum3A_365 = vector.multi_reduction <add>, %reduce_sum3A_363, %reduce_sum3A_364 [1, 2] : vector<1x256x256xf32> to vector<1xf32>
    %reduce_sum3A_366 = vector.shape_cast %reduce_sum3A_365 : vector<1xf32> to vector<1x1x1xf32>
    %reduce_sum3A_367 = vector.extract %reduce_sum3A_366[0, 0, 0] : f32 from vector<1x1x1xf32>
    %reduce_sum3A_368 = vector.shape_cast %broadcast_in_dim3A_349 : vector<256x1xf32> to vector<1x256x1xf32>
    %reduce_sum3A_369 = arith.constant dense<0.000000e+00> : vector<1xf32>
    %reduce_sum3A_370 = vector.multi_reduction <add>, %reduce_sum3A_368, %reduce_sum3A_369 [1, 2] : vector<1x256x1xf32> to vector<1xf32>
    %reduce_sum3A_371 = vector.shape_cast %reduce_sum3A_370 : vector<1xf32> to vector<1x1x1xf32>
    %reduce_sum3A_372 = vector.extract %reduce_sum3A_371[0, 0, 0] : f32 from vector<1x1x1xf32>
    %mul3A_373 = arith.constant 2.000000e+00 : f32
    %mul3A_374 = arith.mulf %mul3A_373, %reduce_sum3A_372 : f32
    %sub3A_375 = arith.subf %reduce_sum3A_367, %mul3A_374 : f32
    %add3A_376 = arith.addf %add3A_341, %sub3A_375 : f32
    %get3A_377 = arith.constant 2816 : index
    %get3A_378 = arith.constant 0 : index
    %get3A_379 = vector.load %arg1[%get3A_377, %get3A_378] : memref<3072x256xf32, #tpu.memory_space<vmem>>, vector<256x256xf32>
    %dot_general3A_380 = arith.constant dense<0.000000e+00> : vector<256x1024xf32>
    %dot_general3A_381 = tpu.matmul %get3A_379, %get3A_1, %dot_general3A_380 {dimension_numbers = #tpu.dot_dimension_numbers<[1], [1], [0], [0], [0, 0, 1, 0], [], []>, transpose_lhs_hint = false} : vector<256x256xf32>, vector<1024x256xf32>, vector<256x1024xf32> -> vector<256x1024xf32>
    %reduce_min3A_382 = arith.constant dense<0x7F800000> : vector<256xf32>
    %reduce_min3A_383 = vector.multi_reduction <minimumf>, %dot_general3A_381, %reduce_min3A_382 [1] : vector<256x1024xf32> to vector<256xf32>
    %broadcast_in_dim3A_384 = vector.shape_cast %reduce_min3A_383 : vector<256xf32> to vector<256x1xf32>
    %eq3A_385 = vector.broadcast %broadcast_in_dim3A_384 : vector<256x1xf32> to vector<256x1024xf32>
    %eq3A_386 = arith.cmpf oeq, %dot_general3A_381, %eq3A_385 : vector<256x1024xf32>
    %jit3A_387 = arith.constant 1.024000e+03 : f32
    %broadcast_in_dim3A_388 = vector.shape_cast %convert_element_type3A : vector<1x1024xf32> to vector<1x1024xf32>
    %broadcast_in_dim3A_389 = vector.broadcast %broadcast_in_dim3A_388 : vector<1x1024xf32> to vector<256x1024xf32>
    %broadcast_in_dim3A_390 = vector.broadcast %jit3A_387 : f32 to vector<256x1024xf32>
    %select_n3A_391 = arith.select %eq3A_386, %broadcast_in_dim3A_389, %broadcast_in_dim3A_390 : vector<256x1024xi1>, vector<256x1024xf32>
    %reduce_min3A_392 = arith.constant dense<0x7F800000> : vector<256xf32>
    %reduce_min3A_393 = vector.multi_reduction <minimumf>, %select_n3A_391, %reduce_min3A_392 [1] : vector<256x1024xf32> to vector<256xf32>
    %convert_element_type3A_394 = arith.fptosi %reduce_min3A_393 : vector<256xf32> to vector<256xi32>
    %swap3A_395 = arith.constant 2816 : index
    %swap3A_396 = vector.load %arg3[%swap3A_395] : memref<3072xi32, #tpu.memory_space<vmem>>, vector<256xi32>
    tpu.vector_store %arg3[%swap3A_395], %convert_element_type3A_394 {strides = array<i32>} : memref<3072xi32, #tpu.memory_space<vmem>>, vector<256xi32>,
    %mul3A_397 = arith.mulf %get3A_379, %get3A_379 : vector<256x256xf32>
    %reduce_sum3A_398 = vector.shape_cast %mul3A_397 : vector<256x256xf32> to vector<1x256x256xf32>
    %reduce_sum3A_399 = arith.constant dense<0.000000e+00> : vector<1xf32>
    %reduce_sum3A_400 = vector.multi_reduction <add>, %reduce_sum3A_398, %reduce_sum3A_399 [1, 2] : vector<1x256x256xf32> to vector<1xf32>
    %reduce_sum3A_401 = vector.shape_cast %reduce_sum3A_400 : vector<1xf32> to vector<1x1x1xf32>
    %reduce_sum3A_402 = vector.extract %reduce_sum3A_401[0, 0, 0] : f32 from vector<1x1x1xf32>
    %reduce_sum3A_403 = vector.shape_cast %broadcast_in_dim3A_384 : vector<256x1xf32> to vector<1x256x1xf32>
    %reduce_sum3A_404 = arith.constant dense<0.000000e+00> : vector<1xf32>
    %reduce_sum3A_405 = vector.multi_reduction <add>, %reduce_sum3A_403, %reduce_sum3A_404 [1, 2] : vector<1x256x1xf32> to vector<1xf32>
    %reduce_sum3A_406 = vector.shape_cast %reduce_sum3A_405 : vector<1xf32> to vector<1x1x1xf32>
    %reduce_sum3A_407 = vector.extract %reduce_sum3A_406[0, 0, 0] : f32 from vector<1x1x1xf32>
    %mul3A_408 = arith.constant 2.000000e+00 : f32
    %mul3A_409 = arith.mulf %mul3A_408, %reduce_sum3A_407 : f32
    %sub3A_410 = arith.subf %reduce_sum3A_402, %mul3A_409 : f32
    %add3A_411 = arith.addf %add3A_376, %sub3A_410 : f32
    %eq3A_412 = arith.constant 0 : i32
    %eq3A_413 = arith.cmpi eq, %arg0, %eq3A_412 : i32
    %convert_element_type3A_414 = arith.extui %eq3A_413 : i1 to i32
    %cond3A = arith.constant 0 : i32
    %cond3A_415 = arith.cmpi ne, %convert_element_type3A_414, %cond3A : i32
    scf.if %cond3A_415 {
      %broadcast_in_dim3A_433 = arith.constant 1.000000e+00 : f32
      %broadcast_in_dim3A_434 = vector.broadcast %broadcast_in_dim3A_433 : f32 to vector<1x256xf32>
      %mul3A_435 = arith.mulf %get3A_1, %get3A_1 : vector<1024x256xf32>
      %dot_general3A_436 = arith.constant dense<0.000000e+00> : vector<1x1024xf32>
      %dot_general3A_437 = tpu.matmul %broadcast_in_dim3A_434, %mul3A_435, %dot_general3A_436 {dimension_numbers = #tpu.dot_dimension_numbers<[1], [1], [0], [0], [0, 0, 1, 0], [], []>, transpose_lhs_hint = false} : vector<1x256xf32>, vector<1024x256xf32>, vector<1x1024xf32> -> vector<1x1024xf32>
      %swap3A_438 = arith.constant 0 : index
      %swap3A_439 = arith.constant 0 : index
      %swap3A_440 = vector.load %arg5[%swap3A_438, %swap3A_439] : memref<1x1024xf32, #tpu.memory_space<vmem>>, vector<1x1024xf32>
      tpu.vector_store %arg5[%swap3A_438, %swap3A_439], %dot_general3A_437 {strides = array<i32>} : memref<1x1024xf32, #tpu.memory_space<vmem>>, vector<1x1024xf32>,
    } else {
    }
    %eq3A_416 = arith.constant 0 : i32
    %eq3A_417 = arith.cmpi eq, %arg0, %eq3A_416 : i32
    %convert_element_type3A_418 = arith.extui %eq3A_417 : i1 to i32
    %cond3A_419 = arith.constant 0 : i32
    %cond3A_420 = arith.cmpi ne, %convert_element_type3A_418, %cond3A_419 : i32
    scf.if %cond3A_420 {
      %broadcast_in_dim3A_433 = arith.constant 0.000000e+00 : f32
      %broadcast_in_dim3A_434 = vector.broadcast %broadcast_in_dim3A_433 : f32 to vector<1x1xf32>
      %swap3A_435 = arith.constant 0 : index
      %swap3A_436 = arith.constant 0 : index
      %swap3A_437 = vector.load %arg4[%swap3A_435, %swap3A_436] : memref<1x1xf32, #tpu.memory_space<vmem>>, vector<1x1xf32>
      tpu.vector_store %arg4[%swap3A_435, %swap3A_436], %broadcast_in_dim3A_434 {strides = array<i32>} : memref<1x1xf32, #tpu.memory_space<vmem>>, vector<1x1xf32>,
    } else {
    }
    %get3A_421 = arith.constant 0 : index
    %get3A_422 = arith.constant 0 : index
    %get3A_423 = vector.load %arg4[%get3A_421, %get3A_422] : memref<1x1xf32, #tpu.memory_space<vmem>>, vector<1x1xf32>
    %reshape3A = vector.broadcast %add3A_411 : f32 to vector<1x1xf32>
    %add3A_424 = arith.addf %get3A_423, %reshape3A : vector<1x1xf32>
    %swap3A_425 = arith.constant 0 : index
    %swap3A_426 = arith.constant 0 : index
    %swap3A_427 = vector.load %arg4[%swap3A_425, %swap3A_426] : memref<1x1xf32, #tpu.memory_space<vmem>>, vector<1x1xf32>
    tpu.vector_store %arg4[%swap3A_425, %swap3A_426], %add3A_424 {strides = array<i32>} : memref<1x1xf32, #tpu.memory_space<vmem>>, vector<1x1xf32>,
    %eq3A_428 = arith.constant 1 : i32
    %eq3A_429 = arith.cmpi eq, %arg0, %eq3A_428 : i32
    %convert_element_type3A_430 = arith.extui %eq3A_429 : i1 to i32
    %cond3A_431 = arith.constant 0 : i32
    %cond3A_432 = arith.cmpi ne, %convert_element_type3A_430, %cond3A_431 : i32
    scf.if %cond3A_432 {
      %get3A_433 = arith.constant 0 : index
      %get3A_434 = arith.constant 0 : index
      %get3A_435 = vector.load %arg4[%get3A_433, %get3A_434] : memref<1x1xf32, #tpu.memory_space<vmem>>, vector<1x1xf32>
      %mul3A_436 = arith.constant 2.64909545E-7 : f32
      %mul3A_437 = vector.broadcast %mul3A_436 : f32 to vector<1x1xf32>
      %mul3A_438 = arith.mulf %get3A_435, %mul3A_437 : vector<1x1xf32>
      %swap3A_439 = arith.constant 0 : index
      %swap3A_440 = arith.constant 0 : index
      %swap3A_441 = vector.load %arg4[%swap3A_439, %swap3A_440] : memref<1x1xf32, #tpu.memory_space<vmem>>, vector<1x1xf32>
      tpu.vector_store %arg4[%swap3A_439, %swap3A_440], %mul3A_438 {strides = array<i32>} : memref<1x1xf32, #tpu.memory_space<vmem>>, vector<1x1xf32>,
    } else {
    }
    return
  }
  func.func @transform_0(%arg0: i32) -> (i32, i32) {
    %add3A = arith.constant 4 : i32
    %add3A_0 = arith.addi %add3A, %arg0 : i32
    %c0_i32 = arith.constant 0 : i32
    %c0_i32_1 = arith.constant 0 : i32
    return %add3A_0, %c0_i32 : i32, i32
  }
  func.func @transform_1(%arg0: i32) -> (i32, i32) {
    %c0_i32 = arith.constant 0 : i32
    %c0_i32_0 = arith.constant 0 : i32
    %c0_i32_1 = arith.constant 0 : i32
    return %c0_i32, %c0_i32_0 : i32, i32
  }
  func.func @transform_2(%arg0: i32) -> i32 {
    %c0_i32 = arith.constant 0 : i32
    return %arg0 : i32
  }
  func.func @transform_3(%arg0: i32) -> (i32, i32) {
    %c0_i32 = arith.constant 0 : i32
    %c0_i32_0 = arith.constant 0 : i32
    %c0_i32_1 = arith.constant 0 : i32
    return %c0_i32, %c0_i32_0 : i32, i32
  }
  func.func @transform_4(%arg0: i32) -> (i32, i32) {
    %c0_i32 = arith.constant 0 : i32
    %c0_i32_0 = arith.constant 0 : i32
    %c0_i32_1 = arith.constant 0 : i32
    return %c0_i32, %c0_i32_0 : i32, i32
  }
}

</mosaic_0001>

<sc_bundles>
// kernel: kernel.11.cloned.1.call-start
scs
__scs_entry_jumppad:
0x0: {  	(pc) =	sbr.rel $0x88, $3  }
0x1: {  	(tag) =	ssettag $0x0;
	lr =	simm.s32 $0x1  }
0x2: {  	[smem:$0x3F9F] =	sst lr;
	_ =	strace $0xD0000000  }
0x3: {  	_ = 	snop  }
0x4: {  	_ = 	snop  }
0x5: {  	_ = 	snop  }
0x6: {  	_ = 	snop  }
0x7: {  	_ = 	snop  }
__scs_overlays_trampoline_lowered:
0x8: {  	[smem:$0x3FAE] =	sst s0  }
0x9: {  	[smem:$0x3FAF] =	sst s1  }
0xa: {  	[smem:$0x3FB0] =	sst s2  }
0xb: {  	[smem:$0x3FB1] =	sst s3  }
0xc: {  	[smem:$0x3FB2] =	sst s4  }
0xd: {  	[smem:$0x3FB3] =	sst s5  }
0xe: {  	[smem:$0x3FB4] =	sst s6  }
0xf: {  	[smem:$0x3FB5] =	sst s7  }
0x10: {  	[smem:$0x3FB6] =	sst s8  }
0x11: {  	[smem:$0x3FB7] =	sst s9;
	s0 =	simm.s32 @!p0 $0x0  }
0x12: {  	s1 =	sld [smem:$0x3F9D];
	s0 =	simm.s32 @p0 $0x1  }
0x13: {  	[smem:$0x3FB8] =	sst s0;
	s0 =	simm.s32 @!p1 $0x0  }
0x14: {  	s2 =	sld [smem:$0x3F9C];
	s0 =	simm.s32 @p1 $0x1  }
0x15: {  	[smem:$0x3FB9] =	sst s0;
	s0 =	simm.s32 @!p2 $0x0  }
0x16: {  	s3 =	sld [smem:$0x3FDB];
	s0 =	simm.s32 @p2 $0x1  }
0x17: {  	s4 =	simm.s32 $0x1BF5;
	[smem:$0x3FBB] =	sst s0  }
0x18: {  	s0 =	sld [smem:$0x3F9E];
	_ =	swait.ge [sflag:s4], $0x0  }
0x19: {  	s7 =	sld [smem:$0x3F9F]  }
0x1a: {  	s8 =	sadd.s32 $0xFFFFE003, lr  }
0x1b: {  	s9 =	sadd.s32 $0xFFFFFEF7, lr;
	s5 =	simm.s32 $0xFFFFFFFF;
	p2 =	slt.u32 s8, $0xFFFFF086  }
0x1c: {  	p1 =	slt.u32 s9, $0xF7A;
	s5 =	simm.s32 @!p2 $0x0  }
0x1d: {  	s5 =	simm.s32 @p1 $0x1;
	p0 =	seq.s32 s7, s2  }
0x1e: {  	s7 =	smul.u32 @!p0 $0xF7A, s2;
	p2 =	seq.s32 @!p0 s5, $0x0  }
0x1f: {  	s9 =	smul.u32 $0xF7A, s1;
	s8 =	simm.s32 @!p0 $0x1BF5;
	p2 =	por !p2, p0  }
0x20: {  	[sflag:s8] =	ssyncset.s32 @!p0 $0xFFFFF086;
	s6 =	sadd.s32 @!p0 s3, s7;
	s7 =	simm.s32 @!p0 $0x108  }
0x21: {  	s3 =	sadd.s32 s3, s9;
	s6 =	sadd.s32 @!p0 $0x88, s6;
	s7 =	simm.s32 @p2 $0x1082  }
0x22: {  	[simem:s7], [sflag:s8] =	dma.local @!p0 [hbm:s6], $0xF7A  }
0x23: {  	s9 =	sor.u32 $0xD0000000, s2;
	s6 =	simm.s32 $0x108;
	_ =	swait.ge @!p0 [sflag:s8], $0x0  }
0x24: {  	s3 =	sadd.s32 $0x88, s3;
	s6 =	simm.s32 @!p1 $0x1082;
	[sflag:s4] =	ssyncset.s32 $0xFFFFF086  }
0x25: {  	[simem:s6], [sflag:s4] =	dma.local [hbm:s3], $0xF7A  }
0x26: {  	[smem:$0x3F9F] =	sst s1;
	(tag) =	ssettag s2;
	_ =	strace s9  }
0x27: {  	s1 =	sld [smem:$0x3FAF]  }
0x28: {  	s2 =	sld [smem:$0x3FB0]  }
0x29: {  	s4 =	sld [smem:$0x3FB2]  }
0x2a: {  	p0 =	seq.s32 s5, $0x0;
	s5 =	sld [smem:$0x3FB3]  }
0x2b: {  	s6 =	sld [smem:$0x3FB4]  }
0x2c: {  	s7 =	sld [smem:$0x3FB5]  }
0x2d: {  	s3 =	simm.s32 $0x108;
	s8 =	sld [smem:$0x3FB6]  }
0x2e: {  	s3 =	simm.s32 @!p0 $0x1082;
	s9 =	sld [smem:$0x3FB7]  }
0x2f: {  	lr =	sadd.s32 s0, s3;
	s0 =	sld [smem:$0x3FAE]  }
0x30: {  	s3 =	sld [smem:$0x3FB1]  }
0x31: {  	[smem:$0x3FBA] =	sst s10  }
0x32: {  	s10 =	sld [smem:$0x3FB8];
	_ =	sdelay $0x3  }
0x33: {  	p0 =	seq.s32 s10, $0x1;
	s10 =	sld [smem:$0x3FBA];
	_ =	sdelay $0x3  }
0x34: {  	[smem:$0x3FBA] =	sst s10  }
0x35: {  	s10 =	sld [smem:$0x3FB9];
	_ =	sdelay $0x3  }
0x36: {  	p1 =	seq.s32 s10, $0x1;
	s10 =	sld [smem:$0x3FBA];
	_ =	sdelay $0x3  }
0x37: {  	[smem:$0x3FBA] =	sst s10  }
0x38: {  	s10 =	sld [smem:$0x3FBB]  }
0x39: {  	_ = 	snop;
	(pc) =	sbr.ind lr, $3  }
0x3a: {  	_ = 	snop  }
0x3b: {  	_ = 	snop  }
0x3c: {  	p2 =	seq.s32 s10, $0x1;
	s10 =	sld [smem:$0x3FBA]  }
0x3d: {  	_ =	shalt  }
0x3e: {  	_ =	shalt  }
0x3f: {  	_ =	shalt  }
0x40: {  	_ =	shalt  }
0x41: {  	_ =	shalt  }
0x42: {  	_ =	shalt  }
0x43: {  	_ =	shalt  }
0x44: {  	_ =	shalt  }
0x45: {  	_ =	shalt  }
0x46: {  	_ =	shalt  }
0x47: {  	_ =	shalt  }
0x48: {  	_ =	shalt  }
0x49: {  	_ =	shalt  }
0x4a: {  	_ =	shalt  }
0x4b: {  	_ =	shalt  }
0x4c: {  	_ =	shalt  }
0x4d: {  	_ =	shalt  }
0x4e: {  	_ =	shalt  }
0x4f: {  	_ =	shalt  }
0x50: {  	_ =	shalt  }
0x51: {  	_ =	shalt  }
0x52: {  	_ =	shalt  }
0x53: {  	_ =	shalt  }
0x54: {  	_ =	shalt  }
0x55: {  	_ =	shalt  }
0x56: {  	_ =	shalt  }
0x57: {  	_ =	shalt  }
0x58: {  	_ =	shalt  }
0x59: {  	_ =	shalt  }
0x5a: {  	_ =	shalt  }
0x5b: {  	_ =	shalt  }
0x5c: {  	_ =	shalt  }
0x5d: {  	_ =	shalt  }
0x5e: {  	_ =	shalt  }
0x5f: {  	_ =	shalt  }
0x60: {  	_ =	shalt  }
0x61: {  	_ =	shalt  }
0x62: {  	_ =	shalt  }
0x63: {  	_ =	shalt  }
0x64: {  	_ =	shalt  }
0x65: {  	_ =	shalt  }
0x66: {  	_ =	shalt  }
0x67: {  	_ =	shalt  }
0x68: {  	_ =	shalt  }
0x69: {  	_ =	shalt  }
0x6a: {  	_ =	shalt  }
0x6b: {  	_ =	shalt  }
0x6c: {  	_ =	shalt  }
0x6d: {  	_ =	shalt  }
0x6e: {  	_ =	shalt  }
0x6f: {  	_ =	shalt  }
0x70: {  	_ =	shalt  }
0x71: {  	_ =	shalt  }
0x72: {  	_ =	shalt  }
0x73: {  	_ =	shalt  }
0x74: {  	_ =	shalt  }
0x75: {  	_ =	shalt  }
0x76: {  	_ =	shalt  }
0x77: {  	_ =	shalt  }
0x78: {  	_ =	shalt  }
0x79: {  	_ =	shalt  }
0x7a: {  	_ =	shalt  }
0x7b: {  	_ =	shalt  }
0x7c: {  	_ =	shalt  }
0x7d: {  	_ =	shalt  }
0x7e: {  	_ =	shalt  }
0x7f: {  	_ =	shalt  }
0x80: {  	_ =	shalt  }
0x81: {  	_ =	shalt  }
0x82: {  	_ =	shalt  }
0x83: {  	_ =	shalt  }
0x84: {  	_ =	shalt  }
0x85: {  	_ =	shalt  }
0x86: {  	_ =	shalt  }
0x87: {  	_ =	shalt  }
.Lfunc_end0:
.L_simem_size_0:
called_computation.1_lowered:
.L_overlay_start_0:
0x88: {  	s2 =	sld [smem:$0x3FD9]  }
0x89: {  	s3 =	sld [smem:$0x3FFE];
	_ =	sdelay $0x1  }
0x8a: {  	s1 =	srdreg.scid  }
0x8b: {  	s0 =	sand.u32 $0x1, s1  }
0x8c: {  	s14 =	sshll.u32 s0, $0xA;
	s2 =	sadd.s32 s3, s2  }
0x8d: {  	s2 =	sadd.s32 s2, s14  }
0x8e: {  	[smem:$0x3FC6] =	sst s2  }
0x8f: {  	_ = 	snop  }
0x90: {  	s2 =	sld [smem:$0x3FD0];
	_ =	sdelay $0x2  }
0x91: {  	s4 =	simm.s32 $0xA;
	s5 =	simm.s32 $0x10;
	s15 =	sld [smem:$0x3FC8]  }
0x92: {  	[smem:s5], [sflag:s4] =	dma.local [hbm:s2], $0x1  }
0x93: {  	_ =	swait.eq [sflag:s4], $0x1  }
0x94: {  	[sflag:s4] =	ssyncset.done $0x0  }
0x95: {  	s16 =	sld [smem:$0x10];
	[sflag:s4] =	ssyncadd.s32 $0xFFFFFFFF  }
0x96: {  	s17 =	sld [smem:$0x12];
	(tm) =	ssettm $0x1  }
0x97: {  	s18 =	sld [smem:$0x3FFB];
	_ =	sdelay $0x3  }
0x98: {  	_ =	strace s18  }
0x99: {  	s5 =	sld [smem:$0x3FFC];
	_ =	sdelay $0x3  }
0x9a: {  	_ =	strace s5  }
0x9b: {  	s5 =	sld [smem:$0x3FFD];
	_ =	sdelay $0x3  }
0x9c: {  	_ =	strace s5  }
0x9d: {  	_ =	strace $0x8FFFFFFF  }
0x9e: {  	s19 =	sld [smem:$0x3FDB];
	_ =	sdelay $0x1  }
0x9f: {  	s6 =	simm.s32 $_scs_section_size  }
0xa0: {  	s7 =	simm.s32 $_size__tile_overlayer_lowered;
	s8 =	simm.s32 $_tile_overlayer_lowered  }
0xa1: {  	s22 =	simm.s32 $0x1BFF;
	s21 =	sshll.u32 s8, $0x1;
	s5 =	sadd.s32 s6, s19  }
0xa2: {  	s9 =	simm.s32 $0x0;
	s20 =	sshll.u32 s7, $0x1;
	s7 =	sadd.s32 s21, s5  }
0xa3: {  	[timem:s9], [sflag:s22] =	dma.local [hbm:s7], s20  }
0xa4: {  	_ =	swait.ge [sflag:s22], s20  }
0xa5: {  	s6 =	ssub.s32 $0x0, s20;
	[sflag:s22] =	ssyncset.done $0x0  }
0xa6: {  	[sflag:s22] =	ssyncadd.s32 s6;
	_ =	sdelay $0x1  }
0xa7: {  	s23 =	simm.s32 $0x1B8B  }
0xa8: {  	_ =	swait.ge [sflag:s23], $0x1  }
0xa9: {  	[sflag:s23] =	ssyncset.done $0x0  }
0xaa: {  	s25 =	simm.s32 $0x1B8E;
	s24 =	sld [smem:$0x3FFE];
	[sflag:s23] =	ssyncadd.s32 $0xFFFFFFFF  }
0xab: {  	s26 =	simm.s32 $execute0_lowered;
	[smem:$0x3FD2] =	sst s25  }
0xac: {  	s7 =	sshll.u32 s26, $0x1;
	_ =	strace $0x80000049;
	[dreg:$0x1] =	wrdreg $0xFFFFFFFF  }
0xad: {  	s28 =	simm.s32 $_size_execute0_lowered;
	s5 =	sadd.s32 s5, s7;
	[dreg:$0x0] =	wrdreg $0x0  }
0xae: {  	s7 =	sshll.u32 s28, $0x1;
	[dreg:$0x2] =	wrdreg s5  }
0xaf: {  	[dreg:$0x3] =	wrdreg s7  }
0xb0: {  	[dreg:$0x4] =	wrdreg $0xC0  }
0xb1: {  	_ =	task [dreg:s9], $0x5FFFF  }
0xb2: {  	[dreg:$0x1] =	wrdreg $0xFFFFFFFF  }
0xb3: {  	[dreg:$0x0] =	wrdreg $0x60  }
0xb4: {  	[dreg:$0x2] =	wrdreg s15  }
0xb5: {  	[dreg:$0x3] =	wrdreg s17  }
0xb6: {  	[dreg:$0x4] =	wrdreg s24  }
0xb7: {  	[dreg:$0x5] =	wrdreg s16  }
0xb8: {  	[dreg:$0x6] =	wrdreg $0x9  }
0xb9: {  	_ =	task.clear_ibuf [dreg:s9], $0x7FFFF;
	_ =	strace $0x90000049  }
0xba: {  	s29 =	simm.s32 $0x9;
	_ =	strace $0x8000004B  }
0xbb: {  	_ =	swait.ge [sflag:s29], $0x1  }
0xbc: {  	[sflag:s29] =	ssyncadd.s32 $0xFFFFFFFF  }
0xbd: {  	_ =	strace $0x9000004B  }
0xbe: {  	_ =	sfence  }
0xbf: {  	s30 =	sld [smem:$0x0];
	_ =	sdelay $0x2  }
0xc0: {  	s31 =	sshll.u32 s1, $0xD;
	s1 =	sshrl.u32 s1, $0x2  }
0xc1: {  	s3 =	sand.u32 $0x4000, s31;
	s1 =	sadd.s32 s1, s30  }
0xc2: {  	s0 =	sor.u32 s3, s0;
	s1 =	sshll.u32 s1, $0x11  }
0xc3: {  	s0 =	sor.u32 s1, s0  }
0xc4: {  	s0 =	sadd.s32 $0x8F2B, s0  }
0xc5: {  	[sflag:s0] =	ssyncadd.remote.s32 $0x1  }
0xc6: {  	_ =	sfence.sel $0xFFFF  }
0xc7: {  	[dreg:$0x0] =	wrdreg $0xFFFFFFFF;
	(pc) =	sbr.abs _section_cstart, $3  }
0xc8: {  	[dreg:$0x1] =	wrdreg $0xFFFFFFFF  }
0xc9: {  	_ =	task.clear_ibuf [dreg:s9], $0x2FFFF;
	_ =	strace $0x9FFFFFFF  }
0xca: {  	(tm) =	ssettm $0x7FFFFFFF  }
0xcb: {  	_ =	shalt  }
tec
execute0_lowered:
.L_overlay_start_1:
0x0: {  	(tag) =	ssettag $0x1  }
0x1: {  	s1 =	rddreg [dreg:$0x0]  }
0x2: {  	s5 =	rddreg [dreg:$0x1]  }
0x3: {  	s6 =	rddreg [dreg:$0x2];
	s2 =	srdreg.scid  }
0x4: {  	s0 =	stileid.u32;
	s7 =	rddreg [dreg:$0x3];
	s3 =	simm.s32 $0x0  }
0x5: {  	s12 =	simm.s32 $0x900;
	s13 =	simm.s32 $0x1100;
	s14 =	simm.s32 $0x1900  }
0x6: {  	s15 =	simm.s32 $0x2100;
	s16 =	simm.s32 $0x2900;
	s17 =	simm.s32 $0x3100  }
0x7: {  	s18 =	simm.s32 $0x3900;
	s19 =	simm.s32 $0x4100;
	s20 =	simm.s32 $0x4900  }
0x8: {  	s21 =	simm.s32 $0x5100;
	s22 =	simm.s32 $0x5900;
	s23 =	simm.s32 $0x60  }
0x9: {  	s24 =	simm.s32 $0x6100;
	s25 =	simm.s32 $0x1;
	s26 =	simm.s32 $0x2  }
0xa: {  	s8 =	sand.u32 $0x1, s2;
	s4 =	sshll.u32 s0, $0x1;
	s2 =	rddreg [dreg:$0x4]  }
0xb: {  	s28 =	simm.s32 $0x6180;
	[smem:$0x7FF] =	sst s3;
	s9 =	sor.u32 s8, s4  }
0xc: {  	_ =	strace $0x8000004A;
	s8 =	ssub.s32 $0x2, s8;
	s10 =	smul.u32 $0xC000, s9  }
0xd: {  	s11 =	sshll.u32 s9, $0x4;
	s9 =	smul.u32 $0x18, s9;
	s30 =	sshrl.u32 s8, $0x1  }
0xe: {  	s4 =	sadd.s32 $0x3000, s6;
	s11 =	sadd.s32 s11, s6;
	s31 =	ssub.s32 s8, s30  }
0xf: {  	v2 =	vlaneseq.u32;
	s10 =	sshrl.u32 s10, $0x3;
	s5 =	sadd.s32 s5, s9;
	s8 =	sadd.s32 $0x3600, s11  }
0x10: {  	vm0 =	vmmov $0xffff;
	v1 =	vshrl.u32 v2, $0x3;
	s9 =	smax.u32 s31, $0x1;
	s11 =	simm.s32 $0x100;
	s7 =	sadd.s32 s7, s10  }
0x11: {  	v0 =	vand.u32 $0x7, v2;
	v2 =	vor.u32 $0x8, v2;
	v1 =	vmul.u32 $0x8, v1;
	s10 =	simm.s32 $0x3;
	s6 =	sadd.s32 $0x30000, s7;
	s7 =	sadd.s32 $0x30C00, s7  }
.LBB2_1:
0x12: {  	[tilespmem:s3], [sflag:$0x3] =	stream.linear.gather [hbm4b:s5+s3], $0xC0, $0x38;
	[tilespmem:$0x6200] =	vst v63  }
0x13: {  	_ =	swait.ge [sflag:s10], $0xC0  }
0x14: {  	[sflag:s10] =	ssyncset.done $0x0  }
0x15: {  	[sflag:s10] =	ssyncadd.s32 $0xFFFFFF40  }
0x16: {  	v3 =	vld [tilespmem:$0x0];
	_ =	sdelay $0x4  }
0x17: {  	v4 =	vshll.u32 v3, $0x1  }
0x18: {  	v3 =	vand.u32 $0x7, v3;
	v4 =	vand.u32 $0xFFFFFFF0, v4  }
0x19: {  	v3 =	vor.u32 v3, v4  }
0x1a: {  	v4 =	vperm.xlane v3, v0;
	_ =	sdelay $0x1  }
0x1b: {  	v3 =	vperm.xlane v3, v2;
	v4 =	vadd.s32 v1, v4;
	_ =	sdelay $0x1  }
0x1c: {  	v3 =	vadd.s32 v1, v3;
	_ =	sdelay $0x2  }
0x1d: {  	[tilespmem:s11], [sflag:$0x1] =	stream.indirect_vreg.gather [hbm4b:s1+s3], $0x80, v4, vm0, $0xb8;
	[tilespmem:$0x6200] =	vst v63  }
0x1e: {  	_ = 	snop  }
0x1f: {  	[tilespmem:s12], [sflag:$0x1] =	stream.indirect_vreg.gather [hbm4b:s1+s3], $0x80, v3, vm0, $0xb8;
	[tilespmem:$0x6200] =	vst v63  }
0x20: {  	v3 =	vld [tilespmem:$0x10];
	_ =	sdelay $0x4  }
0x21: {  	v47 =	vshll.u32 v3, $0x1  }
0x22: {  	v3 =	vand.u32 $0x7, v3;
	v4 =	vand.u32 $0xFFFFFFF0, v47  }
0x23: {  	v3 =	vor.u32 v3, v4  }
0x24: {  	v4 =	vperm.xlane v3, v0;
	_ =	sdelay $0x1  }
0x25: {  	v3 =	vperm.xlane v3, v2;
	v4 =	vadd.s32 v1, v4;
	_ =	sdelay $0x1  }
0x26: {  	v3 =	vadd.s32 v1, v3;
	_ =	sdelay $0x2  }
0x27: {  	[tilespmem:s13], [sflag:$0x1] =	stream.indirect_vreg.gather [hbm4b:s1+s3], $0x80, v4, vm0, $0xb8;
	[tilespmem:$0x6200] =	vst v63  }
0x28: {  	_ = 	snop  }
0x29: {  	[tilespmem:s14], [sflag:$0x1] =	stream.indirect_vreg.gather [hbm4b:s1+s3], $0x80, v3, vm0, $0xb8;
	[tilespmem:$0x6200] =	vst v63  }
0x2a: {  	v3 =	vld [tilespmem:$0x20];
	_ =	sdelay $0x4  }
0x2b: {  	v48 =	vshll.u32 v3, $0x1  }
0x2c: {  	v3 =	vand.u32 $0x7, v3;
	v4 =	vand.u32 $0xFFFFFFF0, v48  }
0x2d: {  	v3 =	vor.u32 v3, v4  }
0x2e: {  	v4 =	vperm.xlane v3, v0;
	_ =	sdelay $0x1  }
0x2f: {  	v3 =	vperm.xlane v3, v2;
	v4 =	vadd.s32 v1, v4;
	_ =	sdelay $0x1  }
0x30: {  	v3 =	vadd.s32 v1, v3;
	_ =	sdelay $0x2  }
0x31: {  	[tilespmem:s15], [sflag:$0x1] =	stream.indirect_vreg.gather [hbm4b:s1+s3], $0x80, v4, vm0, $0xb8;
	[tilespmem:$0x6200] =	vst v63  }
0x32: {  	_ = 	snop  }
0x33: {  	[tilespmem:s16], [sflag:$0x1] =	stream.indirect_vreg.gather [hbm4b:s1+s3], $0x80, v3, vm0, $0xb8;
	[tilespmem:$0x6200] =	vst v63  }
0x34: {  	v3 =	vld [tilespmem:$0x30];
	_ =	sdelay $0x4  }
0x35: {  	v49 =	vshll.u32 v3, $0x1  }
0x36: {  	v3 =	vand.u32 $0x7, v3;
	v4 =	vand.u32 $0xFFFFFFF0, v49  }
0x37: {  	v3 =	vor.u32 v3, v4  }
0x38: {  	v4 =	vperm.xlane v3, v0;
	_ =	sdelay $0x1  }
0x39: {  	v3 =	vperm.xlane v3, v2;
	v4 =	vadd.s32 v1, v4;
	_ =	sdelay $0x1  }
0x3a: {  	v3 =	vadd.s32 v1, v3;
	_ =	sdelay $0x2  }
0x3b: {  	[tilespmem:s17], [sflag:$0x1] =	stream.indirect_vreg.gather [hbm4b:s1+s3], $0x80, v4, vm0, $0xb8;
	[tilespmem:$0x6200] =	vst v63  }
0x3c: {  	_ = 	snop  }
0x3d: {  	[tilespmem:s18], [sflag:$0x1] =	stream.indirect_vreg.gather [hbm4b:s1+s3], $0x80, v3, vm0, $0xb8;
	[tilespmem:$0x6200] =	vst v63  }
0x3e: {  	v3 =	vld [tilespmem:$0x40];
	_ =	sdelay $0x4  }
0x3f: {  	v50 =	vshll.u32 v3, $0x1  }
0x40: {  	v3 =	vand.u32 $0x7, v3;
	v4 =	vand.u32 $0xFFFFFFF0, v50  }
0x41: {  	v3 =	vor.u32 v3, v4  }
0x42: {  	v4 =	vperm.xlane v3, v0;
	_ =	sdelay $0x1  }
0x43: {  	v3 =	vperm.xlane v3, v2;
	v4 =	vadd.s32 v1, v4;
	_ =	sdelay $0x1  }
0x44: {  	v3 =	vadd.s32 v1, v3;
	_ =	sdelay $0x2  }
0x45: {  	[tilespmem:s19], [sflag:$0x1] =	stream.indirect_vreg.gather [hbm4b:s1+s3], $0x80, v4, vm0, $0xb8;
	[tilespmem:$0x6200] =	vst v63  }
0x46: {  	_ = 	snop  }
0x47: {  	[tilespmem:s20], [sflag:$0x1] =	stream.indirect_vreg.gather [hbm4b:s1+s3], $0x80, v3, vm0, $0xb8;
	[tilespmem:$0x6200] =	vst v63  }
0x48: {  	v3 =	vld [tilespmem:$0x50];
	_ =	sdelay $0x4  }
0x49: {  	v51 =	vshll.u32 v3, $0x1  }
0x4a: {  	v3 =	vand.u32 $0x7, v3;
	v4 =	vand.u32 $0xFFFFFFF0, v51  }
0x4b: {  	v3 =	vor.u32 v3, v4  }
0x4c: {  	v4 =	vperm.xlane v3, v0;
	_ =	sdelay $0x1  }
0x4d: {  	v3 =	vperm.xlane v3, v2;
	v4 =	vadd.s32 v1, v4;
	_ =	sdelay $0x1  }
0x4e: {  	v3 =	vadd.s32 v1, v3;
	_ =	sdelay $0x2  }
0x4f: {  	[tilespmem:s21], [sflag:$0x1] =	stream.indirect_vreg.gather [hbm4b:s1+s3], $0x80, v4, vm0, $0xb8;
	[tilespmem:$0x6200] =	vst v63  }
0x50: {  	_ = 	snop  }
0x51: {  	[tilespmem:s22], [sflag:$0x1] =	stream.indirect_vreg.gather [hbm4b:s1+s3], $0x80, v3, vm0, $0xb8;
	[tilespmem:$0x6200] =	vst v63  }
0x52: {  	_ = 	snop  }
0x53: {  	[tilespmem:s24], [sflag:$0x2] =	stream.indirect.gather [hbm4b:s4+s23], $0x1, s3, s23, $0xb8;
	[tilespmem:$0x6200] =	vst v63  }
0x54: {  	_ =	swait.ge [sflag:s25], $0x6000  }
0x55: {  	[sflag:s25] =	ssyncset.done $0x0  }
0x56: {  	[sflag:s25] =	ssyncadd.s32 $0xFFFFA000  }
0x57: {  	_ =	swait.ge [sflag:s26], $0x60  }
0x58: {  	[sflag:s26] =	ssyncset.done $0x0  }
0x59: {  	[sflag:s26] =	ssyncadd.s32 $0xFFFFFFA0  }
0x5a: {  	[hbm4b:s6+s3] =	stream.linear.scatter [tilespmem:s11], [sflag:$0x3], $0x6000, $0x38;
	[tilespmem:$0x6200] =	vst v63  }
0x5b: {  	_ =	swait.ge [sflag:s10], $0x6000  }
0x5c: {  	[sflag:s10] =	ssyncset.done $0x0  }
0x5d: {  	[sflag:s10] =	ssyncadd.s32 $0xFFFFA000  }
0x5e: {  	v3 =	vld [tilespmem:$0x60];
	_ =	sdelay $0x4  }
0x5f: {  	v52 =	vshll.u32 v3, $0x1  }
0x60: {  	v3 =	vand.u32 $0x7, v3;
	v4 =	vand.u32 $0xFFFFFFF0, v52  }
0x61: {  	v3 =	vor.u32 v3, v4  }
0x62: {  	v4 =	vperm.xlane v3, v0;
	_ =	sdelay $0x1  }
0x63: {  	v5 =	vld [tilespmem:$0x6100];
	v3 =	vperm.xlane v3, v2;
	v4 =	vadd.s32 v1, v4  }
0x64: {  	v6 =	vld [tilespmem:$0x6110]  }
0x65: {  	v7 =	vld [tilespmem:$0x6120];
	v3 =	vadd.s32 v1, v3  }
0x66: {  	v8 =	vld [tilespmem:$0x6130]  }
0x67: {  	v9 =	vld [tilespmem:$0x6140]  }
0x68: {  	v10 =	vld [tilespmem:$0x6150];
	[tilespmem:s11], [sflag:$0x1] =	stream.indirect_vreg.gather [hbm4b:s1+s3], $0x80, v4, vm0, $0xb8  }
0x69: {  	_ = 	snop  }
0x6a: {  	[tilespmem:s12], [sflag:$0x1] =	stream.indirect_vreg.gather [hbm4b:s1+s3], $0x80, v3, vm0, $0xb8;
	[tilespmem:$0x6200] =	vst v63  }
0x6b: {  	v3 =	vld [tilespmem:$0x70];
	_ =	sdelay $0x4  }
0x6c: {  	v53 =	vshll.u32 v3, $0x1  }
0x6d: {  	v3 =	vand.u32 $0x7, v3;
	v4 =	vand.u32 $0xFFFFFFF0, v53  }
0x6e: {  	v3 =	vor.u32 v3, v4  }
0x6f: {  	v4 =	vperm.xlane v3, v0;
	_ =	sdelay $0x1  }
0x70: {  	v3 =	vperm.xlane v3, v2;
	v4 =	vadd.s32 v1, v4;
	_ =	sdelay $0x1  }
0x71: {  	v3 =	vadd.s32 v1, v3;
	_ =	sdelay $0x2  }
0x72: {  	[tilespmem:s13], [sflag:$0x1] =	stream.indirect_vreg.gather [hbm4b:s1+s3], $0x80, v4, vm0, $0xb8;
	[tilespmem:$0x6200] =	vst v63  }
0x73: {  	_ = 	snop  }
0x74: {  	[tilespmem:s14], [sflag:$0x1] =	stream.indirect_vreg.gather [hbm4b:s1+s3], $0x80, v3, vm0, $0xb8;
	[tilespmem:$0x6200] =	vst v63  }
0x75: {  	v3 =	vld [tilespmem:$0x80];
	_ =	sdelay $0x4  }
0x76: {  	v54 =	vshll.u32 v3, $0x1  }
0x77: {  	v3 =	vand.u32 $0x7, v3;
	v4 =	vand.u32 $0xFFFFFFF0, v54  }
0x78: {  	v3 =	vor.u32 v3, v4  }
0x79: {  	v4 =	vperm.xlane v3, v0;
	_ =	sdelay $0x1  }
0x7a: {  	v3 =	vperm.xlane v3, v2;
	v4 =	vadd.s32 v1, v4;
	_ =	sdelay $0x1  }
0x7b: {  	v3 =	vadd.s32 v1, v3;
	_ =	sdelay $0x2  }
0x7c: {  	[tilespmem:s15], [sflag:$0x1] =	stream.indirect_vreg.gather [hbm4b:s1+s3], $0x80, v4, vm0, $0xb8;
	[tilespmem:$0x6200] =	vst v63  }
0x7d: {  	_ = 	snop  }
0x7e: {  	[tilespmem:s16], [sflag:$0x1] =	stream.indirect_vreg.gather [hbm4b:s1+s3], $0x80, v3, vm0, $0xb8;
	[tilespmem:$0x6200] =	vst v63  }
0x7f: {  	v3 =	vld [tilespmem:$0x90];
	_ =	sdelay $0x4  }
0x80: {  	v55 =	vshll.u32 v3, $0x1  }
0x81: {  	v3 =	vand.u32 $0x7, v3;
	v4 =	vand.u32 $0xFFFFFFF0, v55  }
0x82: {  	v3 =	vor.u32 v3, v4  }
0x83: {  	v4 =	vperm.xlane v3, v0;
	_ =	sdelay $0x1  }
0x84: {  	v3 =	vperm.xlane v3, v2;
	v4 =	vadd.s32 v1, v4;
	_ =	sdelay $0x1  }
0x85: {  	v3 =	vadd.s32 v1, v3;
	_ =	sdelay $0x2  }
0x86: {  	[tilespmem:s17], [sflag:$0x1] =	stream.indirect_vreg.gather [hbm4b:s1+s3], $0x80, v4, vm0, $0xb8;
	[tilespmem:$0x6200] =	vst v63  }
0x87: {  	_ = 	snop  }
0x88: {  	[tilespmem:s18], [sflag:$0x1] =	stream.indirect_vreg.gather [hbm4b:s1+s3], $0x80, v3, vm0, $0xb8;
	[tilespmem:$0x6200] =	vst v63  }
0x89: {  	v3 =	vld [tilespmem:$0xA0];
	_ =	sdelay $0x4  }
0x8a: {  	v56 =	vshll.u32 v3, $0x1  }
0x8b: {  	v3 =	vand.u32 $0x7, v3;
	v4 =	vand.u32 $0xFFFFFFF0, v56  }
0x8c: {  	v3 =	vor.u32 v3, v4  }
0x8d: {  	v4 =	vperm.xlane v3, v0;
	_ =	sdelay $0x1  }
0x8e: {  	v3 =	vperm.xlane v3, v2;
	v4 =	vadd.s32 v1, v4;
	_ =	sdelay $0x1  }
0x8f: {  	v3 =	vadd.s32 v1, v3;
	_ =	sdelay $0x2  }
0x90: {  	[tilespmem:s19], [sflag:$0x1] =	stream.indirect_vreg.gather [hbm4b:s1+s3], $0x80, v4, vm0, $0xb8;
	[tilespmem:$0x6200] =	vst v63  }
0x91: {  	_ = 	snop  }
0x92: {  	[tilespmem:s20], [sflag:$0x1] =	stream.indirect_vreg.gather [hbm4b:s1+s3], $0x80, v3, vm0, $0xb8;
	[tilespmem:$0x6200] =	vst v63  }
0x93: {  	v3 =	vld [tilespmem:$0xB0];
	_ =	sdelay $0x4  }
0x94: {  	v57 =	vshll.u32 v3, $0x1  }
0x95: {  	v3 =	vand.u32 $0x7, v3;
	v4 =	vand.u32 $0xFFFFFFF0, v57  }
0x96: {  	v3 =	vor.u32 v3, v4  }
0x97: {  	v4 =	vperm.xlane v3, v0;
	_ =	sdelay $0x1  }
0x98: {  	v3 =	vperm.xlane v3, v2;
	v4 =	vadd.s32 v1, v4;
	_ =	sdelay $0x1  }
0x99: {  	v3 =	vadd.s32 v1, v3;
	_ =	sdelay $0x2  }
0x9a: {  	[tilespmem:s21], [sflag:$0x1] =	stream.indirect_vreg.gather [hbm4b:s1+s3], $0x80, v4, vm0, $0xb8;
	[tilespmem:$0x6200] =	vst v63  }
0x9b: {  	_ = 	snop  }
0x9c: {  	[tilespmem:s22], [sflag:$0x1] =	stream.indirect_vreg.gather [hbm4b:s1+s3], $0x80, v3, vm0, $0xb8;
	[tilespmem:$0x6200] =	vst v63  }
0x9d: {  	_ = 	snop  }
0x9e: {  	[tilespmem:s24], [sflag:$0x2] =	stream.indirect.gather [hbm4b:s4+s23], $0x1, s23, s23, $0xb8;
	[tilespmem:$0x6200] =	vst v63  }
0x9f: {  	_ =	swait.ge [sflag:s25], $0x6000  }
0xa0: {  	[sflag:s25] =	ssyncset.done $0x0  }
0xa1: {  	[sflag:s25] =	ssyncadd.s32 $0xFFFFA000  }
0xa2: {  	v3 =	vadd.f32 $0.0e+00, v5;
	_ =	swait.ge [sflag:s26], $0x60  }
0xa3: {  	[sflag:s26] =	ssyncset.done $0x0  }
0xa4: {  	v3 =	vadd.f32 v6, v3;
	[sflag:s26] =	ssyncadd.s32 $0xFFFFFFA0  }
0xa5: {  	[hbm4b:s7+s3] =	stream.linear.scatter [tilespmem:s11], [sflag:$0x3], $0x6000, $0x38;
	[tilespmem:$0x6200] =	vst v63  }
0xa6: {  	v3 =	vadd.f32 v7, v3;
	_ =	swait.ge [sflag:s10], $0x6000  }
0xa7: {  	[sflag:s10] =	ssyncset.done $0x0  }
0xa8: {  	v3 =	vadd.f32 v8, v3;
	[sflag:s10] =	ssyncadd.s32 $0xFFFFA000  }
0xa9: {  	v58 =	vld [tilespmem:$0x6100]  }
0xaa: {  	v3 =	vadd.f32 v9, v3  }
0xab: {  	v59 =	vld [tilespmem:$0x6110]  }
0xac: {  	v3 =	vadd.f32 v10, v3  }
0xad: {  	v60 =	vld [tilespmem:$0x6120]  }
0xae: {  	v3 =	vadd.f32 v58, v3  }
0xaf: {  	v61 =	vld [tilespmem:$0x6130]  }
0xb0: {  	v3 =	vadd.f32 v59, v3  }
0xb1: {  	v62 =	vld [tilespmem:$0x6140]  }
0xb2: {  	v3 =	vadd.f32 v60, v3  }
0xb3: {  	v63 =	vld [tilespmem:$0x6150]  }
0xb4: {  	v3 =	vadd.f32 v61, v3;
	_ =	sdelay $0x1  }
0xb5: {  	v3 =	vadd.f32 v62, v3;
	_ =	sdelay $0x1  }
0xb6: {  	v3 =	vadd.f32 v63, v3  }
0xb7: {  	p0 =	sne.s32 s9, $0x1  }
.Ltmp0:
0xb8: {  	[tilespmem:$0x6180] =	vst v3;
	(pc) =	sbr.rel @p0 .LBB2_1-.Ltmp0, $4  }
0xb9: {  	[hbm4b:s8+s3] =	stream.linear.scatter [tilespmem:s28], [sflag:$0x3], $0x80, $0x38;
	[tilespmem:$0x6200] =	vst v63  }
0xba: {  	_ =	swait.ge [sflag:s10], $0x80  }
0xbb: {  	[sflag:s10] =	ssyncset.done $0x0  }
0xbc: {  	s9 =	sadd.s32 $0xFFFFFFFF, s9;
	[sflag:s10] =	ssyncadd.s32 $0xFFFFFF80  }
0xbd: {  	_ =	sfence.sel $0x180000  }
0xbe: {  	[bflag:$0x0] =	sbarrier.arrive $0xFFFF  }
0xbf: {  	p0 =	sne.s32 s0, $0x0;
	_ =	strace $0x9000004A  }
0xc0: {  	s0 =	sadd.s32 @!p0 $0x100000, s2;
	[bflag:$0x2] =	sbarrier.arrive $0xFFFF  }
0xc1: {  	[sflag:s0] =	ssyncadd.tile.s32 @!p0 $0x1;
	_ =	shalt  }
.Lfunc_end2:
_tile_overlayer_lowered:
.L_overlay_start_2:
0xc2: {  	(tag) =	ssettag $0x2  }
0xc3: {  	s0 =	rddreg [dreg:$0x0];
	s2 =	stileid.u32  }
0xc4: {  	s1 =	rddreg [dreg:$0x1];
	p0 =	sne.s32 s2, $0x0  }
0xc5: {  	s3 =	rddreg [dreg:$0x2];
	[bflag:$0x3] =	sbarrier.arrive $0xFFFF;
	s2 =	simm.s32 @!p0 $0x1C03  }
0xc6: {  	[timem:s3], [sflag:s2] =	dma.local @!p0 [hbm:s0], s1  }
0xc7: {  	s0 =	simm.s32 @!p0 $0x3  }
0xc8: {  	_ =	swait.ge @!p0 [sflag:s0], s1  }
0xc9: {  	s1 =	ssub.s32 @!p0 $0x0, s1;
	[sflag:s0] =	ssyncset.done @!p0 $0x0  }
0xca: {  	[sflag:s0] =	ssyncadd.s32 @!p0 s1  }
0xcb: {  	[bflag:$0x3] =	sbarrier.arrive $0xFFFF  }
0xcc: {  	_ =	shalt  }

// kernel: kernel.14.cloned.1.call-start
scs
__scs_entry_jumppad:
0x0: {  	(pc) =	sbr.rel $0x88, $3  }
0x1: {  	(tag) =	ssettag $0x0;
	lr =	simm.s32 $0x1  }
0x2: {  	[smem:$0x3F9F] =	sst lr;
	_ =	strace $0xD0000000  }
0x3: {  	_ = 	snop  }
0x4: {  	_ = 	snop  }
0x5: {  	_ = 	snop  }
0x6: {  	_ = 	snop  }
0x7: {  	_ = 	snop  }
__scs_overlays_trampoline_lowered:
0x8: {  	[smem:$0x3FAE] =	sst s0  }
0x9: {  	[smem:$0x3FAF] =	sst s1  }
0xa: {  	[smem:$0x3FB0] =	sst s2  }
0xb: {  	[smem:$0x3FB1] =	sst s3  }
0xc: {  	[smem:$0x3FB2] =	sst s4  }
0xd: {  	[smem:$0x3FB3] =	sst s5  }
0xe: {  	[smem:$0x3FB4] =	sst s6  }
0xf: {  	[smem:$0x3FB5] =	sst s7  }
0x10: {  	[smem:$0x3FB6] =	sst s8  }
0x11: {  	[smem:$0x3FB7] =	sst s9;
	s0 =	simm.s32 @!p0 $0x0  }
0x12: {  	s1 =	sld [smem:$0x3F9D];
	s0 =	simm.s32 @p0 $0x1  }
0x13: {  	[smem:$0x3FB8] =	sst s0;
	s0 =	simm.s32 @!p1 $0x0  }
0x14: {  	s2 =	sld [smem:$0x3F9C];
	s0 =	simm.s32 @p1 $0x1  }
0x15: {  	[smem:$0x3FB9] =	sst s0;
	s0 =	simm.s32 @!p2 $0x0  }
0x16: {  	s3 =	sld [smem:$0x3FDB];
	s0 =	simm.s32 @p2 $0x1  }
0x17: {  	s4 =	simm.s32 $0x1BF5;
	[smem:$0x3FBB] =	sst s0  }
0x18: {  	s0 =	sld [smem:$0x3F9E];
	_ =	swait.ge [sflag:s4], $0x0  }
0x19: {  	s7 =	sld [smem:$0x3F9F]  }
0x1a: {  	s8 =	sadd.s32 $0xFFFFE003, lr  }
0x1b: {  	s9 =	sadd.s32 $0xFFFFFEF7, lr;
	s5 =	simm.s32 $0xFFFFFFFF;
	p2 =	slt.u32 s8, $0xFFFFF086  }
0x1c: {  	p1 =	slt.u32 s9, $0xF7A;
	s5 =	simm.s32 @!p2 $0x0  }
0x1d: {  	s5 =	simm.s32 @p1 $0x1;
	p0 =	seq.s32 s7, s2  }
0x1e: {  	s7 =	smul.u32 @!p0 $0xF7A, s2;
	p2 =	seq.s32 @!p0 s5, $0x0  }
0x1f: {  	s9 =	smul.u32 $0xF7A, s1;
	s8 =	simm.s32 @!p0 $0x1BF5;
	p2 =	por !p2, p0  }
0x20: {  	[sflag:s8] =	ssyncset.s32 @!p0 $0xFFFFF086;
	s6 =	sadd.s32 @!p0 s3, s7;
	s7 =	simm.s32 @!p0 $0x108  }
0x21: {  	s3 =	sadd.s32 s3, s9;
	s6 =	sadd.s32 @!p0 $0x88, s6;
	s7 =	simm.s32 @p2 $0x1082  }
0x22: {  	[simem:s7], [sflag:s8] =	dma.local @!p0 [hbm:s6], $0xF7A  }
0x23: {  	s9 =	sor.u32 $0xD0000000, s2;
	s6 =	simm.s32 $0x108;
	_ =	swait.ge @!p0 [sflag:s8], $0x0  }
0x24: {  	s3 =	sadd.s32 $0x88, s3;
	s6 =	simm.s32 @!p1 $0x1082;
	[sflag:s4] =	ssyncset.s32 $0xFFFFF086  }
0x25: {  	[simem:s6], [sflag:s4] =	dma.local [hbm:s3], $0xF7A  }
0x26: {  	[smem:$0x3F9F] =	sst s1;
	(tag) =	ssettag s2;
	_ =	strace s9  }
0x27: {  	s1 =	sld [smem:$0x3FAF]  }
0x28: {  	s2 =	sld [smem:$0x3FB0]  }
0x29: {  	s4 =	sld [smem:$0x3FB2]  }
0x2a: {  	p0 =	seq.s32 s5, $0x0;
	s5 =	sld [smem:$0x3FB3]  }
0x2b: {  	s6 =	sld [smem:$0x3FB4]  }
0x2c: {  	s7 =	sld [smem:$0x3FB5]  }
0x2d: {  	s3 =	simm.s32 $0x108;
	s8 =	sld [smem:$0x3FB6]  }
0x2e: {  	s3 =	simm.s32 @!p0 $0x1082;
	s9 =	sld [smem:$0x3FB7]  }
0x2f: {  	lr =	sadd.s32 s0, s3;
	s0 =	sld [smem:$0x3FAE]  }
0x30: {  	s3 =	sld [smem:$0x3FB1]  }
0x31: {  	[smem:$0x3FBA] =	sst s10  }
0x32: {  	s10 =	sld [smem:$0x3FB8];
	_ =	sdelay $0x3  }
0x33: {  	p0 =	seq.s32 s10, $0x1;
	s10 =	sld [smem:$0x3FBA];
	_ =	sdelay $0x3  }
0x34: {  	[smem:$0x3FBA] =	sst s10  }
0x35: {  	s10 =	sld [smem:$0x3FB9];
	_ =	sdelay $0x3  }
0x36: {  	p1 =	seq.s32 s10, $0x1;
	s10 =	sld [smem:$0x3FBA];
	_ =	sdelay $0x3  }
0x37: {  	[smem:$0x3FBA] =	sst s10  }
0x38: {  	s10 =	sld [smem:$0x3FBB]  }
0x39: {  	_ = 	snop;
	(pc) =	sbr.ind lr, $3  }
0x3a: {  	_ = 	snop  }
0x3b: {  	_ = 	snop  }
0x3c: {  	p2 =	seq.s32 s10, $0x1;
	s10 =	sld [smem:$0x3FBA]  }
0x3d: {  	_ =	shalt  }
0x3e: {  	_ =	shalt  }
0x3f: {  	_ =	shalt  }
0x40: {  	_ =	shalt  }
0x41: {  	_ =	shalt  }
0x42: {  	_ =	shalt  }
0x43: {  	_ =	shalt  }
0x44: {  	_ =	shalt  }
0x45: {  	_ =	shalt  }
0x46: {  	_ =	shalt  }
0x47: {  	_ =	shalt  }
0x48: {  	_ =	shalt  }
0x49: {  	_ =	shalt  }
0x4a: {  	_ =	shalt  }
0x4b: {  	_ =	shalt  }
0x4c: {  	_ =	shalt  }
0x4d: {  	_ =	shalt  }
0x4e: {  	_ =	shalt  }
0x4f: {  	_ =	shalt  }
0x50: {  	_ =	shalt  }
0x51: {  	_ =	shalt  }
0x52: {  	_ =	shalt  }
0x53: {  	_ =	shalt  }
0x54: {  	_ =	shalt  }
0x55: {  	_ =	shalt  }
0x56: {  	_ =	shalt  }
0x57: {  	_ =	shalt  }
0x58: {  	_ =	shalt  }
0x59: {  	_ =	shalt  }
0x5a: {  	_ =	shalt  }
0x5b: {  	_ =	shalt  }
0x5c: {  	_ =	shalt  }
0x5d: {  	_ =	shalt  }
0x5e: {  	_ =	shalt  }
0x5f: {  	_ =	shalt  }
0x60: {  	_ =	shalt  }
0x61: {  	_ =	shalt  }
0x62: {  	_ =	shalt  }
0x63: {  	_ =	shalt  }
0x64: {  	_ =	shalt  }
0x65: {  	_ =	shalt  }
0x66: {  	_ =	shalt  }
0x67: {  	_ =	shalt  }
0x68: {  	_ =	shalt  }
0x69: {  	_ =	shalt  }
0x6a: {  	_ =	shalt  }
0x6b: {  	_ =	shalt  }
0x6c: {  	_ =	shalt  }
0x6d: {  	_ =	shalt  }
0x6e: {  	_ =	shalt  }
0x6f: {  	_ =	shalt  }
0x70: {  	_ =	shalt  }
0x71: {  	_ =	shalt  }
0x72: {  	_ =	shalt  }
0x73: {  	_ =	shalt  }
0x74: {  	_ =	shalt  }
0x75: {  	_ =	shalt  }
0x76: {  	_ =	shalt  }
0x77: {  	_ =	shalt  }
0x78: {  	_ =	shalt  }
0x79: {  	_ =	shalt  }
0x7a: {  	_ =	shalt  }
0x7b: {  	_ =	shalt  }
0x7c: {  	_ =	shalt  }
0x7d: {  	_ =	shalt  }
0x7e: {  	_ =	shalt  }
0x7f: {  	_ =	shalt  }
0x80: {  	_ =	shalt  }
0x81: {  	_ =	shalt  }
0x82: {  	_ =	shalt  }
0x83: {  	_ =	shalt  }
0x84: {  	_ =	shalt  }
0x85: {  	_ =	shalt  }
0x86: {  	_ =	shalt  }
0x87: {  	_ =	shalt  }
.Lfunc_end0:
.L_simem_size_0:
called_computation.2_lowered:
.L_overlay_start_0:
0x88: {  	s2 =	sld [smem:$0x3FD9]  }
0x89: {  	s3 =	sld [smem:$0x3FFE];
	_ =	sdelay $0x1  }
0x8a: {  	s1 =	srdreg.scid  }
0x8b: {  	s0 =	sand.u32 $0x1, s1  }
0x8c: {  	s14 =	sshll.u32 s0, $0xA;
	s2 =	sadd.s32 s3, s2  }
0x8d: {  	s2 =	sadd.s32 s2, s14  }
0x8e: {  	[smem:$0x3FC6] =	sst s2  }
0x8f: {  	_ = 	snop  }
0x90: {  	s2 =	sld [smem:$0x3FD0];
	_ =	sdelay $0x2  }
0x91: {  	s4 =	simm.s32 $0xA;
	s5 =	simm.s32 $0x10;
	s15 =	sld [smem:$0x3FC8]  }
0x92: {  	[smem:s5], [sflag:s4] =	dma.local [hbm:s2], $0x1  }
0x93: {  	_ =	swait.eq [sflag:s4], $0x1  }
0x94: {  	[sflag:s4] =	ssyncset.done $0x0  }
0x95: {  	[sflag:s4] =	ssyncadd.s32 $0xFFFFFFFF  }
0x96: {  	s16 =	sld [smem:$0x10];
	(tm) =	ssettm $0x1  }
0x97: {  	s17 =	sld [smem:$0x3FFB];
	_ =	sdelay $0x3  }
0x98: {  	_ =	strace s17  }
0x99: {  	s4 =	sld [smem:$0x3FFC];
	_ =	sdelay $0x3  }
0x9a: {  	_ =	strace s4  }
0x9b: {  	s4 =	sld [smem:$0x3FFD];
	_ =	sdelay $0x3  }
0x9c: {  	_ =	strace s4  }
0x9d: {  	_ =	strace $0x8FFFFFFF  }
0x9e: {  	s18 =	sld [smem:$0x3FDB];
	_ =	sdelay $0x1  }
0x9f: {  	s19 =	simm.s32 $_scs_section_size  }
0xa0: {  	s6 =	simm.s32 $_size__tile_overlayer_lowered;
	s7 =	simm.s32 $_tile_overlayer_lowered  }
0xa1: {  	s22 =	simm.s32 $0x1BFF;
	s21 =	sshll.u32 s7, $0x1;
	s4 =	sadd.s32 s19, s18  }
0xa2: {  	s8 =	simm.s32 $0x0;
	s20 =	sshll.u32 s6, $0x1;
	s6 =	sadd.s32 s21, s4  }
0xa3: {  	[timem:s8], [sflag:s22] =	dma.local [hbm:s6], s20  }
0xa4: {  	_ =	swait.ge [sflag:s22], s20  }
0xa5: {  	s5 =	ssub.s32 $0x0, s20;
	[sflag:s22] =	ssyncset.done $0x0  }
0xa6: {  	[sflag:s22] =	ssyncadd.s32 s5;
	_ =	sdelay $0x1  }
0xa7: {  	s23 =	simm.s32 $0x1B8B  }
0xa8: {  	_ =	swait.ge [sflag:s23], $0x1  }
0xa9: {  	[sflag:s23] =	ssyncset.done $0x0  }
0xaa: {  	s25 =	simm.s32 $0x1B8E;
	s24 =	sld [smem:$0x3FFE];
	[sflag:s23] =	ssyncadd.s32 $0xFFFFFFFF  }
0xab: {  	s26 =	simm.s32 $execute0_lowered;
	[smem:$0x3FD2] =	sst s25  }
0xac: {  	s6 =	sshll.u32 s26, $0x1;
	_ =	strace $0x8000004C;
	[dreg:$0x1] =	wrdreg $0xFFFFFFFF  }
0xad: {  	s28 =	simm.s32 $_size_execute0_lowered;
	s4 =	sadd.s32 s4, s6;
	[dreg:$0x0] =	wrdreg $0x0  }
0xae: {  	s6 =	sshll.u32 s28, $0x1;
	[dreg:$0x2] =	wrdreg s4  }
0xaf: {  	[dreg:$0x3] =	wrdreg s6  }
0xb0: {  	[dreg:$0x4] =	wrdreg $0xC0  }
0xb1: {  	_ =	task [dreg:s8], $0x5FFFF  }
0xb2: {  	[dreg:$0x1] =	wrdreg $0xFFFFFFFF  }
0xb3: {  	[dreg:$0x0] =	wrdreg $0x60  }
0xb4: {  	[dreg:$0x2] =	wrdreg s15  }
0xb5: {  	[dreg:$0x3] =	wrdreg s24  }
0xb6: {  	[dreg:$0x4] =	wrdreg s16  }
0xb7: {  	[dreg:$0x5] =	wrdreg $0x9  }
0xb8: {  	_ =	task.clear_ibuf [dreg:s8], $0x6FFFF;
	_ =	strace $0x9000004C  }
0xb9: {  	s29 =	simm.s32 $0x9;
	_ =	strace $0x8000004E  }
0xba: {  	_ =	swait.ge [sflag:s29], $0x1  }
0xbb: {  	[sflag:s29] =	ssyncadd.s32 $0xFFFFFFFF  }
0xbc: {  	_ =	strace $0x9000004E  }
0xbd: {  	_ =	sfence  }
0xbe: {  	s30 =	sld [smem:$0x0];
	_ =	sdelay $0x2  }
0xbf: {  	s31 =	sshll.u32 s1, $0xD;
	s1 =	sshrl.u32 s1, $0x2  }
0xc0: {  	s3 =	sand.u32 $0x4000, s31;
	s1 =	sadd.s32 s1, s30  }
0xc1: {  	s0 =	sor.u32 s3, s0;
	s1 =	sshll.u32 s1, $0x11  }
0xc2: {  	s0 =	sor.u32 s1, s0  }
0xc3: {  	s0 =	sadd.s32 $0x8F2B, s0  }
0xc4: {  	[sflag:s0] =	ssyncadd.remote.s32 $0x1  }
0xc5: {  	_ =	sfence.sel $0xFFFF  }
0xc6: {  	[dreg:$0x0] =	wrdreg $0xFFFFFFFF;
	(pc) =	sbr.abs _section_cstart, $3  }
0xc7: {  	[dreg:$0x1] =	wrdreg $0xFFFFFFFF  }
0xc8: {  	_ =	task.clear_ibuf [dreg:s8], $0x2FFFF;
	_ =	strace $0x9FFFFFFF  }
0xc9: {  	(tm) =	ssettm $0x7FFFFFFF  }
tec
execute0_lowered:
.L_overlay_start_1:
0x0: {  	(tag) =	ssettag $0x1  }
0x1: {  	s1 =	rddreg [dreg:$0x0];
	s2 =	srdreg.scid  }
0x2: {  	s0 =	stileid.u32;
	s5 =	rddreg [dreg:$0x1]  }
0x3: {  	s7 =	rddreg [dreg:$0x2];
	s3 =	simm.s32 $0x0;
	s11 =	simm.s32 $0x100  }
0x4: {  	s12 =	simm.s32 $0x900;
	s13 =	simm.s32 $0x1100;
	s14 =	simm.s32 $0x1900  }
0x5: {  	s15 =	simm.s32 $0x2100;
	s16 =	simm.s32 $0x2900;
	s17 =	simm.s32 $0x3100  }
0x6: {  	s18 =	simm.s32 $0x3900;
	s19 =	simm.s32 $0x4100;
	s20 =	simm.s32 $0x4900  }
0x7: {  	s21 =	simm.s32 $0x5100;
	s22 =	simm.s32 $0x5900;
	s23 =	simm.s32 $0x60  }
0x8: {  	s24 =	simm.s32 $0x6100;
	s25 =	simm.s32 $0x1;
	s26 =	simm.s32 $0x2  }
0x9: {  	s6 =	sand.u32 $0x1, s2;
	s29 =	sshll.u32 s0, $0x1;
	s2 =	rddreg [dreg:$0x3]  }
0xa: {  	s28 =	simm.s32 $0x6180;
	[smem:$0x7FF] =	sst s3;
	s8 =	sor.u32 s6, s29  }
0xb: {  	_ =	strace $0x8000004D;
	s6 =	ssub.s32 $0x2, s6;
	s4 =	smul.u32 $0x18, s8  }
0xc: {  	s9 =	smul.u32 $0xC000, s8;
	s8 =	sshll.u32 s8, $0x4;
	s30 =	sshrl.u32 s6, $0x1  }
0xd: {  	s8 =	sadd.s32 s8, s5;
	s31 =	ssub.s32 s6, s30;
	s10 =	sadd.s32 s4, s5  }
0xe: {  	v2 =	vlaneseq.u32;
	s4 =	sadd.s32 $0x3000, s5;
	s9 =	sshrl.u32 s9, $0x3;
	s8 =	sadd.s32 $0x3C00, s8  }
0xf: {  	vm0 =	vmmov $0xffff;
	v1 =	vshrl.u32 v2, $0x3;
	s7 =	sadd.s32 s7, s9;
	s5 =	sadd.s32 $0x3800, s10;
	s9 =	smax.u32 s31, $0x1  }
0x10: {  	v0 =	vand.u32 $0x7, v2;
	v2 =	vor.u32 $0x8, v2;
	v1 =	vmul.u32 $0x8, v1;
	s10 =	simm.s32 $0x3;
	s6 =	sadd.s32 $0x60000, s7;
	s7 =	sadd.s32 $0x60C00, s7  }
.LBB2_1:
0x11: {  	[tilespmem:s3], [sflag:$0x3] =	stream.linear.gather [hbm4b:s5+s3], $0xC0, $0x38;
	[tilespmem:$0x6200] =	vst v63  }
0x12: {  	_ =	swait.ge [sflag:s10], $0xC0  }
0x13: {  	[sflag:s10] =	ssyncset.done $0x0  }
0x14: {  	[sflag:s10] =	ssyncadd.s32 $0xFFFFFF40  }
0x15: {  	v3 =	vld [tilespmem:$0x0];
	_ =	sdelay $0x4  }
0x16: {  	v4 =	vshll.u32 v3, $0x1  }
0x17: {  	v3 =	vand.u32 $0x7, v3;
	v4 =	vand.u32 $0xFFFFFFF0, v4  }
0x18: {  	v3 =	vor.u32 v3, v4  }
0x19: {  	v4 =	vperm.xlane v3, v0;
	_ =	sdelay $0x1  }
0x1a: {  	v3 =	vperm.xlane v3, v2;
	v4 =	vadd.s32 v1, v4;
	_ =	sdelay $0x1  }
0x1b: {  	v3 =	vadd.s32 v1, v3;
	_ =	sdelay $0x2  }
0x1c: {  	[tilespmem:s11], [sflag:$0x1] =	stream.indirect_vreg.gather [hbm4b:s1+s3], $0x80, v4, vm0, $0xb8;
	[tilespmem:$0x6200] =	vst v63  }
0x1d: {  	_ = 	snop  }
0x1e: {  	[tilespmem:s12], [sflag:$0x1] =	stream.indirect_vreg.gather [hbm4b:s1+s3], $0x80, v3, vm0, $0xb8;
	[tilespmem:$0x6200] =	vst v63  }
0x1f: {  	v3 =	vld [tilespmem:$0x10];
	_ =	sdelay $0x4  }
0x20: {  	v47 =	vshll.u32 v3, $0x1  }
0x21: {  	v3 =	vand.u32 $0x7, v3;
	v4 =	vand.u32 $0xFFFFFFF0, v47  }
0x22: {  	v3 =	vor.u32 v3, v4  }
0x23: {  	v4 =	vperm.xlane v3, v0;
	_ =	sdelay $0x1  }
0x24: {  	v3 =	vperm.xlane v3, v2;
	v4 =	vadd.s32 v1, v4;
	_ =	sdelay $0x1  }
0x25: {  	v3 =	vadd.s32 v1, v3;
	_ =	sdelay $0x2  }
0x26: {  	[tilespmem:s13], [sflag:$0x1] =	stream.indirect_vreg.gather [hbm4b:s1+s3], $0x80, v4, vm0, $0xb8;
	[tilespmem:$0x6200] =	vst v63  }
0x27: {  	_ = 	snop  }
0x28: {  	[tilespmem:s14], [sflag:$0x1] =	stream.indirect_vreg.gather [hbm4b:s1+s3], $0x80, v3, vm0, $0xb8;
	[tilespmem:$0x6200] =	vst v63  }
0x29: {  	v3 =	vld [tilespmem:$0x20];
	_ =	sdelay $0x4  }
0x2a: {  	v48 =	vshll.u32 v3, $0x1  }
0x2b: {  	v3 =	vand.u32 $0x7, v3;
	v4 =	vand.u32 $0xFFFFFFF0, v48  }
0x2c: {  	v3 =	vor.u32 v3, v4  }
0x2d: {  	v4 =	vperm.xlane v3, v0;
	_ =	sdelay $0x1  }
0x2e: {  	v3 =	vperm.xlane v3, v2;
	v4 =	vadd.s32 v1, v4;
	_ =	sdelay $0x1  }
0x2f: {  	v3 =	vadd.s32 v1, v3;
	_ =	sdelay $0x2  }
0x30: {  	[tilespmem:s15], [sflag:$0x1] =	stream.indirect_vreg.gather [hbm4b:s1+s3], $0x80, v4, vm0, $0xb8;
	[tilespmem:$0x6200] =	vst v63  }
0x31: {  	_ = 	snop  }
0x32: {  	[tilespmem:s16], [sflag:$0x1] =	stream.indirect_vreg.gather [hbm4b:s1+s3], $0x80, v3, vm0, $0xb8;
	[tilespmem:$0x6200] =	vst v63  }
0x33: {  	v3 =	vld [tilespmem:$0x30];
	_ =	sdelay $0x4  }
0x34: {  	v49 =	vshll.u32 v3, $0x1  }
0x35: {  	v3 =	vand.u32 $0x7, v3;
	v4 =	vand.u32 $0xFFFFFFF0, v49  }
0x36: {  	v3 =	vor.u32 v3, v4  }
0x37: {  	v4 =	vperm.xlane v3, v0;
	_ =	sdelay $0x1  }
0x38: {  	v3 =	vperm.xlane v3, v2;
	v4 =	vadd.s32 v1, v4;
	_ =	sdelay $0x1  }
0x39: {  	v3 =	vadd.s32 v1, v3;
	_ =	sdelay $0x2  }
0x3a: {  	[tilespmem:s17], [sflag:$0x1] =	stream.indirect_vreg.gather [hbm4b:s1+s3], $0x80, v4, vm0, $0xb8;
	[tilespmem:$0x6200] =	vst v63  }
0x3b: {  	_ = 	snop  }
0x3c: {  	[tilespmem:s18], [sflag:$0x1] =	stream.indirect_vreg.gather [hbm4b:s1+s3], $0x80, v3, vm0, $0xb8;
	[tilespmem:$0x6200] =	vst v63  }
0x3d: {  	v3 =	vld [tilespmem:$0x40];
	_ =	sdelay $0x4  }
0x3e: {  	v50 =	vshll.u32 v3, $0x1  }
0x3f: {  	v3 =	vand.u32 $0x7, v3;
	v4 =	vand.u32 $0xFFFFFFF0, v50  }
0x40: {  	v3 =	vor.u32 v3, v4  }
0x41: {  	v4 =	vperm.xlane v3, v0;
	_ =	sdelay $0x1  }
0x42: {  	v3 =	vperm.xlane v3, v2;
	v4 =	vadd.s32 v1, v4;
	_ =	sdelay $0x1  }
0x43: {  	v3 =	vadd.s32 v1, v3;
	_ =	sdelay $0x2  }
0x44: {  	[tilespmem:s19], [sflag:$0x1] =	stream.indirect_vreg.gather [hbm4b:s1+s3], $0x80, v4, vm0, $0xb8;
	[tilespmem:$0x6200] =	vst v63  }
0x45: {  	_ = 	snop  }
0x46: {  	[tilespmem:s20], [sflag:$0x1] =	stream.indirect_vreg.gather [hbm4b:s1+s3], $0x80, v3, vm0, $0xb8;
	[tilespmem:$0x6200] =	vst v63  }
0x47: {  	v3 =	vld [tilespmem:$0x50];
	_ =	sdelay $0x4  }
0x48: {  	v51 =	vshll.u32 v3, $0x1  }
0x49: {  	v3 =	vand.u32 $0x7, v3;
	v4 =	vand.u32 $0xFFFFFFF0, v51  }
0x4a: {  	v3 =	vor.u32 v3, v4  }
0x4b: {  	v4 =	vperm.xlane v3, v0;
	_ =	sdelay $0x1  }
0x4c: {  	v3 =	vperm.xlane v3, v2;
	v4 =	vadd.s32 v1, v4;
	_ =	sdelay $0x1  }
0x4d: {  	v3 =	vadd.s32 v1, v3;
	_ =	sdelay $0x2  }
0x4e: {  	[tilespmem:s21], [sflag:$0x1] =	stream.indirect_vreg.gather [hbm4b:s1+s3], $0x80, v4, vm0, $0xb8;
	[tilespmem:$0x6200] =	vst v63  }
0x4f: {  	_ = 	snop  }
0x50: {  	[tilespmem:s22], [sflag:$0x1] =	stream.indirect_vreg.gather [hbm4b:s1+s3], $0x80, v3, vm0, $0xb8;
	[tilespmem:$0x6200] =	vst v63  }
0x51: {  	_ = 	snop  }
0x52: {  	[tilespmem:s24], [sflag:$0x2] =	stream.indirect.gather [hbm4b:s4+s23], $0x1, s3, s23, $0xb8;
	[tilespmem:$0x6200] =	vst v63  }
0x53: {  	_ =	swait.ge [sflag:s25], $0x6000  }
0x54: {  	[sflag:s25] =	ssyncset.done $0x0  }
0x55: {  	[sflag:s25] =	ssyncadd.s32 $0xFFFFA000  }
0x56: {  	_ =	swait.ge [sflag:s26], $0x60  }
0x57: {  	[sflag:s26] =	ssyncset.done $0x0  }
0x58: {  	[sflag:s26] =	ssyncadd.s32 $0xFFFFFFA0  }
0x59: {  	[hbm4b:s6+s3] =	stream.linear.scatter [tilespmem:s11], [sflag:$0x3], $0x6000, $0x38;
	[tilespmem:$0x6200] =	vst v63  }
0x5a: {  	_ =	swait.ge [sflag:s10], $0x6000  }
0x5b: {  	[sflag:s10] =	ssyncset.done $0x0  }
0x5c: {  	[sflag:s10] =	ssyncadd.s32 $0xFFFFA000  }
0x5d: {  	v3 =	vld [tilespmem:$0x60];
	_ =	sdelay $0x4  }
0x5e: {  	v52 =	vshll.u32 v3, $0x1  }
0x5f: {  	v3 =	vand.u32 $0x7, v3;
	v4 =	vand.u32 $0xFFFFFFF0, v52  }
0x60: {  	v3 =	vor.u32 v3, v4  }
0x61: {  	v4 =	vperm.xlane v3, v0;
	_ =	sdelay $0x1  }
0x62: {  	v5 =	vld [tilespmem:$0x6100];
	v3 =	vperm.xlane v3, v2;
	v4 =	vadd.s32 v1, v4  }
0x63: {  	v6 =	vld [tilespmem:$0x6110]  }
0x64: {  	v7 =	vld [tilespmem:$0x6120];
	v3 =	vadd.s32 v1, v3  }
0x65: {  	v8 =	vld [tilespmem:$0x6130]  }
0x66: {  	v9 =	vld [tilespmem:$0x6140]  }
0x67: {  	v10 =	vld [tilespmem:$0x6150];
	[tilespmem:s11], [sflag:$0x1] =	stream.indirect_vreg.gather [hbm4b:s1+s3], $0x80, v4, vm0, $0xb8  }
0x68: {  	_ = 	snop  }
0x69: {  	[tilespmem:s12], [sflag:$0x1] =	stream.indirect_vreg.gather [hbm4b:s1+s3], $0x80, v3, vm0, $0xb8;
	[tilespmem:$0x6200] =	vst v63  }
0x6a: {  	v3 =	vld [tilespmem:$0x70];
	_ =	sdelay $0x4  }
0x6b: {  	v53 =	vshll.u32 v3, $0x1  }
0x6c: {  	v3 =	vand.u32 $0x7, v3;
	v4 =	vand.u32 $0xFFFFFFF0, v53  }
0x6d: {  	v3 =	vor.u32 v3, v4  }
0x6e: {  	v4 =	vperm.xlane v3, v0;
	_ =	sdelay $0x1  }
0x6f: {  	v3 =	vperm.xlane v3, v2;
	v4 =	vadd.s32 v1, v4;
	_ =	sdelay $0x1  }
0x70: {  	v3 =	vadd.s32 v1, v3;
	_ =	sdelay $0x2  }
0x71: {  	[tilespmem:s13], [sflag:$0x1] =	stream.indirect_vreg.gather [hbm4b:s1+s3], $0x80, v4, vm0, $0xb8;
	[tilespmem:$0x6200] =	vst v63  }
0x72: {  	_ = 	snop  }
0x73: {  	[tilespmem:s14], [sflag:$0x1] =	stream.indirect_vreg.gather [hbm4b:s1+s3], $0x80, v3, vm0, $0xb8;
	[tilespmem:$0x6200] =	vst v63  }
0x74: {  	v3 =	vld [tilespmem:$0x80];
	_ =	sdelay $0x4  }
0x75: {  	v54 =	vshll.u32 v3, $0x1  }
0x76: {  	v3 =	vand.u32 $0x7, v3;
	v4 =	vand.u32 $0xFFFFFFF0, v54  }
0x77: {  	v3 =	vor.u32 v3, v4  }
0x78: {  	v4 =	vperm.xlane v3, v0;
	_ =	sdelay $0x1  }
0x79: {  	v3 =	vperm.xlane v3, v2;
	v4 =	vadd.s32 v1, v4;
	_ =	sdelay $0x1  }
0x7a: {  	v3 =	vadd.s32 v1, v3;
	_ =	sdelay $0x2  }
0x7b: {  	[tilespmem:s15], [sflag:$0x1] =	stream.indirect_vreg.gather [hbm4b:s1+s3], $0x80, v4, vm0, $0xb8;
	[tilespmem:$0x6200] =	vst v63  }
0x7c: {  	_ = 	snop  }
0x7d: {  	[tilespmem:s16], [sflag:$0x1] =	stream.indirect_vreg.gather [hbm4b:s1+s3], $0x80, v3, vm0, $0xb8;
	[tilespmem:$0x6200] =	vst v63  }
0x7e: {  	v3 =	vld [tilespmem:$0x90];
	_ =	sdelay $0x4  }
0x7f: {  	v55 =	vshll.u32 v3, $0x1  }
0x80: {  	v3 =	vand.u32 $0x7, v3;
	v4 =	vand.u32 $0xFFFFFFF0, v55  }
0x81: {  	v3 =	vor.u32 v3, v4  }
0x82: {  	v4 =	vperm.xlane v3, v0;
	_ =	sdelay $0x1  }
0x83: {  	v3 =	vperm.xlane v3, v2;
	v4 =	vadd.s32 v1, v4;
	_ =	sdelay $0x1  }
0x84: {  	v3 =	vadd.s32 v1, v3;
	_ =	sdelay $0x2  }
0x85: {  	[tilespmem:s17], [sflag:$0x1] =	stream.indirect_vreg.gather [hbm4b:s1+s3], $0x80, v4, vm0, $0xb8;
	[tilespmem:$0x6200] =	vst v63  }
0x86: {  	_ = 	snop  }
0x87: {  	[tilespmem:s18], [sflag:$0x1] =	stream.indirect_vreg.gather [hbm4b:s1+s3], $0x80, v3, vm0, $0xb8;
	[tilespmem:$0x6200] =	vst v63  }
0x88: {  	v3 =	vld [tilespmem:$0xA0];
	_ =	sdelay $0x4  }
0x89: {  	v56 =	vshll.u32 v3, $0x1  }
0x8a: {  	v3 =	vand.u32 $0x7, v3;
	v4 =	vand.u32 $0xFFFFFFF0, v56  }
0x8b: {  	v3 =	vor.u32 v3, v4  }
0x8c: {  	v4 =	vperm.xlane v3, v0;
	_ =	sdelay $0x1  }
0x8d: {  	v3 =	vperm.xlane v3, v2;
	v4 =	vadd.s32 v1, v4;
	_ =	sdelay $0x1  }
0x8e: {  	v3 =	vadd.s32 v1, v3;
	_ =	sdelay $0x2  }
0x8f: {  	[tilespmem:s19], [sflag:$0x1] =	stream.indirect_vreg.gather [hbm4b:s1+s3], $0x80, v4, vm0, $0xb8;
	[tilespmem:$0x6200] =	vst v63  }
0x90: {  	_ = 	snop  }
0x91: {  	[tilespmem:s20], [sflag:$0x1] =	stream.indirect_vreg.gather [hbm4b:s1+s3], $0x80, v3, vm0, $0xb8;
	[tilespmem:$0x6200] =	vst v63  }
0x92: {  	v3 =	vld [tilespmem:$0xB0];
	_ =	sdelay $0x4  }
0x93: {  	v57 =	vshll.u32 v3, $0x1  }
0x94: {  	v3 =	vand.u32 $0x7, v3;
	v4 =	vand.u32 $0xFFFFFFF0, v57  }
0x95: {  	v3 =	vor.u32 v3, v4  }
0x96: {  	v4 =	vperm.xlane v3, v0;
	_ =	sdelay $0x1  }
0x97: {  	v3 =	vperm.xlane v3, v2;
	v4 =	vadd.s32 v1, v4;
	_ =	sdelay $0x1  }
0x98: {  	v3 =	vadd.s32 v1, v3;
	_ =	sdelay $0x2  }
0x99: {  	[tilespmem:s21], [sflag:$0x1] =	stream.indirect_vreg.gather [hbm4b:s1+s3], $0x80, v4, vm0, $0xb8;
	[tilespmem:$0x6200] =	vst v63  }
0x9a: {  	_ = 	snop  }
0x9b: {  	[tilespmem:s22], [sflag:$0x1] =	stream.indirect_vreg.gather [hbm4b:s1+s3], $0x80, v3, vm0, $0xb8;
	[tilespmem:$0x6200] =	vst v63  }
0x9c: {  	_ = 	snop  }
0x9d: {  	[tilespmem:s24], [sflag:$0x2] =	stream.indirect.gather [hbm4b:s4+s23], $0x1, s23, s23, $0xb8;
	[tilespmem:$0x6200] =	vst v63  }
0x9e: {  	_ =	swait.ge [sflag:s25], $0x6000  }
0x9f: {  	[sflag:s25] =	ssyncset.done $0x0  }
0xa0: {  	[sflag:s25] =	ssyncadd.s32 $0xFFFFA000  }
0xa1: {  	v3 =	vadd.f32 $0.0e+00, v5;
	_ =	swait.ge [sflag:s26], $0x60  }
0xa2: {  	[sflag:s26] =	ssyncset.done $0x0  }
0xa3: {  	v3 =	vadd.f32 v6, v3;
	[sflag:s26] =	ssyncadd.s32 $0xFFFFFFA0  }
0xa4: {  	[hbm4b:s7+s3] =	stream.linear.scatter [tilespmem:s11], [sflag:$0x3], $0x6000, $0x38;
	[tilespmem:$0x6200] =	vst v63  }
0xa5: {  	v3 =	vadd.f32 v7, v3;
	_ =	swait.ge [sflag:s10], $0x6000  }
0xa6: {  	[sflag:s10] =	ssyncset.done $0x0  }
0xa7: {  	v3 =	vadd.f32 v8, v3;
	[sflag:s10] =	ssyncadd.s32 $0xFFFFA000  }
0xa8: {  	v58 =	vld [tilespmem:$0x6100]  }
0xa9: {  	v3 =	vadd.f32 v9, v3  }
0xaa: {  	v59 =	vld [tilespmem:$0x6110]  }
0xab: {  	v3 =	vadd.f32 v10, v3  }
0xac: {  	v60 =	vld [tilespmem:$0x6120]  }
0xad: {  	v3 =	vadd.f32 v58, v3  }
0xae: {  	v61 =	vld [tilespmem:$0x6130]  }
0xaf: {  	v3 =	vadd.f32 v59, v3  }
0xb0: {  	v62 =	vld [tilespmem:$0x6140]  }
0xb1: {  	v3 =	vadd.f32 v60, v3  }
0xb2: {  	v63 =	vld [tilespmem:$0x6150]  }
0xb3: {  	v3 =	vadd.f32 v61, v3;
	_ =	sdelay $0x1  }
0xb4: {  	v3 =	vadd.f32 v62, v3;
	_ =	sdelay $0x1  }
0xb5: {  	v3 =	vadd.f32 v63, v3  }
0xb6: {  	p0 =	sne.s32 s9, $0x1  }
.Ltmp0:
0xb7: {  	[tilespmem:$0x6180] =	vst v3;
	(pc) =	sbr.rel @p0 .LBB2_1-.Ltmp0, $4  }
0xb8: {  	[hbm4b:s8+s3] =	stream.linear.scatter [tilespmem:s28], [sflag:$0x3], $0x80, $0x38;
	[tilespmem:$0x6200] =	vst v63  }
0xb9: {  	_ =	swait.ge [sflag:s10], $0x80  }
0xba: {  	[sflag:s10] =	ssyncset.done $0x0  }
0xbb: {  	s9 =	sadd.s32 $0xFFFFFFFF, s9;
	[sflag:s10] =	ssyncadd.s32 $0xFFFFFF80  }
0xbc: {  	_ =	sfence.sel $0x180000  }
0xbd: {  	[bflag:$0x0] =	sbarrier.arrive $0xFFFF  }
0xbe: {  	p0 =	sne.s32 s0, $0x0;
	_ =	strace $0x9000004D  }
0xbf: {  	s0 =	sadd.s32 @!p0 $0x100000, s2;
	[bflag:$0x2] =	sbarrier.arrive $0xFFFF  }
0xc0: {  	[sflag:s0] =	ssyncadd.tile.s32 @!p0 $0x1;
	_ =	shalt  }
.Lfunc_end2:
_tile_overlayer_lowered:
.L_overlay_start_2:
0xc1: {  	(tag) =	ssettag $0x2  }
0xc2: {  	s0 =	rddreg [dreg:$0x0];
	s2 =	stileid.u32  }
0xc3: {  	s1 =	rddreg [dreg:$0x1];
	p0 =	sne.s32 s2, $0x0  }
0xc4: {  	s3 =	rddreg [dreg:$0x2];
	[bflag:$0x3] =	sbarrier.arrive $0xFFFF;
	s2 =	simm.s32 @!p0 $0x1C03  }
0xc5: {  	[timem:s3], [sflag:s2] =	dma.local @!p0 [hbm:s0], s1  }
0xc6: {  	s0 =	simm.s32 @!p0 $0x3  }
0xc7: {  	_ =	swait.ge @!p0 [sflag:s0], s1  }
0xc8: {  	s1 =	ssub.s32 @!p0 $0x0, s1;
	[sflag:s0] =	ssyncset.done @!p0 $0x0  }
0xc9: {  	[sflag:s0] =	ssyncadd.s32 @!p0 s1  }
0xca: {  	[bflag:$0x3] =	sbarrier.arrive $0xFFFF  }
0xcb: {  	_ =	shalt  }

// kernel: kernel.8.cloned.1.call-start
scs
__scs_entry_jumppad:
0x0: {  	(pc) =	sbr.rel $0x88, $3  }
0x1: {  	(tag) =	ssettag $0x0;
	lr =	simm.s32 $0x1  }
0x2: {  	[smem:$0x3F9F] =	sst lr;
	_ =	strace $0xD0000000  }
0x3: {  	_ = 	snop  }
0x4: {  	_ = 	snop  }
0x5: {  	_ = 	snop  }
0x6: {  	_ = 	snop  }
0x7: {  	_ = 	snop  }
__scs_overlays_trampoline_lowered:
0x8: {  	[smem:$0x3FAE] =	sst s0  }
0x9: {  	[smem:$0x3FAF] =	sst s1  }
0xa: {  	[smem:$0x3FB0] =	sst s2  }
0xb: {  	[smem:$0x3FB1] =	sst s3  }
0xc: {  	[smem:$0x3FB2] =	sst s4  }
0xd: {  	[smem:$0x3FB3] =	sst s5  }
0xe: {  	[smem:$0x3FB4] =	sst s6  }
0xf: {  	[smem:$0x3FB5] =	sst s7  }
0x10: {  	[smem:$0x3FB6] =	sst s8  }
0x11: {  	[smem:$0x3FB7] =	sst s9;
	s0 =	simm.s32 @!p0 $0x0  }
0x12: {  	s1 =	sld [smem:$0x3F9D];
	s0 =	simm.s32 @p0 $0x1  }
0x13: {  	[smem:$0x3FB8] =	sst s0;
	s0 =	simm.s32 @!p1 $0x0  }
0x14: {  	s2 =	sld [smem:$0x3F9C];
	s0 =	simm.s32 @p1 $0x1  }
0x15: {  	[smem:$0x3FB9] =	sst s0;
	s0 =	simm.s32 @!p2 $0x0  }
0x16: {  	s3 =	sld [smem:$0x3FDB];
	s0 =	simm.s32 @p2 $0x1  }
0x17: {  	s4 =	simm.s32 $0x1BF5;
	[smem:$0x3FBB] =	sst s0  }
0x18: {  	s0 =	sld [smem:$0x3F9E];
	_ =	swait.ge [sflag:s4], $0x0  }
0x19: {  	s7 =	sld [smem:$0x3F9F]  }
0x1a: {  	s8 =	sadd.s32 $0xFFFFE003, lr  }
0x1b: {  	s9 =	sadd.s32 $0xFFFFFEF7, lr;
	s5 =	simm.s32 $0xFFFFFFFF;
	p2 =	slt.u32 s8, $0xFFFFF086  }
0x1c: {  	p1 =	slt.u32 s9, $0xF7A;
	s5 =	simm.s32 @!p2 $0x0  }
0x1d: {  	s5 =	simm.s32 @p1 $0x1;
	p0 =	seq.s32 s7, s2  }
0x1e: {  	s7 =	smul.u32 @!p0 $0xF7A, s2;
	p2 =	seq.s32 @!p0 s5, $0x0  }
0x1f: {  	s9 =	smul.u32 $0xF7A, s1;
	s8 =	simm.s32 @!p0 $0x1BF5;
	p2 =	por !p2, p0  }
0x20: {  	[sflag:s8] =	ssyncset.s32 @!p0 $0xFFFFF086;
	s6 =	sadd.s32 @!p0 s3, s7;
	s7 =	simm.s32 @!p0 $0x108  }
0x21: {  	s3 =	sadd.s32 s3, s9;
	s6 =	sadd.s32 @!p0 $0x88, s6;
	s7 =	simm.s32 @p2 $0x1082  }
0x22: {  	[simem:s7], [sflag:s8] =	dma.local @!p0 [hbm:s6], $0xF7A  }
0x23: {  	s9 =	sor.u32 $0xD0000000, s2;
	s6 =	simm.s32 $0x108;
	_ =	swait.ge @!p0 [sflag:s8], $0x0  }
0x24: {  	s3 =	sadd.s32 $0x88, s3;
	s6 =	simm.s32 @!p1 $0x1082;
	[sflag:s4] =	ssyncset.s32 $0xFFFFF086  }
0x25: {  	[simem:s6], [sflag:s4] =	dma.local [hbm:s3], $0xF7A  }
0x26: {  	[smem:$0x3F9F] =	sst s1;
	(tag) =	ssettag s2;
	_ =	strace s9  }
0x27: {  	s1 =	sld [smem:$0x3FAF]  }
0x28: {  	s2 =	sld [smem:$0x3FB0]  }
0x29: {  	s4 =	sld [smem:$0x3FB2]  }
0x2a: {  	p0 =	seq.s32 s5, $0x0;
	s5 =	sld [smem:$0x3FB3]  }
0x2b: {  	s6 =	sld [smem:$0x3FB4]  }
0x2c: {  	s7 =	sld [smem:$0x3FB5]  }
0x2d: {  	s3 =	simm.s32 $0x108;
	s8 =	sld [smem:$0x3FB6]  }
0x2e: {  	s3 =	simm.s32 @!p0 $0x1082;
	s9 =	sld [smem:$0x3FB7]  }
0x2f: {  	lr =	sadd.s32 s0, s3;
	s0 =	sld [smem:$0x3FAE]  }
0x30: {  	s3 =	sld [smem:$0x3FB1]  }
0x31: {  	[smem:$0x3FBA] =	sst s10  }
0x32: {  	s10 =	sld [smem:$0x3FB8];
	_ =	sdelay $0x3  }
0x33: {  	p0 =	seq.s32 s10, $0x1;
	s10 =	sld [smem:$0x3FBA];
	_ =	sdelay $0x3  }
0x34: {  	[smem:$0x3FBA] =	sst s10  }
0x35: {  	s10 =	sld [smem:$0x3FB9];
	_ =	sdelay $0x3  }
0x36: {  	p1 =	seq.s32 s10, $0x1;
	s10 =	sld [smem:$0x3FBA];
	_ =	sdelay $0x3  }
0x37: {  	[smem:$0x3FBA] =	sst s10  }
0x38: {  	s10 =	sld [smem:$0x3FBB]  }
0x39: {  	_ = 	snop;
	(pc) =	sbr.ind lr, $3  }
0x3a: {  	_ = 	snop  }
0x3b: {  	_ = 	snop  }
0x3c: {  	p2 =	seq.s32 s10, $0x1;
	s10 =	sld [smem:$0x3FBA]  }
0x3d: {  	_ =	shalt  }
0x3e: {  	_ =	shalt  }
0x3f: {  	_ =	shalt  }
0x40: {  	_ =	shalt  }
0x41: {  	_ =	shalt  }
0x42: {  	_ =	shalt  }
0x43: {  	_ =	shalt  }
0x44: {  	_ =	shalt  }
0x45: {  	_ =	shalt  }
0x46: {  	_ =	shalt  }
0x47: {  	_ =	shalt  }
0x48: {  	_ =	shalt  }
0x49: {  	_ =	shalt  }
0x4a: {  	_ =	shalt  }
0x4b: {  	_ =	shalt  }
0x4c: {  	_ =	shalt  }
0x4d: {  	_ =	shalt  }
0x4e: {  	_ =	shalt  }
0x4f: {  	_ =	shalt  }
0x50: {  	_ =	shalt  }
0x51: {  	_ =	shalt  }
0x52: {  	_ =	shalt  }
0x53: {  	_ =	shalt  }
0x54: {  	_ =	shalt  }
0x55: {  	_ =	shalt  }
0x56: {  	_ =	shalt  }
0x57: {  	_ =	shalt  }
0x58: {  	_ =	shalt  }
0x59: {  	_ =	shalt  }
0x5a: {  	_ =	shalt  }
0x5b: {  	_ =	shalt  }
0x5c: {  	_ =	shalt  }
0x5d: {  	_ =	shalt  }
0x5e: {  	_ =	shalt  }
0x5f: {  	_ =	shalt  }
0x60: {  	_ =	shalt  }
0x61: {  	_ =	shalt  }
0x62: {  	_ =	shalt  }
0x63: {  	_ =	shalt  }
0x64: {  	_ =	shalt  }
0x65: {  	_ =	shalt  }
0x66: {  	_ =	shalt  }
0x67: {  	_ =	shalt  }
0x68: {  	_ =	shalt  }
0x69: {  	_ =	shalt  }
0x6a: {  	_ =	shalt  }
0x6b: {  	_ =	shalt  }
0x6c: {  	_ =	shalt  }
0x6d: {  	_ =	shalt  }
0x6e: {  	_ =	shalt  }
0x6f: {  	_ =	shalt  }
0x70: {  	_ =	shalt  }
0x71: {  	_ =	shalt  }
0x72: {  	_ =	shalt  }
0x73: {  	_ =	shalt  }
0x74: {  	_ =	shalt  }
0x75: {  	_ =	shalt  }
0x76: {  	_ =	shalt  }
0x77: {  	_ =	shalt  }
0x78: {  	_ =	shalt  }
0x79: {  	_ =	shalt  }
0x7a: {  	_ =	shalt  }
0x7b: {  	_ =	shalt  }
0x7c: {  	_ =	shalt  }
0x7d: {  	_ =	shalt  }
0x7e: {  	_ =	shalt  }
0x7f: {  	_ =	shalt  }
0x80: {  	_ =	shalt  }
0x81: {  	_ =	shalt  }
0x82: {  	_ =	shalt  }
0x83: {  	_ =	shalt  }
0x84: {  	_ =	shalt  }
0x85: {  	_ =	shalt  }
0x86: {  	_ =	shalt  }
0x87: {  	_ =	shalt  }
.Lfunc_end0:
.L_simem_size_0:
called_computation_lowered:
.L_overlay_start_0:
0x88: {  	s2 =	sld [smem:$0x3FD9]  }
0x89: {  	s3 =	sld [smem:$0x3FFE];
	_ =	sdelay $0x1  }
0x8a: {  	s1 =	srdreg.scid  }
0x8b: {  	s0 =	sand.u32 $0x1, s1  }
0x8c: {  	s14 =	sshll.u32 s0, $0xA;
	s2 =	sadd.s32 s3, s2  }
0x8d: {  	s2 =	sadd.s32 s2, s14  }
0x8e: {  	[smem:$0x3FC6] =	sst s2  }
0x8f: {  	_ = 	snop  }
0x90: {  	s2 =	sld [smem:$0x3FD0];
	_ =	sdelay $0x2  }
0x91: {  	s4 =	simm.s32 $0xA;
	s5 =	simm.s32 $0x10;
	s15 =	sld [smem:$0x3FC8]  }
0x92: {  	[smem:s5], [sflag:s4] =	dma.local [hbm:s2], $0x1  }
0x93: {  	_ =	swait.eq [sflag:s4], $0x1  }
0x94: {  	[sflag:s4] =	ssyncset.done $0x0  }
0x95: {  	[sflag:s4] =	ssyncadd.s32 $0xFFFFFFFF  }
0x96: {  	s16 =	sld [smem:$0x10];
	(tm) =	ssettm $0x1  }
0x97: {  	s17 =	sld [smem:$0x3FFB];
	_ =	sdelay $0x3  }
0x98: {  	_ =	strace s17  }
0x99: {  	s4 =	sld [smem:$0x3FFC];
	_ =	sdelay $0x3  }
0x9a: {  	_ =	strace s4  }
0x9b: {  	s4 =	sld [smem:$0x3FFD];
	_ =	sdelay $0x3  }
0x9c: {  	_ =	strace s4  }
0x9d: {  	_ =	strace $0x8FFFFFFF  }
0x9e: {  	s18 =	sld [smem:$0x3FDB];
	_ =	sdelay $0x1  }
0x9f: {  	s19 =	simm.s32 $_scs_section_size  }
0xa0: {  	s6 =	simm.s32 $_size__tile_overlayer_lowered;
	s7 =	simm.s32 $_tile_overlayer_lowered  }
0xa1: {  	s22 =	simm.s32 $0x1BFF;
	s21 =	sshll.u32 s7, $0x1;
	s4 =	sadd.s32 s19, s18  }
0xa2: {  	s8 =	simm.s32 $0x0;
	s20 =	sshll.u32 s6, $0x1;
	s6 =	sadd.s32 s21, s4  }
0xa3: {  	[timem:s8], [sflag:s22] =	dma.local [hbm:s6], s20  }
0xa4: {  	_ =	swait.ge [sflag:s22], s20  }
0xa5: {  	s5 =	ssub.s32 $0x0, s20;
	[sflag:s22] =	ssyncset.done $0x0  }
0xa6: {  	[sflag:s22] =	ssyncadd.s32 s5;
	_ =	sdelay $0x1  }
0xa7: {  	s23 =	simm.s32 $0x1B8B  }
0xa8: {  	_ =	swait.ge [sflag:s23], $0x1  }
0xa9: {  	[sflag:s23] =	ssyncset.done $0x0  }
0xaa: {  	s25 =	simm.s32 $0x1B8E;
	s24 =	sld [smem:$0x3FFE];
	[sflag:s23] =	ssyncadd.s32 $0xFFFFFFFF  }
0xab: {  	s26 =	simm.s32 $execute0_lowered;
	[smem:$0x3FD2] =	sst s25  }
0xac: {  	s6 =	sshll.u32 s26, $0x1;
	_ =	strace $0x80000046;
	[dreg:$0x1] =	wrdreg $0xFFFFFFFF  }
0xad: {  	s28 =	simm.s32 $_size_execute0_lowered;
	s4 =	sadd.s32 s4, s6;
	[dreg:$0x0] =	wrdreg $0x0  }
0xae: {  	s6 =	sshll.u32 s28, $0x1;
	[dreg:$0x2] =	wrdreg s4  }
0xaf: {  	[dreg:$0x3] =	wrdreg s6  }
0xb0: {  	[dreg:$0x4] =	wrdreg $0xC0  }
0xb1: {  	_ =	task [dreg:s8], $0x5FFFF  }
0xb2: {  	[dreg:$0x1] =	wrdreg $0xFFFFFFFF  }
0xb3: {  	[dreg:$0x0] =	wrdreg $0x60  }
0xb4: {  	[dreg:$0x2] =	wrdreg s15  }
0xb5: {  	[dreg:$0x3] =	wrdreg s24  }
0xb6: {  	[dreg:$0x4] =	wrdreg s16  }
0xb7: {  	[dreg:$0x5] =	wrdreg $0x9  }
0xb8: {  	_ =	task.clear_ibuf [dreg:s8], $0x6FFFF;
	_ =	strace $0x90000046  }
0xb9: {  	s29 =	simm.s32 $0x9;
	_ =	strace $0x80000048  }
0xba: {  	_ =	swait.ge [sflag:s29], $0x1  }
0xbb: {  	[sflag:s29] =	ssyncadd.s32 $0xFFFFFFFF  }
0xbc: {  	_ =	strace $0x90000048  }
0xbd: {  	_ =	sfence  }
0xbe: {  	s30 =	sld [smem:$0x0];
	_ =	sdelay $0x2  }
0xbf: {  	s31 =	sshll.u32 s1, $0xD;
	s1 =	sshrl.u32 s1, $0x2  }
0xc0: {  	s3 =	sand.u32 $0x4000, s31;
	s1 =	sadd.s32 s1, s30  }
0xc1: {  	s0 =	sor.u32 s3, s0;
	s1 =	sshll.u32 s1, $0x11  }
0xc2: {  	s0 =	sor.u32 s1, s0  }
0xc3: {  	s0 =	sadd.s32 $0x8F2B, s0  }
0xc4: {  	[sflag:s0] =	ssyncadd.remote.s32 $0x1  }
0xc5: {  	_ =	sfence.sel $0xFFFF  }
0xc6: {  	[dreg:$0x0] =	wrdreg $0xFFFFFFFF;
	(pc) =	sbr.abs _section_cstart, $3  }
0xc7: {  	[dreg:$0x1] =	wrdreg $0xFFFFFFFF  }
0xc8: {  	_ =	task.clear_ibuf [dreg:s8], $0x2FFFF;
	_ =	strace $0x9FFFFFFF  }
0xc9: {  	(tm) =	ssettm $0x7FFFFFFF  }
tec
execute0_lowered:
.L_overlay_start_1:
0x0: {  	(tag) =	ssettag $0x1  }
0x1: {  	s1 =	rddreg [dreg:$0x0]  }
0x2: {  	s2 =	srdreg.scid;
	s5 =	rddreg [dreg:$0x1]  }
0x3: {  	s0 =	stileid.u32;
	s7 =	rddreg [dreg:$0x2]  }
0x4: {  	s3 =	simm.s32 $0x0;
	s13 =	simm.s32 $0x1100;
	s14 =	simm.s32 $0x1900  }
0x5: {  	s15 =	simm.s32 $0x2100;
	s16 =	simm.s32 $0x2900;
	s17 =	simm.s32 $0x3100  }
0x6: {  	s18 =	simm.s32 $0x3900;
	s19 =	simm.s32 $0x4100;
	s20 =	simm.s32 $0x4900  }
0x7: {  	s21 =	simm.s32 $0x5100;
	s22 =	simm.s32 $0x5900;
	s23 =	simm.s32 $0x60  }
0x8: {  	s24 =	simm.s32 $0x6100;
	s25 =	simm.s32 $0x1;
	s26 =	simm.s32 $0x2  }
0x9: {  	s6 =	sand.u32 $0x1, s2;
	s31 =	sshll.u32 s0, $0x1;
	s2 =	rddreg [dreg:$0x3]  }
0xa: {  	s28 =	simm.s32 $0x6180;
	[smem:$0x7FF] =	sst s3;
	s8 =	sor.u32 s6, s31  }
0xb: {  	_ =	strace $0x80000047;
	s6 =	ssub.s32 $0x2, s6;
	s4 =	smul.u32 $0x18, s8  }
0xc: {  	s10 =	smul.u32 $0xC000, s8;
	s11 =	sshll.u32 s8, $0x4;
	s12 =	sshrl.u32 s6, $0x1  }
0xd: {  	s8 =	smul.u32 $0x1800, s8;
	s11 =	sadd.s32 s11, s5;
	s12 =	ssub.s32 s6, s12  }
0xe: {  	s9 =	sadd.s32 s4, s5;
	s4 =	sadd.s32 $0x3000, s5;
	s10 =	sshrl.u32 s10, $0x3  }
0xf: {  	v2 =	vlaneseq.u32;
	s6 =	sadd.s32 s7, s8;
	s8 =	sadd.s32 $0x3200, s11;
	s11 =	simm.s32 $0x100  }
0x10: {  	vm0 =	vmmov $0xffff;
	v1 =	vshrl.u32 v2, $0x3;
	s5 =	sadd.s32 $0x2C00, s9;
	s7 =	sadd.s32 s7, s10;
	s9 =	smax.u32 s12, $0x1  }
0x11: {  	v0 =	vand.u32 $0x7, v2;
	v2 =	vor.u32 $0x8, v2;
	v1 =	vmul.u32 $0x8, v1;
	s10 =	simm.s32 $0x3;
	s12 =	simm.s32 $0x900;
	s7 =	sadd.s32 $0xC00, s7  }
.LBB2_1:
0x12: {  	[tilespmem:s3], [sflag:$0x3] =	stream.linear.gather [hbm4b:s5+s3], $0xC0, $0x38;
	[tilespmem:$0x6200] =	vst v63  }
0x13: {  	_ =	swait.ge [sflag:s10], $0xC0  }
0x14: {  	[sflag:s10] =	ssyncset.done $0x0  }
0x15: {  	[sflag:s10] =	ssyncadd.s32 $0xFFFFFF40  }
0x16: {  	v3 =	vld [tilespmem:$0x0];
	_ =	sdelay $0x4  }
0x17: {  	v4 =	vshll.u32 v3, $0x1  }
0x18: {  	v3 =	vand.u32 $0x7, v3;
	v4 =	vand.u32 $0xFFFFFFF0, v4  }
0x19: {  	v3 =	vor.u32 v3, v4  }
0x1a: {  	v4 =	vperm.xlane v3, v0;
	_ =	sdelay $0x1  }
0x1b: {  	v3 =	vperm.xlane v3, v2;
	v4 =	vadd.s32 v1, v4;
	_ =	sdelay $0x1  }
0x1c: {  	v3 =	vadd.s32 v1, v3;
	_ =	sdelay $0x2  }
0x1d: {  	[tilespmem:s11], [sflag:$0x1] =	stream.indirect_vreg.gather [hbm4b:s1+s3], $0x80, v4, vm0, $0xb8;
	[tilespmem:$0x6200] =	vst v63  }
0x1e: {  	_ = 	snop  }
0x1f: {  	[tilespmem:s12], [sflag:$0x1] =	stream.indirect_vreg.gather [hbm4b:s1+s3], $0x80, v3, vm0, $0xb8;
	[tilespmem:$0x6200] =	vst v63  }
0x20: {  	v3 =	vld [tilespmem:$0x10];
	_ =	sdelay $0x4  }
0x21: {  	v47 =	vshll.u32 v3, $0x1  }
0x22: {  	v3 =	vand.u32 $0x7, v3;
	v4 =	vand.u32 $0xFFFFFFF0, v47  }
0x23: {  	v3 =	vor.u32 v3, v4  }
0x24: {  	v4 =	vperm.xlane v3, v0;
	_ =	sdelay $0x1  }
0x25: {  	v3 =	vperm.xlane v3, v2;
	v4 =	vadd.s32 v1, v4;
	_ =	sdelay $0x1  }
0x26: {  	v3 =	vadd.s32 v1, v3;
	_ =	sdelay $0x2  }
0x27: {  	[tilespmem:s13], [sflag:$0x1] =	stream.indirect_vreg.gather [hbm4b:s1+s3], $0x80, v4, vm0, $0xb8;
	[tilespmem:$0x6200] =	vst v63  }
0x28: {  	_ = 	snop  }
0x29: {  	[tilespmem:s14], [sflag:$0x1] =	stream.indirect_vreg.gather [hbm4b:s1+s3], $0x80, v3, vm0, $0xb8;
	[tilespmem:$0x6200] =	vst v63  }
0x2a: {  	v3 =	vld [tilespmem:$0x20];
	_ =	sdelay $0x4  }
0x2b: {  	v48 =	vshll.u32 v3, $0x1  }
0x2c: {  	v3 =	vand.u32 $0x7, v3;
	v4 =	vand.u32 $0xFFFFFFF0, v48  }
0x2d: {  	v3 =	vor.u32 v3, v4  }
0x2e: {  	v4 =	vperm.xlane v3, v0;
	_ =	sdelay $0x1  }
0x2f: {  	v3 =	vperm.xlane v3, v2;
	v4 =	vadd.s32 v1, v4;
	_ =	sdelay $0x1  }
0x30: {  	v3 =	vadd.s32 v1, v3;
	_ =	sdelay $0x2  }
0x31: {  	[tilespmem:s15], [sflag:$0x1] =	stream.indirect_vreg.gather [hbm4b:s1+s3], $0x80, v4, vm0, $0xb8;
	[tilespmem:$0x6200] =	vst v63  }
0x32: {  	_ = 	snop  }
0x33: {  	[tilespmem:s16], [sflag:$0x1] =	stream.indirect_vreg.gather [hbm4b:s1+s3], $0x80, v3, vm0, $0xb8;
	[tilespmem:$0x6200] =	vst v63  }
0x34: {  	v3 =	vld [tilespmem:$0x30];
	_ =	sdelay $0x4  }
0x35: {  	v49 =	vshll.u32 v3, $0x1  }
0x36: {  	v3 =	vand.u32 $0x7, v3;
	v4 =	vand.u32 $0xFFFFFFF0, v49  }
0x37: {  	v3 =	vor.u32 v3, v4  }
0x38: {  	v4 =	vperm.xlane v3, v0;
	_ =	sdelay $0x1  }
0x39: {  	v3 =	vperm.xlane v3, v2;
	v4 =	vadd.s32 v1, v4;
	_ =	sdelay $0x1  }
0x3a: {  	v3 =	vadd.s32 v1, v3;
	_ =	sdelay $0x2  }
0x3b: {  	[tilespmem:s17], [sflag:$0x1] =	stream.indirect_vreg.gather [hbm4b:s1+s3], $0x80, v4, vm0, $0xb8;
	[tilespmem:$0x6200] =	vst v63  }
0x3c: {  	_ = 	snop  }
0x3d: {  	[tilespmem:s18], [sflag:$0x1] =	stream.indirect_vreg.gather [hbm4b:s1+s3], $0x80, v3, vm0, $0xb8;
	[tilespmem:$0x6200] =	vst v63  }
0x3e: {  	v3 =	vld [tilespmem:$0x40];
	_ =	sdelay $0x4  }
0x3f: {  	v50 =	vshll.u32 v3, $0x1  }
0x40: {  	v3 =	vand.u32 $0x7, v3;
	v4 =	vand.u32 $0xFFFFFFF0, v50  }
0x41: {  	v3 =	vor.u32 v3, v4  }
0x42: {  	v4 =	vperm.xlane v3, v0;
	_ =	sdelay $0x1  }
0x43: {  	v3 =	vperm.xlane v3, v2;
	v4 =	vadd.s32 v1, v4;
	_ =	sdelay $0x1  }
0x44: {  	v3 =	vadd.s32 v1, v3;
	_ =	sdelay $0x2  }
0x45: {  	[tilespmem:s19], [sflag:$0x1] =	stream.indirect_vreg.gather [hbm4b:s1+s3], $0x80, v4, vm0, $0xb8;
	[tilespmem:$0x6200] =	vst v63  }
0x46: {  	_ = 	snop  }
0x47: {  	[tilespmem:s20], [sflag:$0x1] =	stream.indirect_vreg.gather [hbm4b:s1+s3], $0x80, v3, vm0, $0xb8;
	[tilespmem:$0x6200] =	vst v63  }
0x48: {  	v3 =	vld [tilespmem:$0x50];
	_ =	sdelay $0x4  }
0x49: {  	v51 =	vshll.u32 v3, $0x1  }
0x4a: {  	v3 =	vand.u32 $0x7, v3;
	v4 =	vand.u32 $0xFFFFFFF0, v51  }
0x4b: {  	v3 =	vor.u32 v3, v4  }
0x4c: {  	v4 =	vperm.xlane v3, v0;
	_ =	sdelay $0x1  }
0x4d: {  	v3 =	vperm.xlane v3, v2;
	v4 =	vadd.s32 v1, v4;
	_ =	sdelay $0x1  }
0x4e: {  	v3 =	vadd.s32 v1, v3;
	_ =	sdelay $0x2  }
0x4f: {  	[tilespmem:s21], [sflag:$0x1] =	stream.indirect_vreg.gather [hbm4b:s1+s3], $0x80, v4, vm0, $0xb8;
	[tilespmem:$0x6200] =	vst v63  }
0x50: {  	_ = 	snop  }
0x51: {  	[tilespmem:s22], [sflag:$0x1] =	stream.indirect_vreg.gather [hbm4b:s1+s3], $0x80, v3, vm0, $0xb8;
	[tilespmem:$0x6200] =	vst v63  }
0x52: {  	_ = 	snop  }
0x53: {  	[tilespmem:s24], [sflag:$0x2] =	stream.indirect.gather [hbm4b:s4+s23], $0x1, s3, s23, $0xb8;
	[tilespmem:$0x6200] =	vst v63  }
0x54: {  	_ =	swait.ge [sflag:s25], $0x6000  }
0x55: {  	[sflag:s25] =	ssyncset.done $0x0  }
0x56: {  	[sflag:s25] =	ssyncadd.s32 $0xFFFFA000  }
0x57: {  	_ =	swait.ge [sflag:s26], $0x60  }
0x58: {  	[sflag:s26] =	ssyncset.done $0x0  }
0x59: {  	[sflag:s26] =	ssyncadd.s32 $0xFFFFFFA0  }
0x5a: {  	[hbm4b:s6+s3] =	stream.linear.scatter [tilespmem:s11], [sflag:$0x3], $0x6000, $0x38;
	[tilespmem:$0x6200] =	vst v63  }
0x5b: {  	_ =	swait.ge [sflag:s10], $0x6000  }
0x5c: {  	[sflag:s10] =	ssyncset.done $0x0  }
0x5d: {  	[sflag:s10] =	ssyncadd.s32 $0xFFFFA000  }
0x5e: {  	v3 =	vld [tilespmem:$0x60];
	_ =	sdelay $0x4  }
0x5f: {  	v52 =	vshll.u32 v3, $0x1  }
0x60: {  	v3 =	vand.u32 $0x7, v3;
	v4 =	vand.u32 $0xFFFFFFF0, v52  }
0x61: {  	v3 =	vor.u32 v3, v4  }
0x62: {  	v4 =	vperm.xlane v3, v0;
	_ =	sdelay $0x1  }
0x63: {  	v5 =	vld [tilespmem:$0x6100];
	v3 =	vperm.xlane v3, v2;
	v4 =	vadd.s32 v1, v4  }
0x64: {  	v6 =	vld [tilespmem:$0x6110]  }
0x65: {  	v7 =	vld [tilespmem:$0x6120];
	v3 =	vadd.s32 v1, v3  }
0x66: {  	v8 =	vld [tilespmem:$0x6130]  }
0x67: {  	v9 =	vld [tilespmem:$0x6140]  }
0x68: {  	v10 =	vld [tilespmem:$0x6150];
	[tilespmem:s11], [sflag:$0x1] =	stream.indirect_vreg.gather [hbm4b:s1+s3], $0x80, v4, vm0, $0xb8  }
0x69: {  	_ = 	snop  }
0x6a: {  	[tilespmem:s12], [sflag:$0x1] =	stream.indirect_vreg.gather [hbm4b:s1+s3], $0x80, v3, vm0, $0xb8;
	[tilespmem:$0x6200] =	vst v63  }
0x6b: {  	v3 =	vld [tilespmem:$0x70];
	_ =	sdelay $0x4  }
0x6c: {  	v53 =	vshll.u32 v3, $0x1  }
0x6d: {  	v3 =	vand.u32 $0x7, v3;
	v4 =	vand.u32 $0xFFFFFFF0, v53  }
0x6e: {  	v3 =	vor.u32 v3, v4  }
0x6f: {  	v4 =	vperm.xlane v3, v0;
	_ =	sdelay $0x1  }
0x70: {  	v3 =	vperm.xlane v3, v2;
	v4 =	vadd.s32 v1, v4;
	_ =	sdelay $0x1  }
0x71: {  	v3 =	vadd.s32 v1, v3;
	_ =	sdelay $0x2  }
0x72: {  	[tilespmem:s13], [sflag:$0x1] =	stream.indirect_vreg.gather [hbm4b:s1+s3], $0x80, v4, vm0, $0xb8;
	[tilespmem:$0x6200] =	vst v63  }
0x73: {  	_ = 	snop  }
0x74: {  	[tilespmem:s14], [sflag:$0x1] =	stream.indirect_vreg.gather [hbm4b:s1+s3], $0x80, v3, vm0, $0xb8;
	[tilespmem:$0x6200] =	vst v63  }
0x75: {  	v3 =	vld [tilespmem:$0x80];
	_ =	sdelay $0x4  }
0x76: {  	v54 =	vshll.u32 v3, $0x1  }
0x77: {  	v3 =	vand.u32 $0x7, v3;
	v4 =	vand.u32 $0xFFFFFFF0, v54  }
0x78: {  	v3 =	vor.u32 v3, v4  }
0x79: {  	v4 =	vperm.xlane v3, v0;
	_ =	sdelay $0x1  }
0x7a: {  	v3 =	vperm.xlane v3, v2;
	v4 =	vadd.s32 v1, v4;
	_ =	sdelay $0x1  }
0x7b: {  	v3 =	vadd.s32 v1, v3;
	_ =	sdelay $0x2  }
0x7c: {  	[tilespmem:s15], [sflag:$0x1] =	stream.indirect_vreg.gather [hbm4b:s1+s3], $0x80, v4, vm0, $0xb8;
	[tilespmem:$0x6200] =	vst v63  }
0x7d: {  	_ = 	snop  }
0x7e: {  	[tilespmem:s16], [sflag:$0x1] =	stream.indirect_vreg.gather [hbm4b:s1+s3], $0x80, v3, vm0, $0xb8;
	[tilespmem:$0x6200] =	vst v63  }
0x7f: {  	v3 =	vld [tilespmem:$0x90];
	_ =	sdelay $0x4  }
0x80: {  	v55 =	vshll.u32 v3, $0x1  }
0x81: {  	v3 =	vand.u32 $0x7, v3;
	v4 =	vand.u32 $0xFFFFFFF0, v55  }
0x82: {  	v3 =	vor.u32 v3, v4  }
0x83: {  	v4 =	vperm.xlane v3, v0;
	_ =	sdelay $0x1  }
0x84: {  	v3 =	vperm.xlane v3, v2;
	v4 =	vadd.s32 v1, v4;
	_ =	sdelay $0x1  }
0x85: {  	v3 =	vadd.s32 v1, v3;
	_ =	sdelay $0x2  }
0x86: {  	[tilespmem:s17], [sflag:$0x1] =	stream.indirect_vreg.gather [hbm4b:s1+s3], $0x80, v4, vm0, $0xb8;
	[tilespmem:$0x6200] =	vst v63  }
0x87: {  	_ = 	snop  }
0x88: {  	[tilespmem:s18], [sflag:$0x1] =	stream.indirect_vreg.gather [hbm4b:s1+s3], $0x80, v3, vm0, $0xb8;
	[tilespmem:$0x6200] =	vst v63  }
0x89: {  	v3 =	vld [tilespmem:$0xA0];
	_ =	sdelay $0x4  }
0x8a: {  	v56 =	vshll.u32 v3, $0x1  }
0x8b: {  	v3 =	vand.u32 $0x7, v3;
	v4 =	vand.u32 $0xFFFFFFF0, v56  }
0x8c: {  	v3 =	vor.u32 v3, v4  }
0x8d: {  	v4 =	vperm.xlane v3, v0;
	_ =	sdelay $0x1  }
0x8e: {  	v3 =	vperm.xlane v3, v2;
	v4 =	vadd.s32 v1, v4;
	_ =	sdelay $0x1  }
0x8f: {  	v3 =	vadd.s32 v1, v3;
	_ =	sdelay $0x2  }
0x90: {  	[tilespmem:s19], [sflag:$0x1] =	stream.indirect_vreg.gather [hbm4b:s1+s3], $0x80, v4, vm0, $0xb8;
	[tilespmem:$0x6200] =	vst v63  }
0x91: {  	_ = 	snop  }
0x92: {  	[tilespmem:s20], [sflag:$0x1] =	stream.indirect_vreg.gather [hbm4b:s1+s3], $0x80, v3, vm0, $0xb8;
	[tilespmem:$0x6200] =	vst v63  }
0x93: {  	v3 =	vld [tilespmem:$0xB0];
	_ =	sdelay $0x4  }
0x94: {  	v57 =	vshll.u32 v3, $0x1  }
0x95: {  	v3 =	vand.u32 $0x7, v3;
	v4 =	vand.u32 $0xFFFFFFF0, v57  }
0x96: {  	v3 =	vor.u32 v3, v4  }
0x97: {  	v4 =	vperm.xlane v3, v0;
	_ =	sdelay $0x1  }
0x98: {  	v3 =	vperm.xlane v3, v2;
	v4 =	vadd.s32 v1, v4;
	_ =	sdelay $0x1  }
0x99: {  	v3 =	vadd.s32 v1, v3;
	_ =	sdelay $0x2  }
0x9a: {  	[tilespmem:s21], [sflag:$0x1] =	stream.indirect_vreg.gather [hbm4b:s1+s3], $0x80, v4, vm0, $0xb8;
	[tilespmem:$0x6200] =	vst v63  }
0x9b: {  	_ = 	snop  }
0x9c: {  	[tilespmem:s22], [sflag:$0x1] =	stream.indirect_vreg.gather [hbm4b:s1+s3], $0x80, v3, vm0, $0xb8;
	[tilespmem:$0x6200] =	vst v63  }
0x9d: {  	_ = 	snop  }
0x9e: {  	[tilespmem:s24], [sflag:$0x2] =	stream.indirect.gather [hbm4b:s4+s23], $0x1, s23, s23, $0xb8;
	[tilespmem:$0x6200] =	vst v63  }
0x9f: {  	_ =	swait.ge [sflag:s25], $0x6000  }
0xa0: {  	[sflag:s25] =	ssyncset.done $0x0  }
0xa1: {  	[sflag:s25] =	ssyncadd.s32 $0xFFFFA000  }
0xa2: {  	v3 =	vadd.f32 $0.0e+00, v5;
	_ =	swait.ge [sflag:s26], $0x60  }
0xa3: {  	[sflag:s26] =	ssyncset.done $0x0  }
0xa4: {  	v3 =	vadd.f32 v6, v3;
	[sflag:s26] =	ssyncadd.s32 $0xFFFFFFA0  }
0xa5: {  	[hbm4b:s7+s3] =	stream.linear.scatter [tilespmem:s11], [sflag:$0x3], $0x6000, $0x38;
	[tilespmem:$0x6200] =	vst v63  }
0xa6: {  	v3 =	vadd.f32 v7, v3;
	_ =	swait.ge [sflag:s10], $0x6000  }
0xa7: {  	[sflag:s10] =	ssyncset.done $0x0  }
0xa8: {  	v3 =	vadd.f32 v8, v3;
	[sflag:s10] =	ssyncadd.s32 $0xFFFFA000  }
0xa9: {  	v58 =	vld [tilespmem:$0x6100]  }
0xaa: {  	v3 =	vadd.f32 v9, v3  }
0xab: {  	v59 =	vld [tilespmem:$0x6110]  }
0xac: {  	v3 =	vadd.f32 v10, v3  }
0xad: {  	v60 =	vld [tilespmem:$0x6120]  }
0xae: {  	v3 =	vadd.f32 v58, v3  }
0xaf: {  	v61 =	vld [tilespmem:$0x6130]  }
0xb0: {  	v3 =	vadd.f32 v59, v3  }
0xb1: {  	v62 =	vld [tilespmem:$0x6140]  }
0xb2: {  	v3 =	vadd.f32 v60, v3  }
0xb3: {  	v63 =	vld [tilespmem:$0x6150]  }
0xb4: {  	v3 =	vadd.f32 v61, v3;
	_ =	sdelay $0x1  }
0xb5: {  	v3 =	vadd.f32 v62, v3;
	_ =	sdelay $0x1  }
0xb6: {  	v3 =	vadd.f32 v63, v3  }
0xb7: {  	p0 =	sne.s32 s9, $0x1  }
.Ltmp0:
0xb8: {  	[tilespmem:$0x6180] =	vst v3;
	(pc) =	sbr.rel @p0 .LBB2_1-.Ltmp0, $4  }
0xb9: {  	[hbm4b:s8+s3] =	stream.linear.scatter [tilespmem:s28], [sflag:$0x3], $0x80, $0x38;
	[tilespmem:$0x6200] =	vst v63  }
0xba: {  	_ =	swait.ge [sflag:s10], $0x80  }
0xbb: {  	[sflag:s10] =	ssyncset.done $0x0  }
0xbc: {  	s9 =	sadd.s32 $0xFFFFFFFF, s9;
	[sflag:s10] =	ssyncadd.s32 $0xFFFFFF80  }
0xbd: {  	_ =	sfence.sel $0x180000  }
0xbe: {  	[bflag:$0x0] =	sbarrier.arrive $0xFFFF  }
0xbf: {  	p0 =	sne.s32 s0, $0x0;
	_ =	strace $0x90000047  }
0xc0: {  	s0 =	sadd.s32 @!p0 $0x100000, s2;
	[bflag:$0x2] =	sbarrier.arrive $0xFFFF  }
0xc1: {  	[sflag:s0] =	ssyncadd.tile.s32 @!p0 $0x1;
	_ =	shalt  }
.Lfunc_end2:
_tile_overlayer_lowered:
.L_overlay_start_2:
0xc2: {  	(tag) =	ssettag $0x2  }
0xc3: {  	s0 =	rddreg [dreg:$0x0];
	s2 =	stileid.u32  }
0xc4: {  	s1 =	rddreg [dreg:$0x1];
	p0 =	sne.s32 s2, $0x0  }
0xc5: {  	s3 =	rddreg [dreg:$0x2];
	[bflag:$0x3] =	sbarrier.arrive $0xFFFF;
	s2 =	simm.s32 @!p0 $0x1C03  }
0xc6: {  	[timem:s3], [sflag:s2] =	dma.local @!p0 [hbm:s0], s1  }
0xc7: {  	s0 =	simm.s32 @!p0 $0x3  }
0xc8: {  	_ =	swait.ge @!p0 [sflag:s0], s1  }
0xc9: {  	s1 =	ssub.s32 @!p0 $0x0, s1;
	[sflag:s0] =	ssyncset.done @!p0 $0x0  }
0xca: {  	[sflag:s0] =	ssyncadd.s32 @!p0 s1  }
0xcb: {  	[bflag:$0x3] =	sbarrier.arrive $0xFFFF  }
0xcc: {  	_ =	shalt  }

</sc_bundles>
